<compile_context>
chip_gen: v7x
topology: tpu7x:2x2x1
jax: 0.10.2.dev20260603
libtpu: 0.0.44.dev20260713+nightly
codegen_flags: <defaults>
</compile_context>

<pallas_src>
import functools

import jax
import jax.numpy as jnp
from jax import lax
from jax.experimental import pallas as pl
from jax.experimental.pallas import tpu as pltpu
from jax.experimental.pallas import tpu_sc as plsc

N = 50000
E = 800000
LAT = 64
HALF = 32
HID = 128
MAX_LV = 3

NC = 2
NS = 16
EPT = E // NS
CHUNK = 200
NCHUNK = EPT // CHUNK
NPAD = 50176
RPT = NPAD // NS
ZR = 196
NZ = RPT // ZR

ROWB = 1000
NB = N // ROWB



def _sc_segment_sum():
    mesh = plsc.VectorSubcoreMesh(core_axis_name="c", subcore_axis_name="s")

    @functools.partial(
        pl.kernel,
        out_type=jax.ShapeDtypeStruct((NC, NPAD, HALF), jnp.float32),
        mesh=mesh,
        compiler_params=pltpu.CompilerParams(use_tc_tiling_on_sc=False),
        scratch_types=[
            pltpu.VMEM((CHUNK,), jnp.int32),
            pltpu.VMEM((CHUNK,), jnp.int32),
            pltpu.VMEM((CHUNK,), jnp.int32),
            pltpu.VMEM((CHUNK,), jnp.int32),
            pltpu.VMEM((CHUNK, HALF), jnp.float32),
            pltpu.VMEM((CHUNK, HALF), jnp.float32),
            pltpu.VMEM((ZR, HALF), jnp.float32),
            pltpu.VMEM_SHARED((NPAD, HALF), jnp.float32),
            pltpu.SemaphoreType.DMA,
            pltpu.SemaphoreType.DMA,
        ],
    )
    def seg(cur_hbm, src_hbm, dst_hbm, out_hbm,
            src_v0, dst_v0, src_v1, dst_v1, rows_v0, rows_v1,
            zero_v, acc_sh, sem0, sem1):
        c = lax.axis_index("c")
        s = lax.axis_index("s")

        @pl.loop(0, ZR)
        def _(i):
            zero_v[i, pl.ds(0, 16)] = jnp.zeros((16,), jnp.float32)
            zero_v[i, pl.ds(16, 16)] = jnp.zeros((16,), jnp.float32)

        @pl.loop(0, NZ)
        def _(k):
            pltpu.sync_copy(zero_v, acc_sh.at[pl.ds(s * RPT + k * ZR, ZR)])

        plsc.subcore_barrier()

        ebase = s * EPT

        def load_idx(k, sv, dv):
            pltpu.sync_copy(src_hbm.at[pl.ds(ebase + k * CHUNK, CHUNK)], sv)
            pltpu.sync_copy(dst_hbm.at[pl.ds(ebase + k * CHUNK, CHUNK)], dv)

        def gather(sv, rv, sem):
            pltpu.async_copy(cur_hbm.at[c].at[sv], rv, sem)

        def drain_scatter(sv, dv, rv, sem):
            pltpu.make_async_copy(cur_hbm.at[c].at[sv], rv, sem).wait()
            pltpu.sync_copy(rv, acc_sh.at[dv], add=True)

        load_idx(0, src_v0, dst_v0)
        gather(src_v0, rows_v0, sem0)
        load_idx(1, src_v1, dst_v1)
        gather(src_v1, rows_v1, sem1)

        @pl.loop(0, (NCHUNK - 2) // 2)
        def _(k2):
            base = 2 * k2
            drain_scatter(src_v0, dst_v0, rows_v0, sem0)
            load_idx(base + 2, src_v0, dst_v0)
            gather(src_v0, rows_v0, sem0)
            drain_scatter(src_v1, dst_v1, rows_v1, sem1)
            load_idx(base + 3, src_v1, dst_v1)
            gather(src_v1, rows_v1, sem1)

        drain_scatter(src_v0, dst_v0, rows_v0, sem0)
        drain_scatter(src_v1, dst_v1, rows_v1, sem1)

        plsc.subcore_barrier()
        pltpu.sync_copy(acc_sh.at[pl.ds(s * RPT, RPT)],
                        out_hbm.at[c].at[pl.ds(s * RPT, RPT)])

    return seg


_SC_SEG = _sc_segment_sum()



def _init_body(nf_ref, w_ref, b_ref, msg_ref, pair_ref):
    x = nf_ref[...]
    w = w_ref[...]
    y = jnp.dot(x, w, preferred_element_type=jnp.float32) + b_ref[...]
    y = jnp.maximum(y, 0.0)
    msg_ref[...] = y
    pair_ref[0, :, :] = y[:, :HALF]
    pair_ref[1, :, :] = y[:, HALF:]


_tc_init = pl.pallas_call(
    _init_body,
    grid=(NB,),
    in_specs=[
        pl.BlockSpec((ROWB, 2), lambda i: (i, 0)),
        pl.BlockSpec((2, LAT), lambda i: (0, 0)),
        pl.BlockSpec((1, LAT), lambda i: (0, 0)),
    ],
    out_specs=[
        pl.BlockSpec((ROWB, LAT), lambda i: (i, 0)),
        pl.BlockSpec((NC, ROWB, HALF), lambda i: (0, i, 0)),
    ],
    out_shape=[
        jax.ShapeDtypeStruct((N, LAT), jnp.float32),
        jax.ShapeDtypeStruct((NC, N, HALF), jnp.float32),
    ],
)


def _round_body(pair_ref, msg_ref, pc_ref, out_ref):
    x = jnp.concatenate([pair_ref[0], pair_ref[1]], axis=1)
    y = jnp.dot(x, pc_ref[...], preferred_element_type=jnp.float32)
    y = jnp.maximum(y + msg_ref[...], 0.0)
    out_ref[0, :, :] = y[:, :HALF]
    out_ref[1, :, :] = y[:, HALF:]


_tc_round = pl.pallas_call(
    _round_body,
    grid=(NB,),
    in_specs=[
        pl.BlockSpec((NC, ROWB, HALF), lambda i: (0, i, 0)),
        pl.BlockSpec((ROWB, LAT), lambda i: (i, 0)),
        pl.BlockSpec((LAT, LAT), lambda i: (0, 0)),
    ],
    out_specs=pl.BlockSpec((NC, ROWB, HALF), lambda i: (0, i, 0)),
    out_shape=jax.ShapeDtypeStruct((NC, N, HALF), jnp.float32),
)


def _final_body(pair_ref, msg_ref, pc_ref, w1_ref, b1_ref, w2_ref, b2_ref,
                out_ref):
    x = jnp.concatenate([pair_ref[0], pair_ref[1]], axis=1)
    cur = jnp.dot(x, pc_ref[...], preferred_element_type=jnp.float32)
    cur = jnp.maximum(cur + msg_ref[...], 0.0)
    h = jnp.dot(cur, w1_ref[...], preferred_element_type=jnp.float32)
    h = jnp.maximum(h + b1_ref[...], 0.0)
    out_ref[...] = (jnp.dot(h, w2_ref[...], preferred_element_type=jnp.float32)
                    + b2_ref[...])


_tc_final = pl.pallas_call(
    _final_body,
    grid=(NB,),
    in_specs=[
        pl.BlockSpec((NC, ROWB, HALF), lambda i: (0, i, 0)),
        pl.BlockSpec((ROWB, LAT), lambda i: (i, 0)),
        pl.BlockSpec((LAT, LAT), lambda i: (0, 0)),
        pl.BlockSpec((LAT, HID), lambda i: (0, 0)),
        pl.BlockSpec((1, HID), lambda i: (0, 0)),
        pl.BlockSpec((HID, 1), lambda i: (0, 0)),
        pl.BlockSpec((1, 1), lambda i: (0, 0)),
    ],
    out_specs=pl.BlockSpec((ROWB, 1), lambda i: (i, 0)),
    out_shape=jax.ShapeDtypeStruct((N, 1), jnp.float32),
)



def kernel(node_feat, edge_index, w_n2l, b_n2l, p_conv, w1, b1, w2, b2):
    src = edge_index[0].astype(jnp.int32)
    dst = edge_index[1].astype(jnp.int32)
    b_n2l_r = b_n2l.reshape(1, LAT)
    b1_r = b1.reshape(1, HID)
    b2_r = b2.reshape(1, 1)

    msg, pair = _tc_init(node_feat, w_n2l, b_n2l_r)
    out = None
    for lv in range(MAX_LV):
        pooled = _SC_SEG(pair, src, dst)
        if lv < MAX_LV - 1:
            pair = _tc_round(pooled, msg, p_conv)
        else:
            out = _tc_final(pooled, msg, p_conv, w1, b1_r, w2, b2_r)
    return out

# --- scband reference (transcript-rebuilt; emitter-appended) ---
"""Pipeline reference for scband-qnet-83734682403390 (READ-ONLY COPY).

The authoritative reference and input builder live on the scoring server;
editing this copy changes nothing except your own understanding.
"""

import jax, jax.numpy as jnp
import numpy as np

N_NODES = 50000
N_EDGES = 800000
NODE_FEATS = 2
LATENT = 64
HIDDEN = 128
MAX_LV = 3


def setup_inputs(seed: int = 0) -> dict:
    key = jax.random.key(seed)
    ks = jax.random.split(key, 10)
    node_feat = jax.random.uniform(ks[0], (N_NODES, NODE_FEATS), dtype=jnp.float32)
    edge_index = jax.random.randint(ks[1], (2, N_EDGES), 0, N_NODES, dtype=jnp.int64 if jax.config.read('jax_enable_x64') else jnp.int32)
    # s2v (EmbedMeanField) parameters
    w_n2l = jax.random.normal(ks[2], (NODE_FEATS, LATENT), dtype=jnp.float32) * 0.1
    b_n2l = jnp.zeros((LATENT,), dtype=jnp.float32)
    p_conv = jax.random.normal(ks[3], (LATENT, LATENT), dtype=jnp.float32) * 0.1
    # add-network MLP head (add_linear_1 -> relu -> add_linear_out)
    w1 = jax.random.normal(ks[4], (LATENT, HIDDEN), dtype=jnp.float32) * 0.1
    b1 = jnp.zeros((HIDDEN,), dtype=jnp.float32)
    w2 = jax.random.normal(ks[5], (HIDDEN, 1), dtype=jnp.float32) * 0.1
    b2 = jnp.zeros((1,), dtype=jnp.float32)
    return {
        'node_feat': node_feat,
        'edge_index': edge_index,
        'w_n2l': w_n2l,
        'b_n2l': b_n2l,
        'p_conv': p_conv,
        'w1': w1,
        'b1': b1,
        'w2': w2,
        'b2': b2,
    }


def reference(node_feat, edge_index, w_n2l, b_n2l, p_conv, w1, b1, w2, b2):
    # structure2vec mean-field embedding (EmbedMeanField, out_dim=0 -> embed_dim=latent_dim)
    src = edge_index[0]
    dst = edge_index[1]
    n = node_feat.shape[0]
    input_msg = jax.nn.relu(node_feat @ w_n2l + b_n2l)  # node_feat -> latent
    cur = input_msg
    for _ in range(MAX_LV):
        # neighbor aggregation: scatter-add messages from src nodes into dst nodes
        pooled = jax.ops.segment_sum(jnp.take(cur, src, axis=0), dst, num_segments=n)
        cur = jax.nn.relu(pooled @ p_conv + input_msg)
    embed = cur  # per-node embedding [N, LATENT]
    # add network head (_type=0 path): relu(add_linear_1) -> add_linear_out
    h = jax.nn.relu(embed @ w1 + b1)
    raw_pred = h @ w2 + b2  # [N, 1] per-node Q values
    return raw_pred

if __name__ == "__main__":
    import jax
    _d = setup_inputs()
    print(jax.jit(kernel)(*tuple(_d.values())))

</pallas_src>

<mosaic_0001>
#map = affine_map<(d0, d1) -> (0, 0, 0)>
#map1 = affine_map<(d0, d1) -> (0)>
module attributes {stable_mosaic.version = 14 : i64} {
  func.func @seg(%arg0: i32, %arg1: i32, %arg2: memref<2x50000x32xf32, #tpu.memory_space<hbm>>, %arg3: memref<800000xi32, #tpu.memory_space<hbm>>, %arg4: memref<800000xi32, #tpu.memory_space<hbm>>, %arg5: memref<2x50176x32xf32, #tpu.memory_space<hbm>>, %arg6: memref<200xi32, #tpu.memory_space<vmem>>, %arg7: memref<200xi32, #tpu.memory_space<vmem>>, %arg8: memref<200xi32, #tpu.memory_space<vmem>>, %arg9: memref<200xi32, #tpu.memory_space<vmem>>, %arg10: memref<200x32xf32, #tpu.memory_space<vmem>>, %arg11: memref<200x32xf32, #tpu.memory_space<vmem>>, %arg12: memref<196x32xf32, #tpu.memory_space<vmem>>, %arg13: memref<50176x32xf32, #tpu.memory_space<vmem_shared>>, %arg14: memref<!tpu.dma_semaphore, #tpu.memory_space<semaphore_mem>>, %arg15: memref<!tpu.dma_semaphore, #tpu.memory_space<semaphore_mem>>) attributes {dimension_semantics = [#tpu.dimension_semantics<core_parallel>, #tpu.dimension_semantics<subcore_parallel>], iteration_bounds = array<i64: 2, 16>, scalar_prefetch = 0 : i64, scratch_operands = 10 : i64, tpu.core_type = #tpu.core_type<sc_vector_subcore>, window_params = [{transform_indices = #map}, {transform_indices = #map1}, {transform_indices = #map1}, {transform_indices = #map}]} {
    %scan3A = arith.constant 0 : i32
    %scan3A_0 = arith.constant 196 : i32
    %scan3A_1 = arith.addi %scan3A, %scan3A_0 : i32
    %scan3A_2 = arith.constant 1 : i32
    scf.for %scan3A_53 = %scan3A to %scan3A_1 step %scan3A_2  : i32 {
      %mul3A_54 = arith.constant 1 : i32
      %mul3A_55 = arith.muli %scan3A_53, %mul3A_54 : i32
      %add3A_56 = arith.constant 0 : i32
      %add3A_57 = arith.addi %add3A_56, %mul3A_55 : i32
      %broadcast_in_dim3A = arith.constant 0.000000e+00 : f32
      %broadcast_in_dim3A_58 = vector.broadcast %broadcast_in_dim3A : f32 to vector<16xf32>
      %swap3A = arith.index_cast %add3A_57 : i32 to index
      %swap3A_59 = arith.constant 0 : index
      %swap3A_60 = tpu.vector_load %arg12[%swap3A, %swap3A_59] {strides = array<i32>} : memref<196x32xf32, #tpu.memory_space<vmem>>, vector<1x16xf32>,
      %swap3A_61 = vector.shape_cast %swap3A_60 : vector<1x16xf32> to vector<16xf32>
      %swap3A_62 = vector.shape_cast %broadcast_in_dim3A_58 : vector<16xf32> to vector<1x16xf32>
      tpu.vector_store %arg12[%swap3A, %swap3A_59], %swap3A_62 {strides = array<i32>} : memref<196x32xf32, #tpu.memory_space<vmem>>, vector<1x16xf32>,
      %broadcast_in_dim3A_63 = arith.constant 0.000000e+00 : f32
      %broadcast_in_dim3A_64 = vector.broadcast %broadcast_in_dim3A_63 : f32 to vector<16xf32>
      %swap3A_65 = arith.index_cast %add3A_57 : i32 to index
      %swap3A_66 = arith.constant 16 : index
      %swap3A_67 = tpu.vector_load %arg12[%swap3A_65, %swap3A_66] {strides = array<i32>} : memref<196x32xf32, #tpu.memory_space<vmem>>, vector<1x16xf32>,
      %swap3A_68 = vector.shape_cast %swap3A_67 : vector<1x16xf32> to vector<16xf32>
      %swap3A_69 = vector.shape_cast %broadcast_in_dim3A_64 : vector<16xf32> to vector<1x16xf32>
      tpu.vector_store %arg12[%swap3A_65, %swap3A_66], %swap3A_69 {strides = array<i32>} : memref<196x32xf32, #tpu.memory_space<vmem>>, vector<1x16xf32>,
    }
    %scan3A_3 = arith.constant 196 : i32
    %scan3A_4 = arith.constant 0 : i32
    %scan3A_5 = arith.constant 16 : i32
    %scan3A_6 = arith.addi %scan3A_4, %scan3A_5 : i32
    %scan3A_7 = arith.constant 1 : i32
    scf.for %scan3A_53 = %scan3A_4 to %scan3A_6 step %scan3A_7  : i32 {
      %mul3A_54 = arith.constant 1 : i32
      %mul3A_55 = arith.muli %scan3A_53, %mul3A_54 : i32
      %add3A_56 = arith.constant 0 : i32
      %add3A_57 = arith.addi %add3A_56, %mul3A_55 : i32
      %mul3A_58 = arith.constant 3136 : i32
      %mul3A_59 = arith.muli %arg1, %mul3A_58 : i32
      %mul3A_60 = arith.constant 196 : i32
      %mul3A_61 = arith.muli %add3A_57, %mul3A_60 : i32
      %add3A_62 = arith.addi %mul3A_59, %mul3A_61 : i32
      "tpu.region"() ({
        %run_scoped3A = tpu.sem_alloc : memref<!tpu.dma_semaphore, #tpu.memory_space<semaphore_mem>>
        %dma_start3A_63 = arith.constant 0 : i32
        %dma_start3A_64 = tpu.memref_slice %arg13[%add3A_62, %dma_start3A_63] : memref<50176x32xf32, #tpu.memory_space<vmem_shared>> -> memref<196x32xf32, #tpu.memory_space<vmem_shared>>
        %dma_start3A_65 = arith.constant 0 : i32
        %dma_start3A_66 = tpu.memref_slice %arg13[%add3A_62, %dma_start3A_65] : memref<50176x32xf32, #tpu.memory_space<vmem_shared>> -> memref<196x32xf32, #tpu.memory_space<vmem_shared>>
        tpu.enqueue_dma source(%arg12 : memref<196x32xf32, #tpu.memory_space<vmem>>) target(%dma_start3A_66 : memref<196x32xf32, #tpu.memory_space<vmem_shared>>) target_semaphore(%run_scoped3A : memref<!tpu.dma_semaphore, #tpu.memory_space<semaphore_mem>>)
        %dma_wait3A_67 = arith.constant 0 : i32
        %dma_wait3A_68 = tpu.memref_slice %arg13[%add3A_62, %dma_wait3A_67] : memref<50176x32xf32, #tpu.memory_space<vmem_shared>> -> memref<196x32xf32, #tpu.memory_space<vmem_shared>>
        %dma_wait3A_69 = arith.constant 0 : i32
        %dma_wait3A_70 = tpu.memref_slice %arg13[%add3A_62, %dma_wait3A_69] : memref<50176x32xf32, #tpu.memory_space<vmem_shared>> -> memref<196x32xf32, #tpu.memory_space<vmem_shared>>
        tpu.wait_dma2 semaphore(%run_scoped3A : memref<!tpu.dma_semaphore, #tpu.memory_space<semaphore_mem>>) src(%arg12 : memref<196x32xf32, #tpu.memory_space<vmem>>) dst(%dma_wait3A_70 : memref<196x32xf32, #tpu.memory_space<vmem_shared>>)
        tpu.yield
      }) : () -> ()
    }
    %scan3A_8 = arith.constant 16 : i32
    %barrier3A = arith.constant 0 : index
    tpu.barrier barrier_id(%barrier3A)
    %mul3A = arith.constant 50000 : i32
    %mul3A_9 = arith.muli %arg1, %mul3A : i32
    %add3A = arith.constant 0 : i32
    %add3A_10 = arith.addi %mul3A_9, %add3A : i32
    "tpu.region"() ({
      %run_scoped3A = tpu.sem_alloc : memref<!tpu.dma_semaphore, #tpu.memory_space<semaphore_mem>>
      %dma_start3A_53 = tpu.memref_slice %arg3[%add3A_10] : memref<800000xi32, #tpu.memory_space<hbm>> -> memref<200xi32, #tpu.memory_space<hbm>>
      %dma_start3A_54 = tpu.memref_slice %arg3[%add3A_10] : memref<800000xi32, #tpu.memory_space<hbm>> -> memref<200xi32, #tpu.memory_space<hbm>>
      tpu.enqueue_dma source(%dma_start3A_54 : memref<200xi32, #tpu.memory_space<hbm>>) target(%arg6 : memref<200xi32, #tpu.memory_space<vmem>>) target_semaphore(%run_scoped3A : memref<!tpu.dma_semaphore, #tpu.memory_space<semaphore_mem>>)
      %dma_wait3A_55 = tpu.memref_slice %arg3[%add3A_10] : memref<800000xi32, #tpu.memory_space<hbm>> -> memref<200xi32, #tpu.memory_space<hbm>>
      %dma_wait3A_56 = tpu.memref_slice %arg3[%add3A_10] : memref<800000xi32, #tpu.memory_space<hbm>> -> memref<200xi32, #tpu.memory_space<hbm>>
      tpu.wait_dma2 semaphore(%run_scoped3A : memref<!tpu.dma_semaphore, #tpu.memory_space<semaphore_mem>>) src(%dma_wait3A_56 : memref<200xi32, #tpu.memory_space<hbm>>) dst(%arg6 : memref<200xi32, #tpu.memory_space<vmem>>)
      tpu.yield
    }) : () -> ()
    %add3A_11 = arith.constant 0 : i32
    %add3A_12 = arith.addi %mul3A_9, %add3A_11 : i32
    "tpu.region"() ({
      %run_scoped3A = tpu.sem_alloc : memref<!tpu.dma_semaphore, #tpu.memory_space<semaphore_mem>>
      %dma_start3A_53 = tpu.memref_slice %arg4[%add3A_12] : memref<800000xi32, #tpu.memory_space<hbm>> -> memref<200xi32, #tpu.memory_space<hbm>>
      %dma_start3A_54 = tpu.memref_slice %arg4[%add3A_12] : memref<800000xi32, #tpu.memory_space<hbm>> -> memref<200xi32, #tpu.memory_space<hbm>>
      tpu.enqueue_dma source(%dma_start3A_54 : memref<200xi32, #tpu.memory_space<hbm>>) target(%arg7 : memref<200xi32, #tpu.memory_space<vmem>>) target_semaphore(%run_scoped3A : memref<!tpu.dma_semaphore, #tpu.memory_space<semaphore_mem>>)
      %dma_wait3A_55 = tpu.memref_slice %arg4[%add3A_12] : memref<800000xi32, #tpu.memory_space<hbm>> -> memref<200xi32, #tpu.memory_space<hbm>>
      %dma_wait3A_56 = tpu.memref_slice %arg4[%add3A_12] : memref<800000xi32, #tpu.memory_space<hbm>> -> memref<200xi32, #tpu.memory_space<hbm>>
      tpu.wait_dma2 semaphore(%run_scoped3A : memref<!tpu.dma_semaphore, #tpu.memory_space<semaphore_mem>>) src(%dma_wait3A_56 : memref<200xi32, #tpu.memory_space<hbm>>) dst(%arg7 : memref<200xi32, #tpu.memory_space<vmem>>)
      tpu.yield
    }) : () -> ()
    %dma_start3A = arith.constant 0 : i32
    %dma_start3A_13 = arith.constant 0 : i32
    %dma_start3A_14 = tpu.memref_slice %arg2[%arg0, %dma_start3A, %dma_start3A_13] : memref<2x50000x32xf32, #tpu.memory_space<hbm>> -> memref<1x50000x32xf32, #tpu.memory_space<hbm>>
    %dma_start3A_15 = tpu.memref_squeeze %dma_start3A_14 : memref<1x50000x32xf32, #tpu.memory_space<hbm>> -> memref<50000x32xf32, #tpu.memory_space<hbm>>
    %dma_start3A_16 = arith.constant 0 : i32
    %dma_start3A_17 = arith.constant 0 : i32
    %dma_start3A_18 = tpu.memref_slice %dma_start3A_15[%dma_start3A_16, %dma_start3A_17] : memref<50000x32xf32, #tpu.memory_space<hbm>> -> memref<50000x32xf32, #tpu.memory_space<hbm>>
    tpu.enqueue_indirect_dma source(%dma_start3A_18 : memref<50000x32xf32, #tpu.memory_space<hbm>>) target(%arg10 : memref<200x32xf32, #tpu.memory_space<vmem>>) offsets(%arg6 : memref<200xi32, #tpu.memory_space<vmem>>) semaphore(%arg14 : memref<!tpu.dma_semaphore, #tpu.memory_space<semaphore_mem>>)
    %add3A_19 = arith.constant 200 : i32
    %add3A_20 = arith.addi %mul3A_9, %add3A_19 : i32
    "tpu.region"() ({
      %run_scoped3A = tpu.sem_alloc : memref<!tpu.dma_semaphore, #tpu.memory_space<semaphore_mem>>
      %dma_start3A_53 = tpu.memref_slice %arg3[%add3A_20] : memref<800000xi32, #tpu.memory_space<hbm>> -> memref<200xi32, #tpu.memory_space<hbm>>
      %dma_start3A_54 = tpu.memref_slice %arg3[%add3A_20] : memref<800000xi32, #tpu.memory_space<hbm>> -> memref<200xi32, #tpu.memory_space<hbm>>
      tpu.enqueue_dma source(%dma_start3A_54 : memref<200xi32, #tpu.memory_space<hbm>>) target(%arg8 : memref<200xi32, #tpu.memory_space<vmem>>) target_semaphore(%run_scoped3A : memref<!tpu.dma_semaphore, #tpu.memory_space<semaphore_mem>>)
      %dma_wait3A_55 = tpu.memref_slice %arg3[%add3A_20] : memref<800000xi32, #tpu.memory_space<hbm>> -> memref<200xi32, #tpu.memory_space<hbm>>
      %dma_wait3A_56 = tpu.memref_slice %arg3[%add3A_20] : memref<800000xi32, #tpu.memory_space<hbm>> -> memref<200xi32, #tpu.memory_space<hbm>>
      tpu.wait_dma2 semaphore(%run_scoped3A : memref<!tpu.dma_semaphore, #tpu.memory_space<semaphore_mem>>) src(%dma_wait3A_56 : memref<200xi32, #tpu.memory_space<hbm>>) dst(%arg8 : memref<200xi32, #tpu.memory_space<vmem>>)
      tpu.yield
    }) : () -> ()
    %add3A_21 = arith.constant 200 : i32
    %add3A_22 = arith.addi %mul3A_9, %add3A_21 : i32
    "tpu.region"() ({
      %run_scoped3A = tpu.sem_alloc : memref<!tpu.dma_semaphore, #tpu.memory_space<semaphore_mem>>
      %dma_start3A_53 = tpu.memref_slice %arg4[%add3A_22] : memref<800000xi32, #tpu.memory_space<hbm>> -> memref<200xi32, #tpu.memory_space<hbm>>
      %dma_start3A_54 = tpu.memref_slice %arg4[%add3A_22] : memref<800000xi32, #tpu.memory_space<hbm>> -> memref<200xi32, #tpu.memory_space<hbm>>
      tpu.enqueue_dma source(%dma_start3A_54 : memref<200xi32, #tpu.memory_space<hbm>>) target(%arg9 : memref<200xi32, #tpu.memory_space<vmem>>) target_semaphore(%run_scoped3A : memref<!tpu.dma_semaphore, #tpu.memory_space<semaphore_mem>>)
      %dma_wait3A_55 = tpu.memref_slice %arg4[%add3A_22] : memref<800000xi32, #tpu.memory_space<hbm>> -> memref<200xi32, #tpu.memory_space<hbm>>
      %dma_wait3A_56 = tpu.memref_slice %arg4[%add3A_22] : memref<800000xi32, #tpu.memory_space<hbm>> -> memref<200xi32, #tpu.memory_space<hbm>>
      tpu.wait_dma2 semaphore(%run_scoped3A : memref<!tpu.dma_semaphore, #tpu.memory_space<semaphore_mem>>) src(%dma_wait3A_56 : memref<200xi32, #tpu.memory_space<hbm>>) dst(%arg9 : memref<200xi32, #tpu.memory_space<vmem>>)
      tpu.yield
    }) : () -> ()
    %dma_start3A_23 = arith.constant 0 : i32
    %dma_start3A_24 = arith.constant 0 : i32
    %dma_start3A_25 = tpu.memref_slice %arg2[%arg0, %dma_start3A_23, %dma_start3A_24] : memref<2x50000x32xf32, #tpu.memory_space<hbm>> -> memref<1x50000x32xf32, #tpu.memory_space<hbm>>
    %dma_start3A_26 = tpu.memref_squeeze %dma_start3A_25 : memref<1x50000x32xf32, #tpu.memory_space<hbm>> -> memref<50000x32xf32, #tpu.memory_space<hbm>>
    %dma_start3A_27 = arith.constant 0 : i32
    %dma_start3A_28 = arith.constant 0 : i32
    %dma_start3A_29 = tpu.memref_slice %dma_start3A_26[%dma_start3A_27, %dma_start3A_28] : memref<50000x32xf32, #tpu.memory_space<hbm>> -> memref<50000x32xf32, #tpu.memory_space<hbm>>
    tpu.enqueue_indirect_dma source(%dma_start3A_29 : memref<50000x32xf32, #tpu.memory_space<hbm>>) target(%arg11 : memref<200x32xf32, #tpu.memory_space<vmem>>) offsets(%arg8 : memref<200xi32, #tpu.memory_space<vmem>>) semaphore(%arg15 : memref<!tpu.dma_semaphore, #tpu.memory_space<semaphore_mem>>)
    %scan3A_30 = arith.constant 0 : i32
    %scan3A_31 = arith.constant 124 : i32
    %scan3A_32 = arith.addi %scan3A_30, %scan3A_31 : i32
    %scan3A_33 = arith.constant 1 : i32
    scf.for %scan3A_53 = %scan3A_30 to %scan3A_32 step %scan3A_33  : i32 {
      %mul3A_54 = arith.constant 1 : i32
      %mul3A_55 = arith.muli %scan3A_53, %mul3A_54 : i32
      %add3A_56 = arith.constant 0 : i32
      %add3A_57 = arith.addi %add3A_56, %mul3A_55 : i32
      %mul3A_58 = arith.constant 2 : i32
      %mul3A_59 = arith.muli %mul3A_58, %add3A_57 : i32
      %dma_wait3A_60 = arith.constant 0 : i32
      %dma_wait3A_61 = arith.constant 0 : i32
      %dma_wait3A_62 = tpu.memref_slice %arg2[%arg0, %dma_wait3A_60, %dma_wait3A_61] : memref<2x50000x32xf32, #tpu.memory_space<hbm>> -> memref<1x50000x32xf32, #tpu.memory_space<hbm>>
      %dma_wait3A_63 = tpu.memref_squeeze %dma_wait3A_62 : memref<1x50000x32xf32, #tpu.memory_space<hbm>> -> memref<50000x32xf32, #tpu.memory_space<hbm>>
      %dma_wait3A_64 = arith.constant 0 : i32
      %dma_wait3A_65 = arith.constant 0 : i32
      %dma_wait3A_66 = tpu.memref_slice %dma_wait3A_63[%dma_wait3A_64, %dma_wait3A_65] : memref<50000x32xf32, #tpu.memory_space<hbm>> -> memref<50000x32xf32, #tpu.memory_space<hbm>>
      tpu.wait_indirect_dma semaphore(%arg14 : memref<!tpu.dma_semaphore, #tpu.memory_space<semaphore_mem>>) src(%dma_wait3A_66 : memref<50000x32xf32, #tpu.memory_space<hbm>>) dst(%arg10 : memref<200x32xf32, #tpu.memory_space<vmem>>)
      "tpu.region"() ({
        %run_scoped3A = tpu.sem_alloc : memref<!tpu.dma_semaphore, #tpu.memory_space<semaphore_mem>>
        %dma_start3A_104 = arith.constant 0 : i32
        %dma_start3A_105 = arith.constant 0 : i32
        %dma_start3A_106 = tpu.memref_slice %arg13[%dma_start3A_104, %dma_start3A_105] : memref<50176x32xf32, #tpu.memory_space<vmem_shared>> -> memref<50176x32xf32, #tpu.memory_space<vmem_shared>>
        tpu.enqueue_indirect_dma source(%arg10 : memref<200x32xf32, #tpu.memory_space<vmem>>) target(%dma_start3A_106 : memref<50176x32xf32, #tpu.memory_space<vmem_shared>>) offsets(%arg7 : memref<200xi32, #tpu.memory_space<vmem>>) semaphore(%run_scoped3A : memref<!tpu.dma_semaphore, #tpu.memory_space<semaphore_mem>>) {add = true}
        %dma_wait3A_107 = arith.constant 0 : i32
        %dma_wait3A_108 = arith.constant 0 : i32
        %dma_wait3A_109 = tpu.memref_slice %arg13[%dma_wait3A_107, %dma_wait3A_108] : memref<50176x32xf32, #tpu.memory_space<vmem_shared>> -> memref<50176x32xf32, #tpu.memory_space<vmem_shared>>
        tpu.wait_indirect_dma semaphore(%run_scoped3A : memref<!tpu.dma_semaphore, #tpu.memory_space<semaphore_mem>>) src(%arg10 : memref<200x32xf32, #tpu.memory_space<vmem>>) dst(%dma_wait3A_109 : memref<50176x32xf32, #tpu.memory_space<vmem_shared>>)
        tpu.yield
      }) : () -> ()
      %add3A_67 = arith.constant 2 : i32
      %add3A_68 = arith.addi %mul3A_59, %add3A_67 : i32
      %mul3A_69 = arith.constant 200 : i32
      %mul3A_70 = arith.muli %add3A_68, %mul3A_69 : i32
      %add3A_71 = arith.addi %mul3A_9, %mul3A_70 : i32
      "tpu.region"() ({
        %run_scoped3A = tpu.sem_alloc : memref<!tpu.dma_semaphore, #tpu.memory_space<semaphore_mem>>
        %dma_start3A_104 = tpu.memref_slice %arg3[%add3A_71] : memref<800000xi32, #tpu.memory_space<hbm>> -> memref<200xi32, #tpu.memory_space<hbm>>
        %dma_start3A_105 = tpu.memref_slice %arg3[%add3A_71] : memref<800000xi32, #tpu.memory_space<hbm>> -> memref<200xi32, #tpu.memory_space<hbm>>
        tpu.enqueue_dma source(%dma_start3A_105 : memref<200xi32, #tpu.memory_space<hbm>>) target(%arg6 : memref<200xi32, #tpu.memory_space<vmem>>) target_semaphore(%run_scoped3A : memref<!tpu.dma_semaphore, #tpu.memory_space<semaphore_mem>>)
        %dma_wait3A_106 = tpu.memref_slice %arg3[%add3A_71] : memref<800000xi32, #tpu.memory_space<hbm>> -> memref<200xi32, #tpu.memory_space<hbm>>
        %dma_wait3A_107 = tpu.memref_slice %arg3[%add3A_71] : memref<800000xi32, #tpu.memory_space<hbm>> -> memref<200xi32, #tpu.memory_space<hbm>>
        tpu.wait_dma2 semaphore(%run_scoped3A : memref<!tpu.dma_semaphore, #tpu.memory_space<semaphore_mem>>) src(%dma_wait3A_107 : memref<200xi32, #tpu.memory_space<hbm>>) dst(%arg6 : memref<200xi32, #tpu.memory_space<vmem>>)
        tpu.yield
      }) : () -> ()
      %mul3A_72 = arith.constant 200 : i32
      %mul3A_73 = arith.muli %add3A_68, %mul3A_72 : i32
      %add3A_74 = arith.addi %mul3A_9, %mul3A_73 : i32
      "tpu.region"() ({
        %run_scoped3A = tpu.sem_alloc : memref<!tpu.dma_semaphore, #tpu.memory_space<semaphore_mem>>
        %dma_start3A_104 = tpu.memref_slice %arg4[%add3A_74] : memref<800000xi32, #tpu.memory_space<hbm>> -> memref<200xi32, #tpu.memory_space<hbm>>
        %dma_start3A_105 = tpu.memref_slice %arg4[%add3A_74] : memref<800000xi32, #tpu.memory_space<hbm>> -> memref<200xi32, #tpu.memory_space<hbm>>
        tpu.enqueue_dma source(%dma_start3A_105 : memref<200xi32, #tpu.memory_space<hbm>>) target(%arg7 : memref<200xi32, #tpu.memory_space<vmem>>) target_semaphore(%run_scoped3A : memref<!tpu.dma_semaphore, #tpu.memory_space<semaphore_mem>>)
        %dma_wait3A_106 = tpu.memref_slice %arg4[%add3A_74] : memref<800000xi32, #tpu.memory_space<hbm>> -> memref<200xi32, #tpu.memory_space<hbm>>
        %dma_wait3A_107 = tpu.memref_slice %arg4[%add3A_74] : memref<800000xi32, #tpu.memory_space<hbm>> -> memref<200xi32, #tpu.memory_space<hbm>>
        tpu.wait_dma2 semaphore(%run_scoped3A : memref<!tpu.dma_semaphore, #tpu.memory_space<semaphore_mem>>) src(%dma_wait3A_107 : memref<200xi32, #tpu.memory_space<hbm>>) dst(%arg7 : memref<200xi32, #tpu.memory_space<vmem>>)
        tpu.yield
      }) : () -> ()
      %dma_start3A_75 = arith.constant 0 : i32
      %dma_start3A_76 = arith.constant 0 : i32
      %dma_start3A_77 = tpu.memref_slice %arg2[%arg0, %dma_start3A_75, %dma_start3A_76] : memref<2x50000x32xf32, #tpu.memory_space<hbm>> -> memref<1x50000x32xf32, #tpu.memory_space<hbm>>
      %dma_start3A_78 = tpu.memref_squeeze %dma_start3A_77 : memref<1x50000x32xf32, #tpu.memory_space<hbm>> -> memref<50000x32xf32, #tpu.memory_space<hbm>>
      %dma_start3A_79 = arith.constant 0 : i32
      %dma_start3A_80 = arith.constant 0 : i32
      %dma_start3A_81 = tpu.memref_slice %dma_start3A_78[%dma_start3A_79, %dma_start3A_80] : memref<50000x32xf32, #tpu.memory_space<hbm>> -> memref<50000x32xf32, #tpu.memory_space<hbm>>
      tpu.enqueue_indirect_dma source(%dma_start3A_81 : memref<50000x32xf32, #tpu.memory_space<hbm>>) target(%arg10 : memref<200x32xf32, #tpu.memory_space<vmem>>) offsets(%arg6 : memref<200xi32, #tpu.memory_space<vmem>>) semaphore(%arg14 : memref<!tpu.dma_semaphore, #tpu.memory_space<semaphore_mem>>)
      %dma_wait3A_82 = arith.constant 0 : i32
      %dma_wait3A_83 = arith.constant 0 : i32
      %dma_wait3A_84 = tpu.memref_slice %arg2[%arg0, %dma_wait3A_82, %dma_wait3A_83] : memref<2x50000x32xf32, #tpu.memory_space<hbm>> -> memref<1x50000x32xf32, #tpu.memory_space<hbm>>
      %dma_wait3A_85 = tpu.memref_squeeze %dma_wait3A_84 : memref<1x50000x32xf32, #tpu.memory_space<hbm>> -> memref<50000x32xf32, #tpu.memory_space<hbm>>
      %dma_wait3A_86 = arith.constant 0 : i32
      %dma_wait3A_87 = arith.constant 0 : i32
      %dma_wait3A_88 = tpu.memref_slice %dma_wait3A_85[%dma_wait3A_86, %dma_wait3A_87] : memref<50000x32xf32, #tpu.memory_space<hbm>> -> memref<50000x32xf32, #tpu.memory_space<hbm>>
      tpu.wait_indirect_dma semaphore(%arg15 : memref<!tpu.dma_semaphore, #tpu.memory_space<semaphore_mem>>) src(%dma_wait3A_88 : memref<50000x32xf32, #tpu.memory_space<hbm>>) dst(%arg11 : memref<200x32xf32, #tpu.memory_space<vmem>>)
      "tpu.region"() ({
        %run_scoped3A = tpu.sem_alloc : memref<!tpu.dma_semaphore, #tpu.memory_space<semaphore_mem>>
        %dma_start3A_104 = arith.constant 0 : i32
        %dma_start3A_105 = arith.constant 0 : i32
        %dma_start3A_106 = tpu.memref_slice %arg13[%dma_start3A_104, %dma_start3A_105] : memref<50176x32xf32, #tpu.memory_space<vmem_shared>> -> memref<50176x32xf32, #tpu.memory_space<vmem_shared>>
        tpu.enqueue_indirect_dma source(%arg11 : memref<200x32xf32, #tpu.memory_space<vmem>>) target(%dma_start3A_106 : memref<50176x32xf32, #tpu.memory_space<vmem_shared>>) offsets(%arg9 : memref<200xi32, #tpu.memory_space<vmem>>) semaphore(%run_scoped3A : memref<!tpu.dma_semaphore, #tpu.memory_space<semaphore_mem>>) {add = true}
        %dma_wait3A_107 = arith.constant 0 : i32
        %dma_wait3A_108 = arith.constant 0 : i32
        %dma_wait3A_109 = tpu.memref_slice %arg13[%dma_wait3A_107, %dma_wait3A_108] : memref<50176x32xf32, #tpu.memory_space<vmem_shared>> -> memref<50176x32xf32, #tpu.memory_space<vmem_shared>>
        tpu.wait_indirect_dma semaphore(%run_scoped3A : memref<!tpu.dma_semaphore, #tpu.memory_space<semaphore_mem>>) src(%arg11 : memref<200x32xf32, #tpu.memory_space<vmem>>) dst(%dma_wait3A_109 : memref<50176x32xf32, #tpu.memory_space<vmem_shared>>)
        tpu.yield
      }) : () -> ()
      %add3A_89 = arith.constant 3 : i32
      %add3A_90 = arith.addi %mul3A_59, %add3A_89 : i32
      %mul3A_91 = arith.constant 200 : i32
      %mul3A_92 = arith.muli %add3A_90, %mul3A_91 : i32
      %add3A_93 = arith.addi %mul3A_9, %mul3A_92 : i32
      "tpu.region"() ({
        %run_scoped3A = tpu.sem_alloc : memref<!tpu.dma_semaphore, #tpu.memory_space<semaphore_mem>>
        %dma_start3A_104 = tpu.memref_slice %arg3[%add3A_93] : memref<800000xi32, #tpu.memory_space<hbm>> -> memref<200xi32, #tpu.memory_space<hbm>>
        %dma_start3A_105 = tpu.memref_slice %arg3[%add3A_93] : memref<800000xi32, #tpu.memory_space<hbm>> -> memref<200xi32, #tpu.memory_space<hbm>>
        tpu.enqueue_dma source(%dma_start3A_105 : memref<200xi32, #tpu.memory_space<hbm>>) target(%arg8 : memref<200xi32, #tpu.memory_space<vmem>>) target_semaphore(%run_scoped3A : memref<!tpu.dma_semaphore, #tpu.memory_space<semaphore_mem>>)
        %dma_wait3A_106 = tpu.memref_slice %arg3[%add3A_93] : memref<800000xi32, #tpu.memory_space<hbm>> -> memref<200xi32, #tpu.memory_space<hbm>>
        %dma_wait3A_107 = tpu.memref_slice %arg3[%add3A_93] : memref<800000xi32, #tpu.memory_space<hbm>> -> memref<200xi32, #tpu.memory_space<hbm>>
        tpu.wait_dma2 semaphore(%run_scoped3A : memref<!tpu.dma_semaphore, #tpu.memory_space<semaphore_mem>>) src(%dma_wait3A_107 : memref<200xi32, #tpu.memory_space<hbm>>) dst(%arg8 : memref<200xi32, #tpu.memory_space<vmem>>)
        tpu.yield
      }) : () -> ()
      %mul3A_94 = arith.constant 200 : i32
      %mul3A_95 = arith.muli %add3A_90, %mul3A_94 : i32
      %add3A_96 = arith.addi %mul3A_9, %mul3A_95 : i32
      "tpu.region"() ({
        %run_scoped3A = tpu.sem_alloc : memref<!tpu.dma_semaphore, #tpu.memory_space<semaphore_mem>>
        %dma_start3A_104 = tpu.memref_slice %arg4[%add3A_96] : memref<800000xi32, #tpu.memory_space<hbm>> -> memref<200xi32, #tpu.memory_space<hbm>>
        %dma_start3A_105 = tpu.memref_slice %arg4[%add3A_96] : memref<800000xi32, #tpu.memory_space<hbm>> -> memref<200xi32, #tpu.memory_space<hbm>>
        tpu.enqueue_dma source(%dma_start3A_105 : memref<200xi32, #tpu.memory_space<hbm>>) target(%arg9 : memref<200xi32, #tpu.memory_space<vmem>>) target_semaphore(%run_scoped3A : memref<!tpu.dma_semaphore, #tpu.memory_space<semaphore_mem>>)
        %dma_wait3A_106 = tpu.memref_slice %arg4[%add3A_96] : memref<800000xi32, #tpu.memory_space<hbm>> -> memref<200xi32, #tpu.memory_space<hbm>>
        %dma_wait3A_107 = tpu.memref_slice %arg4[%add3A_96] : memref<800000xi32, #tpu.memory_space<hbm>> -> memref<200xi32, #tpu.memory_space<hbm>>
        tpu.wait_dma2 semaphore(%run_scoped3A : memref<!tpu.dma_semaphore, #tpu.memory_space<semaphore_mem>>) src(%dma_wait3A_107 : memref<200xi32, #tpu.memory_space<hbm>>) dst(%arg9 : memref<200xi32, #tpu.memory_space<vmem>>)
        tpu.yield
      }) : () -> ()
      %dma_start3A_97 = arith.constant 0 : i32
      %dma_start3A_98 = arith.constant 0 : i32
      %dma_start3A_99 = tpu.memref_slice %arg2[%arg0, %dma_start3A_97, %dma_start3A_98] : memref<2x50000x32xf32, #tpu.memory_space<hbm>> -> memref<1x50000x32xf32, #tpu.memory_space<hbm>>
      %dma_start3A_100 = tpu.memref_squeeze %dma_start3A_99 : memref<1x50000x32xf32, #tpu.memory_space<hbm>> -> memref<50000x32xf32, #tpu.memory_space<hbm>>
      %dma_start3A_101 = arith.constant 0 : i32
      %dma_start3A_102 = arith.constant 0 : i32
      %dma_start3A_103 = tpu.memref_slice %dma_start3A_100[%dma_start3A_101, %dma_start3A_102] : memref<50000x32xf32, #tpu.memory_space<hbm>> -> memref<50000x32xf32, #tpu.memory_space<hbm>>
      tpu.enqueue_indirect_dma source(%dma_start3A_103 : memref<50000x32xf32, #tpu.memory_space<hbm>>) target(%arg11 : memref<200x32xf32, #tpu.memory_space<vmem>>) offsets(%arg8 : memref<200xi32, #tpu.memory_space<vmem>>) semaphore(%arg15 : memref<!tpu.dma_semaphore, #tpu.memory_space<semaphore_mem>>)
    }
    %scan3A_34 = arith.constant 124 : i32
    %dma_wait3A = arith.constant 0 : i32
    %dma_wait3A_35 = arith.constant 0 : i32
    %dma_wait3A_36 = tpu.memref_slice %arg2[%arg0, %dma_wait3A, %dma_wait3A_35] : memref<2x50000x32xf32, #tpu.memory_space<hbm>> -> memref<1x50000x32xf32, #tpu.memory_space<hbm>>
    %dma_wait3A_37 = tpu.memref_squeeze %dma_wait3A_36 : memref<1x50000x32xf32, #tpu.memory_space<hbm>> -> memref<50000x32xf32, #tpu.memory_space<hbm>>
    %dma_wait3A_38 = arith.constant 0 : i32
    %dma_wait3A_39 = arith.constant 0 : i32
    %dma_wait3A_40 = tpu.memref_slice %dma_wait3A_37[%dma_wait3A_38, %dma_wait3A_39] : memref<50000x32xf32, #tpu.memory_space<hbm>> -> memref<50000x32xf32, #tpu.memory_space<hbm>>
    tpu.wait_indirect_dma semaphore(%arg14 : memref<!tpu.dma_semaphore, #tpu.memory_space<semaphore_mem>>) src(%dma_wait3A_40 : memref<50000x32xf32, #tpu.memory_space<hbm>>) dst(%arg10 : memref<200x32xf32, #tpu.memory_space<vmem>>)
    "tpu.region"() ({
      %run_scoped3A = tpu.sem_alloc : memref<!tpu.dma_semaphore, #tpu.memory_space<semaphore_mem>>
      %dma_start3A_53 = arith.constant 0 : i32
      %dma_start3A_54 = arith.constant 0 : i32
      %dma_start3A_55 = tpu.memref_slice %arg13[%dma_start3A_53, %dma_start3A_54] : memref<50176x32xf32, #tpu.memory_space<vmem_shared>> -> memref<50176x32xf32, #tpu.memory_space<vmem_shared>>
      tpu.enqueue_indirect_dma source(%arg10 : memref<200x32xf32, #tpu.memory_space<vmem>>) target(%dma_start3A_55 : memref<50176x32xf32, #tpu.memory_space<vmem_shared>>) offsets(%arg7 : memref<200xi32, #tpu.memory_space<vmem>>) semaphore(%run_scoped3A : memref<!tpu.dma_semaphore, #tpu.memory_space<semaphore_mem>>) {add = true}
      %dma_wait3A_56 = arith.constant 0 : i32
      %dma_wait3A_57 = arith.constant 0 : i32
      %dma_wait3A_58 = tpu.memref_slice %arg13[%dma_wait3A_56, %dma_wait3A_57] : memref<50176x32xf32, #tpu.memory_space<vmem_shared>> -> memref<50176x32xf32, #tpu.memory_space<vmem_shared>>
      tpu.wait_indirect_dma semaphore(%run_scoped3A : memref<!tpu.dma_semaphore, #tpu.memory_space<semaphore_mem>>) src(%arg10 : memref<200x32xf32, #tpu.memory_space<vmem>>) dst(%dma_wait3A_58 : memref<50176x32xf32, #tpu.memory_space<vmem_shared>>)
      tpu.yield
    }) : () -> ()
    %dma_wait3A_41 = arith.constant 0 : i32
    %dma_wait3A_42 = arith.constant 0 : i32
    %dma_wait3A_43 = tpu.memref_slice %arg2[%arg0, %dma_wait3A_41, %dma_wait3A_42] : memref<2x50000x32xf32, #tpu.memory_space<hbm>> -> memref<1x50000x32xf32, #tpu.memory_space<hbm>>
    %dma_wait3A_44 = tpu.memref_squeeze %dma_wait3A_43 : memref<1x50000x32xf32, #tpu.memory_space<hbm>> -> memref<50000x32xf32, #tpu.memory_space<hbm>>
    %dma_wait3A_45 = arith.constant 0 : i32
    %dma_wait3A_46 = arith.constant 0 : i32
    %dma_wait3A_47 = tpu.memref_slice %dma_wait3A_44[%dma_wait3A_45, %dma_wait3A_46] : memref<50000x32xf32, #tpu.memory_space<hbm>> -> memref<50000x32xf32, #tpu.memory_space<hbm>>
    tpu.wait_indirect_dma semaphore(%arg15 : memref<!tpu.dma_semaphore, #tpu.memory_space<semaphore_mem>>) src(%dma_wait3A_47 : memref<50000x32xf32, #tpu.memory_space<hbm>>) dst(%arg11 : memref<200x32xf32, #tpu.memory_space<vmem>>)
    "tpu.region"() ({
      %run_scoped3A = tpu.sem_alloc : memref<!tpu.dma_semaphore, #tpu.memory_space<semaphore_mem>>
      %dma_start3A_53 = arith.constant 0 : i32
      %dma_start3A_54 = arith.constant 0 : i32
      %dma_start3A_55 = tpu.memref_slice %arg13[%dma_start3A_53, %dma_start3A_54] : memref<50176x32xf32, #tpu.memory_space<vmem_shared>> -> memref<50176x32xf32, #tpu.memory_space<vmem_shared>>
      tpu.enqueue_indirect_dma source(%arg11 : memref<200x32xf32, #tpu.memory_space<vmem>>) target(%dma_start3A_55 : memref<50176x32xf32, #tpu.memory_space<vmem_shared>>) offsets(%arg9 : memref<200xi32, #tpu.memory_space<vmem>>) semaphore(%run_scoped3A : memref<!tpu.dma_semaphore, #tpu.memory_space<semaphore_mem>>) {add = true}
      %dma_wait3A_56 = arith.constant 0 : i32
      %dma_wait3A_57 = arith.constant 0 : i32
      %dma_wait3A_58 = tpu.memref_slice %arg13[%dma_wait3A_56, %dma_wait3A_57] : memref<50176x32xf32, #tpu.memory_space<vmem_shared>> -> memref<50176x32xf32, #tpu.memory_space<vmem_shared>>
      tpu.wait_indirect_dma semaphore(%run_scoped3A : memref<!tpu.dma_semaphore, #tpu.memory_space<semaphore_mem>>) src(%arg11 : memref<200x32xf32, #tpu.memory_space<vmem>>) dst(%dma_wait3A_58 : memref<50176x32xf32, #tpu.memory_space<vmem_shared>>)
      tpu.yield
    }) : () -> ()
    %barrier3A_48 = arith.constant 0 : index
    tpu.barrier barrier_id(%barrier3A_48)
    %mul3A_49 = arith.constant 3136 : i32
    %mul3A_50 = arith.muli %arg1, %mul3A_49 : i32
    %mul3A_51 = arith.constant 3136 : i32
    %mul3A_52 = arith.muli %arg1, %mul3A_51 : i32
    "tpu.region"() ({
      %run_scoped3A = tpu.sem_alloc : memref<!tpu.dma_semaphore, #tpu.memory_space<semaphore_mem>>
      %dma_start3A_53 = arith.constant 0 : i32
      %dma_start3A_54 = arith.constant 0 : i32
      %dma_start3A_55 = tpu.memref_slice %arg5[%arg0, %dma_start3A_53, %dma_start3A_54] : memref<2x50176x32xf32, #tpu.memory_space<hbm>> -> memref<1x50176x32xf32, #tpu.memory_space<hbm>>
      %dma_start3A_56 = tpu.memref_squeeze %dma_start3A_55 : memref<1x50176x32xf32, #tpu.memory_space<hbm>> -> memref<50176x32xf32, #tpu.memory_space<hbm>>
      %dma_start3A_57 = arith.constant 0 : i32
      %dma_start3A_58 = tpu.memref_slice %dma_start3A_56[%mul3A_52, %dma_start3A_57] : memref<50176x32xf32, #tpu.memory_space<hbm>> -> memref<3136x32xf32, #tpu.memory_space<hbm>>
      %dma_start3A_59 = arith.constant 0 : i32
      %dma_start3A_60 = tpu.memref_slice %arg13[%mul3A_50, %dma_start3A_59] : memref<50176x32xf32, #tpu.memory_space<vmem_shared>> -> memref<3136x32xf32, #tpu.memory_space<vmem_shared>>
      tpu.enqueue_dma source(%dma_start3A_60 : memref<3136x32xf32, #tpu.memory_space<vmem_shared>>) target(%dma_start3A_58 : memref<3136x32xf32, #tpu.memory_space<hbm>>) target_semaphore(%run_scoped3A : memref<!tpu.dma_semaphore, #tpu.memory_space<semaphore_mem>>)
      %dma_wait3A_61 = arith.constant 0 : i32
      %dma_wait3A_62 = arith.constant 0 : i32
      %dma_wait3A_63 = tpu.memref_slice %arg5[%arg0, %dma_wait3A_61, %dma_wait3A_62] : memref<2x50176x32xf32, #tpu.memory_space<hbm>> -> memref<1x50176x32xf32, #tpu.memory_space<hbm>>
      %dma_wait3A_64 = tpu.memref_squeeze %dma_wait3A_63 : memref<1x50176x32xf32, #tpu.memory_space<hbm>> -> memref<50176x32xf32, #tpu.memory_space<hbm>>
      %dma_wait3A_65 = arith.constant 0 : i32
      %dma_wait3A_66 = tpu.memref_slice %dma_wait3A_64[%mul3A_52, %dma_wait3A_65] : memref<50176x32xf32, #tpu.memory_space<hbm>> -> memref<3136x32xf32, #tpu.memory_space<hbm>>
      %dma_wait3A_67 = arith.constant 0 : i32
      %dma_wait3A_68 = tpu.memref_slice %arg13[%mul3A_50, %dma_wait3A_67] : memref<50176x32xf32, #tpu.memory_space<vmem_shared>> -> memref<3136x32xf32, #tpu.memory_space<vmem_shared>>
      tpu.wait_dma2 semaphore(%run_scoped3A : memref<!tpu.dma_semaphore, #tpu.memory_space<semaphore_mem>>) src(%dma_wait3A_68 : memref<3136x32xf32, #tpu.memory_space<vmem_shared>>) dst(%dma_wait3A_66 : memref<3136x32xf32, #tpu.memory_space<hbm>>)
      tpu.yield
    }) : () -> ()
    return
  }
}

#map = affine_map<(d0, d1) -> (0, 0, 0)>
#map1 = affine_map<(d0, d1) -> (0)>
module attributes {stable_mosaic.version = 14 : i64} {
  func.func @seg(%arg0: i32, %arg1: i32, %arg2: memref<2x50000x32xf32, #tpu.memory_space<hbm>>, %arg3: memref<800000xi32, #tpu.memory_space<hbm>>, %arg4: memref<800000xi32, #tpu.memory_space<hbm>>, %arg5: memref<2x50176x32xf32, #tpu.memory_space<hbm>>, %arg6: memref<200xi32, #tpu.memory_space<vmem>>, %arg7: memref<200xi32, #tpu.memory_space<vmem>>, %arg8: memref<200xi32, #tpu.memory_space<vmem>>, %arg9: memref<200xi32, #tpu.memory_space<vmem>>, %arg10: memref<200x32xf32, #tpu.memory_space<vmem>>, %arg11: memref<200x32xf32, #tpu.memory_space<vmem>>, %arg12: memref<196x32xf32, #tpu.memory_space<vmem>>, %arg13: memref<50176x32xf32, #tpu.memory_space<vmem_shared>>, %arg14: memref<!tpu.dma_semaphore, #tpu.memory_space<semaphore_mem>>, %arg15: memref<!tpu.dma_semaphore, #tpu.memory_space<semaphore_mem>>) attributes {dimension_semantics = [#tpu.dimension_semantics<core_parallel>, #tpu.dimension_semantics<subcore_parallel>], iteration_bounds = array<i64: 2, 16>, scalar_prefetch = 0 : i64, scratch_operands = 10 : i64, tpu.core_type = #tpu.core_type<sc_vector_subcore>, window_params = [{transform_indices = #map}, {transform_indices = #map1}, {transform_indices = #map1}, {transform_indices = #map}]} {
    %scan3A = arith.constant 0 : i32
    %scan3A_0 = arith.constant 196 : i32
    %scan3A_1 = arith.addi %scan3A, %scan3A_0 : i32
    %scan3A_2 = arith.constant 1 : i32
    scf.for %scan3A_53 = %scan3A to %scan3A_1 step %scan3A_2  : i32 {
      %mul3A_54 = arith.constant 1 : i32
      %mul3A_55 = arith.muli %scan3A_53, %mul3A_54 : i32
      %add3A_56 = arith.constant 0 : i32
      %add3A_57 = arith.addi %add3A_56, %mul3A_55 : i32
      %broadcast_in_dim3A = arith.constant 0.000000e+00 : f32
      %broadcast_in_dim3A_58 = vector.broadcast %broadcast_in_dim3A : f32 to vector<16xf32>
      %swap3A = arith.index_cast %add3A_57 : i32 to index
      %swap3A_59 = arith.constant 0 : index
      %swap3A_60 = tpu.vector_load %arg12[%swap3A, %swap3A_59] {strides = array<i32>} : memref<196x32xf32, #tpu.memory_space<vmem>>, vector<1x16xf32>,
      %swap3A_61 = vector.shape_cast %swap3A_60 : vector<1x16xf32> to vector<16xf32>
      %swap3A_62 = vector.shape_cast %broadcast_in_dim3A_58 : vector<16xf32> to vector<1x16xf32>
      tpu.vector_store %arg12[%swap3A, %swap3A_59], %swap3A_62 {strides = array<i32>} : memref<196x32xf32, #tpu.memory_space<vmem>>, vector<1x16xf32>,
      %broadcast_in_dim3A_63 = arith.constant 0.000000e+00 : f32
      %broadcast_in_dim3A_64 = vector.broadcast %broadcast_in_dim3A_63 : f32 to vector<16xf32>
      %swap3A_65 = arith.index_cast %add3A_57 : i32 to index
      %swap3A_66 = arith.constant 16 : index
      %swap3A_67 = tpu.vector_load %arg12[%swap3A_65, %swap3A_66] {strides = array<i32>} : memref<196x32xf32, #tpu.memory_space<vmem>>, vector<1x16xf32>,
      %swap3A_68 = vector.shape_cast %swap3A_67 : vector<1x16xf32> to vector<16xf32>
      %swap3A_69 = vector.shape_cast %broadcast_in_dim3A_64 : vector<16xf32> to vector<1x16xf32>
      tpu.vector_store %arg12[%swap3A_65, %swap3A_66], %swap3A_69 {strides = array<i32>} : memref<196x32xf32, #tpu.memory_space<vmem>>, vector<1x16xf32>,
    }
    %scan3A_3 = arith.constant 196 : i32
    %scan3A_4 = arith.constant 0 : i32
    %scan3A_5 = arith.constant 16 : i32
    %scan3A_6 = arith.addi %scan3A_4, %scan3A_5 : i32
    %scan3A_7 = arith.constant 1 : i32
    scf.for %scan3A_53 = %scan3A_4 to %scan3A_6 step %scan3A_7  : i32 {
      %mul3A_54 = arith.constant 1 : i32
      %mul3A_55 = arith.muli %scan3A_53, %mul3A_54 : i32
      %add3A_56 = arith.constant 0 : i32
      %add3A_57 = arith.addi %add3A_56, %mul3A_55 : i32
      %mul3A_58 = arith.constant 3136 : i32
      %mul3A_59 = arith.muli %arg1, %mul3A_58 : i32
      %mul3A_60 = arith.constant 196 : i32
      %mul3A_61 = arith.muli %add3A_57, %mul3A_60 : i32
      %add3A_62 = arith.addi %mul3A_59, %mul3A_61 : i32
      "tpu.region"() ({
        %run_scoped3A = tpu.sem_alloc : memref<!tpu.dma_semaphore, #tpu.memory_space<semaphore_mem>>
        %dma_start3A_63 = arith.constant 0 : i32
        %dma_start3A_64 = tpu.memref_slice %arg13[%add3A_62, %dma_start3A_63] : memref<50176x32xf32, #tpu.memory_space<vmem_shared>> -> memref<196x32xf32, #tpu.memory_space<vmem_shared>>
        %dma_start3A_65 = arith.constant 0 : i32
        %dma_start3A_66 = tpu.memref_slice %arg13[%add3A_62, %dma_start3A_65] : memref<50176x32xf32, #tpu.memory_space<vmem_shared>> -> memref<196x32xf32, #tpu.memory_space<vmem_shared>>
        tpu.enqueue_dma source(%arg12 : memref<196x32xf32, #tpu.memory_space<vmem>>) target(%dma_start3A_66 : memref<196x32xf32, #tpu.memory_space<vmem_shared>>) target_semaphore(%run_scoped3A : memref<!tpu.dma_semaphore, #tpu.memory_space<semaphore_mem>>)
        %dma_wait3A_67 = arith.constant 0 : i32
        %dma_wait3A_68 = tpu.memref_slice %arg13[%add3A_62, %dma_wait3A_67] : memref<50176x32xf32, #tpu.memory_space<vmem_shared>> -> memref<196x32xf32, #tpu.memory_space<vmem_shared>>
        %dma_wait3A_69 = arith.constant 0 : i32
        %dma_wait3A_70 = tpu.memref_slice %arg13[%add3A_62, %dma_wait3A_69] : memref<50176x32xf32, #tpu.memory_space<vmem_shared>> -> memref<196x32xf32, #tpu.memory_space<vmem_shared>>
        tpu.wait_dma2 semaphore(%run_scoped3A : memref<!tpu.dma_semaphore, #tpu.memory_space<semaphore_mem>>) src(%arg12 : memref<196x32xf32, #tpu.memory_space<vmem>>) dst(%dma_wait3A_70 : memref<196x32xf32, #tpu.memory_space<vmem_shared>>)
        tpu.yield
      }) : () -> ()
    }
    %scan3A_8 = arith.constant 16 : i32
    %barrier3A = arith.constant 0 : index
    tpu.barrier barrier_id(%barrier3A)
    %mul3A = arith.constant 50000 : i32
    %mul3A_9 = arith.muli %arg1, %mul3A : i32
    %add3A = arith.constant 0 : i32
    %add3A_10 = arith.addi %mul3A_9, %add3A : i32
    "tpu.region"() ({
      %run_scoped3A = tpu.sem_alloc : memref<!tpu.dma_semaphore, #tpu.memory_space<semaphore_mem>>
      %dma_start3A_53 = tpu.memref_slice %arg3[%add3A_10] : memref<800000xi32, #tpu.memory_space<hbm>> -> memref<200xi32, #tpu.memory_space<hbm>>
      %dma_start3A_54 = tpu.memref_slice %arg3[%add3A_10] : memref<800000xi32, #tpu.memory_space<hbm>> -> memref<200xi32, #tpu.memory_space<hbm>>
      tpu.enqueue_dma source(%dma_start3A_54 : memref<200xi32, #tpu.memory_space<hbm>>) target(%arg6 : memref<200xi32, #tpu.memory_space<vmem>>) target_semaphore(%run_scoped3A : memref<!tpu.dma_semaphore, #tpu.memory_space<semaphore_mem>>)
      %dma_wait3A_55 = tpu.memref_slice %arg3[%add3A_10] : memref<800000xi32, #tpu.memory_space<hbm>> -> memref<200xi32, #tpu.memory_space<hbm>>
      %dma_wait3A_56 = tpu.memref_slice %arg3[%add3A_10] : memref<800000xi32, #tpu.memory_space<hbm>> -> memref<200xi32, #tpu.memory_space<hbm>>
      tpu.wait_dma2 semaphore(%run_scoped3A : memref<!tpu.dma_semaphore, #tpu.memory_space<semaphore_mem>>) src(%dma_wait3A_56 : memref<200xi32, #tpu.memory_space<hbm>>) dst(%arg6 : memref<200xi32, #tpu.memory_space<vmem>>)
      tpu.yield
    }) : () -> ()
    %add3A_11 = arith.constant 0 : i32
    %add3A_12 = arith.addi %mul3A_9, %add3A_11 : i32
    "tpu.region"() ({
      %run_scoped3A = tpu.sem_alloc : memref<!tpu.dma_semaphore, #tpu.memory_space<semaphore_mem>>
      %dma_start3A_53 = tpu.memref_slice %arg4[%add3A_12] : memref<800000xi32, #tpu.memory_space<hbm>> -> memref<200xi32, #tpu.memory_space<hbm>>
      %dma_start3A_54 = tpu.memref_slice %arg4[%add3A_12] : memref<800000xi32, #tpu.memory_space<hbm>> -> memref<200xi32, #tpu.memory_space<hbm>>
      tpu.enqueue_dma source(%dma_start3A_54 : memref<200xi32, #tpu.memory_space<hbm>>) target(%arg7 : memref<200xi32, #tpu.memory_space<vmem>>) target_semaphore(%run_scoped3A : memref<!tpu.dma_semaphore, #tpu.memory_space<semaphore_mem>>)
      %dma_wait3A_55 = tpu.memref_slice %arg4[%add3A_12] : memref<800000xi32, #tpu.memory_space<hbm>> -> memref<200xi32, #tpu.memory_space<hbm>>
      %dma_wait3A_56 = tpu.memref_slice %arg4[%add3A_12] : memref<800000xi32, #tpu.memory_space<hbm>> -> memref<200xi32, #tpu.memory_space<hbm>>
      tpu.wait_dma2 semaphore(%run_scoped3A : memref<!tpu.dma_semaphore, #tpu.memory_space<semaphore_mem>>) src(%dma_wait3A_56 : memref<200xi32, #tpu.memory_space<hbm>>) dst(%arg7 : memref<200xi32, #tpu.memory_space<vmem>>)
      tpu.yield
    }) : () -> ()
    %dma_start3A = arith.constant 0 : i32
    %dma_start3A_13 = arith.constant 0 : i32
    %dma_start3A_14 = tpu.memref_slice %arg2[%arg0, %dma_start3A, %dma_start3A_13] : memref<2x50000x32xf32, #tpu.memory_space<hbm>> -> memref<1x50000x32xf32, #tpu.memory_space<hbm>>
    %dma_start3A_15 = tpu.memref_squeeze %dma_start3A_14 : memref<1x50000x32xf32, #tpu.memory_space<hbm>> -> memref<50000x32xf32, #tpu.memory_space<hbm>>
    %dma_start3A_16 = arith.constant 0 : i32
    %dma_start3A_17 = arith.constant 0 : i32
    %dma_start3A_18 = tpu.memref_slice %dma_start3A_15[%dma_start3A_16, %dma_start3A_17] : memref<50000x32xf32, #tpu.memory_space<hbm>> -> memref<50000x32xf32, #tpu.memory_space<hbm>>
    tpu.enqueue_indirect_dma source(%dma_start3A_18 : memref<50000x32xf32, #tpu.memory_space<hbm>>) target(%arg10 : memref<200x32xf32, #tpu.memory_space<vmem>>) offsets(%arg6 : memref<200xi32, #tpu.memory_space<vmem>>) semaphore(%arg14 : memref<!tpu.dma_semaphore, #tpu.memory_space<semaphore_mem>>)
    %add3A_19 = arith.constant 200 : i32
    %add3A_20 = arith.addi %mul3A_9, %add3A_19 : i32
    "tpu.region"() ({
      %run_scoped3A = tpu.sem_alloc : memref<!tpu.dma_semaphore, #tpu.memory_space<semaphore_mem>>
      %dma_start3A_53 = tpu.memref_slice %arg3[%add3A_20] : memref<800000xi32, #tpu.memory_space<hbm>> -> memref<200xi32, #tpu.memory_space<hbm>>
      %dma_start3A_54 = tpu.memref_slice %arg3[%add3A_20] : memref<800000xi32, #tpu.memory_space<hbm>> -> memref<200xi32, #tpu.memory_space<hbm>>
      tpu.enqueue_dma source(%dma_start3A_54 : memref<200xi32, #tpu.memory_space<hbm>>) target(%arg8 : memref<200xi32, #tpu.memory_space<vmem>>) target_semaphore(%run_scoped3A : memref<!tpu.dma_semaphore, #tpu.memory_space<semaphore_mem>>)
      %dma_wait3A_55 = tpu.memref_slice %arg3[%add3A_20] : memref<800000xi32, #tpu.memory_space<hbm>> -> memref<200xi32, #tpu.memory_space<hbm>>
      %dma_wait3A_56 = tpu.memref_slice %arg3[%add3A_20] : memref<800000xi32, #tpu.memory_space<hbm>> -> memref<200xi32, #tpu.memory_space<hbm>>
      tpu.wait_dma2 semaphore(%run_scoped3A : memref<!tpu.dma_semaphore, #tpu.memory_space<semaphore_mem>>) src(%dma_wait3A_56 : memref<200xi32, #tpu.memory_space<hbm>>) dst(%arg8 : memref<200xi32, #tpu.memory_space<vmem>>)
      tpu.yield
    }) : () -> ()
    %add3A_21 = arith.constant 200 : i32
    %add3A_22 = arith.addi %mul3A_9, %add3A_21 : i32
    "tpu.region"() ({
      %run_scoped3A = tpu.sem_alloc : memref<!tpu.dma_semaphore, #tpu.memory_space<semaphore_mem>>
      %dma_start3A_53 = tpu.memref_slice %arg4[%add3A_22] : memref<800000xi32, #tpu.memory_space<hbm>> -> memref<200xi32, #tpu.memory_space<hbm>>
      %dma_start3A_54 = tpu.memref_slice %arg4[%add3A_22] : memref<800000xi32, #tpu.memory_space<hbm>> -> memref<200xi32, #tpu.memory_space<hbm>>
      tpu.enqueue_dma source(%dma_start3A_54 : memref<200xi32, #tpu.memory_space<hbm>>) target(%arg9 : memref<200xi32, #tpu.memory_space<vmem>>) target_semaphore(%run_scoped3A : memref<!tpu.dma_semaphore, #tpu.memory_space<semaphore_mem>>)
      %dma_wait3A_55 = tpu.memref_slice %arg4[%add3A_22] : memref<800000xi32, #tpu.memory_space<hbm>> -> memref<200xi32, #tpu.memory_space<hbm>>
      %dma_wait3A_56 = tpu.memref_slice %arg4[%add3A_22] : memref<800000xi32, #tpu.memory_space<hbm>> -> memref<200xi32, #tpu.memory_space<hbm>>
      tpu.wait_dma2 semaphore(%run_scoped3A : memref<!tpu.dma_semaphore, #tpu.memory_space<semaphore_mem>>) src(%dma_wait3A_56 : memref<200xi32, #tpu.memory_space<hbm>>) dst(%arg9 : memref<200xi32, #tpu.memory_space<vmem>>)
      tpu.yield
    }) : () -> ()
    %dma_start3A_23 = arith.constant 0 : i32
    %dma_start3A_24 = arith.constant 0 : i32
    %dma_start3A_25 = tpu.memref_slice %arg2[%arg0, %dma_start3A_23, %dma_start3A_24] : memref<2x50000x32xf32, #tpu.memory_space<hbm>> -> memref<1x50000x32xf32, #tpu.memory_space<hbm>>
    %dma_start3A_26 = tpu.memref_squeeze %dma_start3A_25 : memref<1x50000x32xf32, #tpu.memory_space<hbm>> -> memref<50000x32xf32, #tpu.memory_space<hbm>>
    %dma_start3A_27 = arith.constant 0 : i32
    %dma_start3A_28 = arith.constant 0 : i32
    %dma_start3A_29 = tpu.memref_slice %dma_start3A_26[%dma_start3A_27, %dma_start3A_28] : memref<50000x32xf32, #tpu.memory_space<hbm>> -> memref<50000x32xf32, #tpu.memory_space<hbm>>
    tpu.enqueue_indirect_dma source(%dma_start3A_29 : memref<50000x32xf32, #tpu.memory_space<hbm>>) target(%arg11 : memref<200x32xf32, #tpu.memory_space<vmem>>) offsets(%arg8 : memref<200xi32, #tpu.memory_space<vmem>>) semaphore(%arg15 : memref<!tpu.dma_semaphore, #tpu.memory_space<semaphore_mem>>)
    %scan3A_30 = arith.constant 0 : i32
    %scan3A_31 = arith.constant 124 : i32
    %scan3A_32 = arith.addi %scan3A_30, %scan3A_31 : i32
    %scan3A_33 = arith.constant 1 : i32
    scf.for %scan3A_53 = %scan3A_30 to %scan3A_32 step %scan3A_33  : i32 {
      %mul3A_54 = arith.constant 1 : i32
      %mul3A_55 = arith.muli %scan3A_53, %mul3A_54 : i32
      %add3A_56 = arith.constant 0 : i32
      %add3A_57 = arith.addi %add3A_56, %mul3A_55 : i32
      %mul3A_58 = arith.constant 2 : i32
      %mul3A_59 = arith.muli %mul3A_58, %add3A_57 : i32
      %dma_wait3A_60 = arith.constant 0 : i32
      %dma_wait3A_61 = arith.constant 0 : i32
      %dma_wait3A_62 = tpu.memref_slice %arg2[%arg0, %dma_wait3A_60, %dma_wait3A_61] : memref<2x50000x32xf32, #tpu.memory_space<hbm>> -> memref<1x50000x32xf32, #tpu.memory_space<hbm>>
      %dma_wait3A_63 = tpu.memref_squeeze %dma_wait3A_62 : memref<1x50000x32xf32, #tpu.memory_space<hbm>> -> memref<50000x32xf32, #tpu.memory_space<hbm>>
      %dma_wait3A_64 = arith.constant 0 : i32
      %dma_wait3A_65 = arith.constant 0 : i32
      %dma_wait3A_66 = tpu.memref_slice %dma_wait3A_63[%dma_wait3A_64, %dma_wait3A_65] : memref<50000x32xf32, #tpu.memory_space<hbm>> -> memref<50000x32xf32, #tpu.memory_space<hbm>>
      tpu.wait_indirect_dma semaphore(%arg14 : memref<!tpu.dma_semaphore, #tpu.memory_space<semaphore_mem>>) src(%dma_wait3A_66 : memref<50000x32xf32, #tpu.memory_space<hbm>>) dst(%arg10 : memref<200x32xf32, #tpu.memory_space<vmem>>)
      "tpu.region"() ({
        %run_scoped3A = tpu.sem_alloc : memref<!tpu.dma_semaphore, #tpu.memory_space<semaphore_mem>>
        %dma_start3A_104 = arith.constant 0 : i32
        %dma_start3A_105 = arith.constant 0 : i32
        %dma_start3A_106 = tpu.memref_slice %arg13[%dma_start3A_104, %dma_start3A_105] : memref<50176x32xf32, #tpu.memory_space<vmem_shared>> -> memref<50176x32xf32, #tpu.memory_space<vmem_shared>>
        tpu.enqueue_indirect_dma source(%arg10 : memref<200x32xf32, #tpu.memory_space<vmem>>) target(%dma_start3A_106 : memref<50176x32xf32, #tpu.memory_space<vmem_shared>>) offsets(%arg7 : memref<200xi32, #tpu.memory_space<vmem>>) semaphore(%run_scoped3A : memref<!tpu.dma_semaphore, #tpu.memory_space<semaphore_mem>>) {add = true}
        %dma_wait3A_107 = arith.constant 0 : i32
        %dma_wait3A_108 = arith.constant 0 : i32
        %dma_wait3A_109 = tpu.memref_slice %arg13[%dma_wait3A_107, %dma_wait3A_108] : memref<50176x32xf32, #tpu.memory_space<vmem_shared>> -> memref<50176x32xf32, #tpu.memory_space<vmem_shared>>
        tpu.wait_indirect_dma semaphore(%run_scoped3A : memref<!tpu.dma_semaphore, #tpu.memory_space<semaphore_mem>>) src(%arg10 : memref<200x32xf32, #tpu.memory_space<vmem>>) dst(%dma_wait3A_109 : memref<50176x32xf32, #tpu.memory_space<vmem_shared>>)
        tpu.yield
      }) : () -> ()
      %add3A_67 = arith.constant 2 : i32
      %add3A_68 = arith.addi %mul3A_59, %add3A_67 : i32
      %mul3A_69 = arith.constant 200 : i32
      %mul3A_70 = arith.muli %add3A_68, %mul3A_69 : i32
      %add3A_71 = arith.addi %mul3A_9, %mul3A_70 : i32
      "tpu.region"() ({
        %run_scoped3A = tpu.sem_alloc : memref<!tpu.dma_semaphore, #tpu.memory_space<semaphore_mem>>
        %dma_start3A_104 = tpu.memref_slice %arg3[%add3A_71] : memref<800000xi32, #tpu.memory_space<hbm>> -> memref<200xi32, #tpu.memory_space<hbm>>
        %dma_start3A_105 = tpu.memref_slice %arg3[%add3A_71] : memref<800000xi32, #tpu.memory_space<hbm>> -> memref<200xi32, #tpu.memory_space<hbm>>
        tpu.enqueue_dma source(%dma_start3A_105 : memref<200xi32, #tpu.memory_space<hbm>>) target(%arg6 : memref<200xi32, #tpu.memory_space<vmem>>) target_semaphore(%run_scoped3A : memref<!tpu.dma_semaphore, #tpu.memory_space<semaphore_mem>>)
        %dma_wait3A_106 = tpu.memref_slice %arg3[%add3A_71] : memref<800000xi32, #tpu.memory_space<hbm>> -> memref<200xi32, #tpu.memory_space<hbm>>
        %dma_wait3A_107 = tpu.memref_slice %arg3[%add3A_71] : memref<800000xi32, #tpu.memory_space<hbm>> -> memref<200xi32, #tpu.memory_space<hbm>>
        tpu.wait_dma2 semaphore(%run_scoped3A : memref<!tpu.dma_semaphore, #tpu.memory_space<semaphore_mem>>) src(%dma_wait3A_107 : memref<200xi32, #tpu.memory_space<hbm>>) dst(%arg6 : memref<200xi32, #tpu.memory_space<vmem>>)
        tpu.yield
      }) : () -> ()
      %mul3A_72 = arith.constant 200 : i32
      %mul3A_73 = arith.muli %add3A_68, %mul3A_72 : i32
      %add3A_74 = arith.addi %mul3A_9, %mul3A_73 : i32
      "tpu.region"() ({
        %run_scoped3A = tpu.sem_alloc : memref<!tpu.dma_semaphore, #tpu.memory_space<semaphore_mem>>
        %dma_start3A_104 = tpu.memref_slice %arg4[%add3A_74] : memref<800000xi32, #tpu.memory_space<hbm>> -> memref<200xi32, #tpu.memory_space<hbm>>
        %dma_start3A_105 = tpu.memref_slice %arg4[%add3A_74] : memref<800000xi32, #tpu.memory_space<hbm>> -> memref<200xi32, #tpu.memory_space<hbm>>
        tpu.enqueue_dma source(%dma_start3A_105 : memref<200xi32, #tpu.memory_space<hbm>>) target(%arg7 : memref<200xi32, #tpu.memory_space<vmem>>) target_semaphore(%run_scoped3A : memref<!tpu.dma_semaphore, #tpu.memory_space<semaphore_mem>>)
        %dma_wait3A_106 = tpu.memref_slice %arg4[%add3A_74] : memref<800000xi32, #tpu.memory_space<hbm>> -> memref<200xi32, #tpu.memory_space<hbm>>
        %dma_wait3A_107 = tpu.memref_slice %arg4[%add3A_74] : memref<800000xi32, #tpu.memory_space<hbm>> -> memref<200xi32, #tpu.memory_space<hbm>>
        tpu.wait_dma2 semaphore(%run_scoped3A : memref<!tpu.dma_semaphore, #tpu.memory_space<semaphore_mem>>) src(%dma_wait3A_107 : memref<200xi32, #tpu.memory_space<hbm>>) dst(%arg7 : memref<200xi32, #tpu.memory_space<vmem>>)
        tpu.yield
      }) : () -> ()
      %dma_start3A_75 = arith.constant 0 : i32
      %dma_start3A_76 = arith.constant 0 : i32
      %dma_start3A_77 = tpu.memref_slice %arg2[%arg0, %dma_start3A_75, %dma_start3A_76] : memref<2x50000x32xf32, #tpu.memory_space<hbm>> -> memref<1x50000x32xf32, #tpu.memory_space<hbm>>
      %dma_start3A_78 = tpu.memref_squeeze %dma_start3A_77 : memref<1x50000x32xf32, #tpu.memory_space<hbm>> -> memref<50000x32xf32, #tpu.memory_space<hbm>>
      %dma_start3A_79 = arith.constant 0 : i32
      %dma_start3A_80 = arith.constant 0 : i32
      %dma_start3A_81 = tpu.memref_slice %dma_start3A_78[%dma_start3A_79, %dma_start3A_80] : memref<50000x32xf32, #tpu.memory_space<hbm>> -> memref<50000x32xf32, #tpu.memory_space<hbm>>
      tpu.enqueue_indirect_dma source(%dma_start3A_81 : memref<50000x32xf32, #tpu.memory_space<hbm>>) target(%arg10 : memref<200x32xf32, #tpu.memory_space<vmem>>) offsets(%arg6 : memref<200xi32, #tpu.memory_space<vmem>>) semaphore(%arg14 : memref<!tpu.dma_semaphore, #tpu.memory_space<semaphore_mem>>)
      %dma_wait3A_82 = arith.constant 0 : i32
      %dma_wait3A_83 = arith.constant 0 : i32
      %dma_wait3A_84 = tpu.memref_slice %arg2[%arg0, %dma_wait3A_82, %dma_wait3A_83] : memref<2x50000x32xf32, #tpu.memory_space<hbm>> -> memref<1x50000x32xf32, #tpu.memory_space<hbm>>
      %dma_wait3A_85 = tpu.memref_squeeze %dma_wait3A_84 : memref<1x50000x32xf32, #tpu.memory_space<hbm>> -> memref<50000x32xf32, #tpu.memory_space<hbm>>
      %dma_wait3A_86 = arith.constant 0 : i32
      %dma_wait3A_87 = arith.constant 0 : i32
      %dma_wait3A_88 = tpu.memref_slice %dma_wait3A_85[%dma_wait3A_86, %dma_wait3A_87] : memref<50000x32xf32, #tpu.memory_space<hbm>> -> memref<50000x32xf32, #tpu.memory_space<hbm>>
      tpu.wait_indirect_dma semaphore(%arg15 : memref<!tpu.dma_semaphore, #tpu.memory_space<semaphore_mem>>) src(%dma_wait3A_88 : memref<50000x32xf32, #tpu.memory_space<hbm>>) dst(%arg11 : memref<200x32xf32, #tpu.memory_space<vmem>>)
      "tpu.region"() ({
        %run_scoped3A = tpu.sem_alloc : memref<!tpu.dma_semaphore, #tpu.memory_space<semaphore_mem>>
        %dma_start3A_104 = arith.constant 0 : i32
        %dma_start3A_105 = arith.constant 0 : i32
        %dma_start3A_106 = tpu.memref_slice %arg13[%dma_start3A_104, %dma_start3A_105] : memref<50176x32xf32, #tpu.memory_space<vmem_shared>> -> memref<50176x32xf32, #tpu.memory_space<vmem_shared>>
        tpu.enqueue_indirect_dma source(%arg11 : memref<200x32xf32, #tpu.memory_space<vmem>>) target(%dma_start3A_106 : memref<50176x32xf32, #tpu.memory_space<vmem_shared>>) offsets(%arg9 : memref<200xi32, #tpu.memory_space<vmem>>) semaphore(%run_scoped3A : memref<!tpu.dma_semaphore, #tpu.memory_space<semaphore_mem>>) {add = true}
        %dma_wait3A_107 = arith.constant 0 : i32
        %dma_wait3A_108 = arith.constant 0 : i32
        %dma_wait3A_109 = tpu.memref_slice %arg13[%dma_wait3A_107, %dma_wait3A_108] : memref<50176x32xf32, #tpu.memory_space<vmem_shared>> -> memref<50176x32xf32, #tpu.memory_space<vmem_shared>>
        tpu.wait_indirect_dma semaphore(%run_scoped3A : memref<!tpu.dma_semaphore, #tpu.memory_space<semaphore_mem>>) src(%arg11 : memref<200x32xf32, #tpu.memory_space<vmem>>) dst(%dma_wait3A_109 : memref<50176x32xf32, #tpu.memory_space<vmem_shared>>)
        tpu.yield
      }) : () -> ()
      %add3A_89 = arith.constant 3 : i32
      %add3A_90 = arith.addi %mul3A_59, %add3A_89 : i32
      %mul3A_91 = arith.constant 200 : i32
      %mul3A_92 = arith.muli %add3A_90, %mul3A_91 : i32
      %add3A_93 = arith.addi %mul3A_9, %mul3A_92 : i32
      "tpu.region"() ({
        %run_scoped3A = tpu.sem_alloc : memref<!tpu.dma_semaphore, #tpu.memory_space<semaphore_mem>>
        %dma_start3A_104 = tpu.memref_slice %arg3[%add3A_93] : memref<800000xi32, #tpu.memory_space<hbm>> -> memref<200xi32, #tpu.memory_space<hbm>>
        %dma_start3A_105 = tpu.memref_slice %arg3[%add3A_93] : memref<800000xi32, #tpu.memory_space<hbm>> -> memref<200xi32, #tpu.memory_space<hbm>>
        tpu.enqueue_dma source(%dma_start3A_105 : memref<200xi32, #tpu.memory_space<hbm>>) target(%arg8 : memref<200xi32, #tpu.memory_space<vmem>>) target_semaphore(%run_scoped3A : memref<!tpu.dma_semaphore, #tpu.memory_space<semaphore_mem>>)
        %dma_wait3A_106 = tpu.memref_slice %arg3[%add3A_93] : memref<800000xi32, #tpu.memory_space<hbm>> -> memref<200xi32, #tpu.memory_space<hbm>>
        %dma_wait3A_107 = tpu.memref_slice %arg3[%add3A_93] : memref<800000xi32, #tpu.memory_space<hbm>> -> memref<200xi32, #tpu.memory_space<hbm>>
        tpu.wait_dma2 semaphore(%run_scoped3A : memref<!tpu.dma_semaphore, #tpu.memory_space<semaphore_mem>>) src(%dma_wait3A_107 : memref<200xi32, #tpu.memory_space<hbm>>) dst(%arg8 : memref<200xi32, #tpu.memory_space<vmem>>)
        tpu.yield
      }) : () -> ()
      %mul3A_94 = arith.constant 200 : i32
      %mul3A_95 = arith.muli %add3A_90, %mul3A_94 : i32
      %add3A_96 = arith.addi %mul3A_9, %mul3A_95 : i32
      "tpu.region"() ({
        %run_scoped3A = tpu.sem_alloc : memref<!tpu.dma_semaphore, #tpu.memory_space<semaphore_mem>>
        %dma_start3A_104 = tpu.memref_slice %arg4[%add3A_96] : memref<800000xi32, #tpu.memory_space<hbm>> -> memref<200xi32, #tpu.memory_space<hbm>>
        %dma_start3A_105 = tpu.memref_slice %arg4[%add3A_96] : memref<800000xi32, #tpu.memory_space<hbm>> -> memref<200xi32, #tpu.memory_space<hbm>>
        tpu.enqueue_dma source(%dma_start3A_105 : memref<200xi32, #tpu.memory_space<hbm>>) target(%arg9 : memref<200xi32, #tpu.memory_space<vmem>>) target_semaphore(%run_scoped3A : memref<!tpu.dma_semaphore, #tpu.memory_space<semaphore_mem>>)
        %dma_wait3A_106 = tpu.memref_slice %arg4[%add3A_96] : memref<800000xi32, #tpu.memory_space<hbm>> -> memref<200xi32, #tpu.memory_space<hbm>>
        %dma_wait3A_107 = tpu.memref_slice %arg4[%add3A_96] : memref<800000xi32, #tpu.memory_space<hbm>> -> memref<200xi32, #tpu.memory_space<hbm>>
        tpu.wait_dma2 semaphore(%run_scoped3A : memref<!tpu.dma_semaphore, #tpu.memory_space<semaphore_mem>>) src(%dma_wait3A_107 : memref<200xi32, #tpu.memory_space<hbm>>) dst(%arg9 : memref<200xi32, #tpu.memory_space<vmem>>)
        tpu.yield
      }) : () -> ()
      %dma_start3A_97 = arith.constant 0 : i32
      %dma_start3A_98 = arith.constant 0 : i32
      %dma_start3A_99 = tpu.memref_slice %arg2[%arg0, %dma_start3A_97, %dma_start3A_98] : memref<2x50000x32xf32, #tpu.memory_space<hbm>> -> memref<1x50000x32xf32, #tpu.memory_space<hbm>>
      %dma_start3A_100 = tpu.memref_squeeze %dma_start3A_99 : memref<1x50000x32xf32, #tpu.memory_space<hbm>> -> memref<50000x32xf32, #tpu.memory_space<hbm>>
      %dma_start3A_101 = arith.constant 0 : i32
      %dma_start3A_102 = arith.constant 0 : i32
      %dma_start3A_103 = tpu.memref_slice %dma_start3A_100[%dma_start3A_101, %dma_start3A_102] : memref<50000x32xf32, #tpu.memory_space<hbm>> -> memref<50000x32xf32, #tpu.memory_space<hbm>>
      tpu.enqueue_indirect_dma source(%dma_start3A_103 : memref<50000x32xf32, #tpu.memory_space<hbm>>) target(%arg11 : memref<200x32xf32, #tpu.memory_space<vmem>>) offsets(%arg8 : memref<200xi32, #tpu.memory_space<vmem>>) semaphore(%arg15 : memref<!tpu.dma_semaphore, #tpu.memory_space<semaphore_mem>>)
    }
    %scan3A_34 = arith.constant 124 : i32
    %dma_wait3A = arith.constant 0 : i32
    %dma_wait3A_35 = arith.constant 0 : i32
    %dma_wait3A_36 = tpu.memref_slice %arg2[%arg0, %dma_wait3A, %dma_wait3A_35] : memref<2x50000x32xf32, #tpu.memory_space<hbm>> -> memref<1x50000x32xf32, #tpu.memory_space<hbm>>
    %dma_wait3A_37 = tpu.memref_squeeze %dma_wait3A_36 : memref<1x50000x32xf32, #tpu.memory_space<hbm>> -> memref<50000x32xf32, #tpu.memory_space<hbm>>
    %dma_wait3A_38 = arith.constant 0 : i32
    %dma_wait3A_39 = arith.constant 0 : i32
    %dma_wait3A_40 = tpu.memref_slice %dma_wait3A_37[%dma_wait3A_38, %dma_wait3A_39] : memref<50000x32xf32, #tpu.memory_space<hbm>> -> memref<50000x32xf32, #tpu.memory_space<hbm>>
    tpu.wait_indirect_dma semaphore(%arg14 : memref<!tpu.dma_semaphore, #tpu.memory_space<semaphore_mem>>) src(%dma_wait3A_40 : memref<50000x32xf32, #tpu.memory_space<hbm>>) dst(%arg10 : memref<200x32xf32, #tpu.memory_space<vmem>>)
    "tpu.region"() ({
      %run_scoped3A = tpu.sem_alloc : memref<!tpu.dma_semaphore, #tpu.memory_space<semaphore_mem>>
      %dma_start3A_53 = arith.constant 0 : i32
      %dma_start3A_54 = arith.constant 0 : i32
      %dma_start3A_55 = tpu.memref_slice %arg13[%dma_start3A_53, %dma_start3A_54] : memref<50176x32xf32, #tpu.memory_space<vmem_shared>> -> memref<50176x32xf32, #tpu.memory_space<vmem_shared>>
      tpu.enqueue_indirect_dma source(%arg10 : memref<200x32xf32, #tpu.memory_space<vmem>>) target(%dma_start3A_55 : memref<50176x32xf32, #tpu.memory_space<vmem_shared>>) offsets(%arg7 : memref<200xi32, #tpu.memory_space<vmem>>) semaphore(%run_scoped3A : memref<!tpu.dma_semaphore, #tpu.memory_space<semaphore_mem>>) {add = true}
      %dma_wait3A_56 = arith.constant 0 : i32
      %dma_wait3A_57 = arith.constant 0 : i32
      %dma_wait3A_58 = tpu.memref_slice %arg13[%dma_wait3A_56, %dma_wait3A_57] : memref<50176x32xf32, #tpu.memory_space<vmem_shared>> -> memref<50176x32xf32, #tpu.memory_space<vmem_shared>>
      tpu.wait_indirect_dma semaphore(%run_scoped3A : memref<!tpu.dma_semaphore, #tpu.memory_space<semaphore_mem>>) src(%arg10 : memref<200x32xf32, #tpu.memory_space<vmem>>) dst(%dma_wait3A_58 : memref<50176x32xf32, #tpu.memory_space<vmem_shared>>)
      tpu.yield
    }) : () -> ()
    %dma_wait3A_41 = arith.constant 0 : i32
    %dma_wait3A_42 = arith.constant 0 : i32
    %dma_wait3A_43 = tpu.memref_slice %arg2[%arg0, %dma_wait3A_41, %dma_wait3A_42] : memref<2x50000x32xf32, #tpu.memory_space<hbm>> -> memref<1x50000x32xf32, #tpu.memory_space<hbm>>
    %dma_wait3A_44 = tpu.memref_squeeze %dma_wait3A_43 : memref<1x50000x32xf32, #tpu.memory_space<hbm>> -> memref<50000x32xf32, #tpu.memory_space<hbm>>
    %dma_wait3A_45 = arith.constant 0 : i32
    %dma_wait3A_46 = arith.constant 0 : i32
    %dma_wait3A_47 = tpu.memref_slice %dma_wait3A_44[%dma_wait3A_45, %dma_wait3A_46] : memref<50000x32xf32, #tpu.memory_space<hbm>> -> memref<50000x32xf32, #tpu.memory_space<hbm>>
    tpu.wait_indirect_dma semaphore(%arg15 : memref<!tpu.dma_semaphore, #tpu.memory_space<semaphore_mem>>) src(%dma_wait3A_47 : memref<50000x32xf32, #tpu.memory_space<hbm>>) dst(%arg11 : memref<200x32xf32, #tpu.memory_space<vmem>>)
    "tpu.region"() ({
      %run_scoped3A = tpu.sem_alloc : memref<!tpu.dma_semaphore, #tpu.memory_space<semaphore_mem>>
      %dma_start3A_53 = arith.constant 0 : i32
      %dma_start3A_54 = arith.constant 0 : i32
      %dma_start3A_55 = tpu.memref_slice %arg13[%dma_start3A_53, %dma_start3A_54] : memref<50176x32xf32, #tpu.memory_space<vmem_shared>> -> memref<50176x32xf32, #tpu.memory_space<vmem_shared>>
      tpu.enqueue_indirect_dma source(%arg11 : memref<200x32xf32, #tpu.memory_space<vmem>>) target(%dma_start3A_55 : memref<50176x32xf32, #tpu.memory_space<vmem_shared>>) offsets(%arg9 : memref<200xi32, #tpu.memory_space<vmem>>) semaphore(%run_scoped3A : memref<!tpu.dma_semaphore, #tpu.memory_space<semaphore_mem>>) {add = true}
      %dma_wait3A_56 = arith.constant 0 : i32
      %dma_wait3A_57 = arith.constant 0 : i32
      %dma_wait3A_58 = tpu.memref_slice %arg13[%dma_wait3A_56, %dma_wait3A_57] : memref<50176x32xf32, #tpu.memory_space<vmem_shared>> -> memref<50176x32xf32, #tpu.memory_space<vmem_shared>>
      tpu.wait_indirect_dma semaphore(%run_scoped3A : memref<!tpu.dma_semaphore, #tpu.memory_space<semaphore_mem>>) src(%arg11 : memref<200x32xf32, #tpu.memory_space<vmem>>) dst(%dma_wait3A_58 : memref<50176x32xf32, #tpu.memory_space<vmem_shared>>)
      tpu.yield
    }) : () -> ()
    %barrier3A_48 = arith.constant 0 : index
    tpu.barrier barrier_id(%barrier3A_48)
    %mul3A_49 = arith.constant 3136 : i32
    %mul3A_50 = arith.muli %arg1, %mul3A_49 : i32
    %mul3A_51 = arith.constant 3136 : i32
    %mul3A_52 = arith.muli %arg1, %mul3A_51 : i32
    "tpu.region"() ({
      %run_scoped3A = tpu.sem_alloc : memref<!tpu.dma_semaphore, #tpu.memory_space<semaphore_mem>>
      %dma_start3A_53 = arith.constant 0 : i32
      %dma_start3A_54 = arith.constant 0 : i32
      %dma_start3A_55 = tpu.memref_slice %arg5[%arg0, %dma_start3A_53, %dma_start3A_54] : memref<2x50176x32xf32, #tpu.memory_space<hbm>> -> memref<1x50176x32xf32, #tpu.memory_space<hbm>>
      %dma_start3A_56 = tpu.memref_squeeze %dma_start3A_55 : memref<1x50176x32xf32, #tpu.memory_space<hbm>> -> memref<50176x32xf32, #tpu.memory_space<hbm>>
      %dma_start3A_57 = arith.constant 0 : i32
      %dma_start3A_58 = tpu.memref_slice %dma_start3A_56[%mul3A_52, %dma_start3A_57] : memref<50176x32xf32, #tpu.memory_space<hbm>> -> memref<3136x32xf32, #tpu.memory_space<hbm>>
      %dma_start3A_59 = arith.constant 0 : i32
      %dma_start3A_60 = tpu.memref_slice %arg13[%mul3A_50, %dma_start3A_59] : memref<50176x32xf32, #tpu.memory_space<vmem_shared>> -> memref<3136x32xf32, #tpu.memory_space<vmem_shared>>
      tpu.enqueue_dma source(%dma_start3A_60 : memref<3136x32xf32, #tpu.memory_space<vmem_shared>>) target(%dma_start3A_58 : memref<3136x32xf32, #tpu.memory_space<hbm>>) target_semaphore(%run_scoped3A : memref<!tpu.dma_semaphore, #tpu.memory_space<semaphore_mem>>)
      %dma_wait3A_61 = arith.constant 0 : i32
      %dma_wait3A_62 = arith.constant 0 : i32
      %dma_wait3A_63 = tpu.memref_slice %arg5[%arg0, %dma_wait3A_61, %dma_wait3A_62] : memref<2x50176x32xf32, #tpu.memory_space<hbm>> -> memref<1x50176x32xf32, #tpu.memory_space<hbm>>
      %dma_wait3A_64 = tpu.memref_squeeze %dma_wait3A_63 : memref<1x50176x32xf32, #tpu.memory_space<hbm>> -> memref<50176x32xf32, #tpu.memory_space<hbm>>
      %dma_wait3A_65 = arith.constant 0 : i32
      %dma_wait3A_66 = tpu.memref_slice %dma_wait3A_64[%mul3A_52, %dma_wait3A_65] : memref<50176x32xf32, #tpu.memory_space<hbm>> -> memref<3136x32xf32, #tpu.memory_space<hbm>>
      %dma_wait3A_67 = arith.constant 0 : i32
      %dma_wait3A_68 = tpu.memref_slice %arg13[%mul3A_50, %dma_wait3A_67] : memref<50176x32xf32, #tpu.memory_space<vmem_shared>> -> memref<3136x32xf32, #tpu.memory_space<vmem_shared>>
      tpu.wait_dma2 semaphore(%run_scoped3A : memref<!tpu.dma_semaphore, #tpu.memory_space<semaphore_mem>>) src(%dma_wait3A_68 : memref<3136x32xf32, #tpu.memory_space<vmem_shared>>) dst(%dma_wait3A_66 : memref<3136x32xf32, #tpu.memory_space<hbm>>)
      tpu.yield
    }) : () -> ()
    return
  }
}

#map = affine_map<(d0, d1) -> (0, 0, 0)>
#map1 = affine_map<(d0, d1) -> (0)>
module attributes {stable_mosaic.version = 14 : i64} {
  func.func @seg(%arg0: i32, %arg1: i32, %arg2: memref<2x50000x32xf32, #tpu.memory_space<hbm>>, %arg3: memref<800000xi32, #tpu.memory_space<hbm>>, %arg4: memref<800000xi32, #tpu.memory_space<hbm>>, %arg5: memref<2x50176x32xf32, #tpu.memory_space<hbm>>, %arg6: memref<200xi32, #tpu.memory_space<vmem>>, %arg7: memref<200xi32, #tpu.memory_space<vmem>>, %arg8: memref<200xi32, #tpu.memory_space<vmem>>, %arg9: memref<200xi32, #tpu.memory_space<vmem>>, %arg10: memref<200x32xf32, #tpu.memory_space<vmem>>, %arg11: memref<200x32xf32, #tpu.memory_space<vmem>>, %arg12: memref<196x32xf32, #tpu.memory_space<vmem>>, %arg13: memref<50176x32xf32, #tpu.memory_space<vmem_shared>>, %arg14: memref<!tpu.dma_semaphore, #tpu.memory_space<semaphore_mem>>, %arg15: memref<!tpu.dma_semaphore, #tpu.memory_space<semaphore_mem>>) attributes {dimension_semantics = [#tpu.dimension_semantics<core_parallel>, #tpu.dimension_semantics<subcore_parallel>], iteration_bounds = array<i64: 2, 16>, scalar_prefetch = 0 : i64, scratch_operands = 10 : i64, tpu.core_type = #tpu.core_type<sc_vector_subcore>, window_params = [{transform_indices = #map}, {transform_indices = #map1}, {transform_indices = #map1}, {transform_indices = #map}]} {
    %scan3A = arith.constant 0 : i32
    %scan3A_0 = arith.constant 196 : i32
    %scan3A_1 = arith.addi %scan3A, %scan3A_0 : i32
    %scan3A_2 = arith.constant 1 : i32
    scf.for %scan3A_53 = %scan3A to %scan3A_1 step %scan3A_2  : i32 {
      %mul3A_54 = arith.constant 1 : i32
      %mul3A_55 = arith.muli %scan3A_53, %mul3A_54 : i32
      %add3A_56 = arith.constant 0 : i32
      %add3A_57 = arith.addi %add3A_56, %mul3A_55 : i32
      %broadcast_in_dim3A = arith.constant 0.000000e+00 : f32
      %broadcast_in_dim3A_58 = vector.broadcast %broadcast_in_dim3A : f32 to vector<16xf32>
      %swap3A = arith.index_cast %add3A_57 : i32 to index
      %swap3A_59 = arith.constant 0 : index
      %swap3A_60 = tpu.vector_load %arg12[%swap3A, %swap3A_59] {strides = array<i32>} : memref<196x32xf32, #tpu.memory_space<vmem>>, vector<1x16xf32>,
      %swap3A_61 = vector.shape_cast %swap3A_60 : vector<1x16xf32> to vector<16xf32>
      %swap3A_62 = vector.shape_cast %broadcast_in_dim3A_58 : vector<16xf32> to vector<1x16xf32>
      tpu.vector_store %arg12[%swap3A, %swap3A_59], %swap3A_62 {strides = array<i32>} : memref<196x32xf32, #tpu.memory_space<vmem>>, vector<1x16xf32>,
      %broadcast_in_dim3A_63 = arith.constant 0.000000e+00 : f32
      %broadcast_in_dim3A_64 = vector.broadcast %broadcast_in_dim3A_63 : f32 to vector<16xf32>
      %swap3A_65 = arith.index_cast %add3A_57 : i32 to index
      %swap3A_66 = arith.constant 16 : index
      %swap3A_67 = tpu.vector_load %arg12[%swap3A_65, %swap3A_66] {strides = array<i32>} : memref<196x32xf32, #tpu.memory_space<vmem>>, vector<1x16xf32>,
      %swap3A_68 = vector.shape_cast %swap3A_67 : vector<1x16xf32> to vector<16xf32>
      %swap3A_69 = vector.shape_cast %broadcast_in_dim3A_64 : vector<16xf32> to vector<1x16xf32>
      tpu.vector_store %arg12[%swap3A_65, %swap3A_66], %swap3A_69 {strides = array<i32>} : memref<196x32xf32, #tpu.memory_space<vmem>>, vector<1x16xf32>,
    }
    %scan3A_3 = arith.constant 196 : i32
    %scan3A_4 = arith.constant 0 : i32
    %scan3A_5 = arith.constant 16 : i32
    %scan3A_6 = arith.addi %scan3A_4, %scan3A_5 : i32
    %scan3A_7 = arith.constant 1 : i32
    scf.for %scan3A_53 = %scan3A_4 to %scan3A_6 step %scan3A_7  : i32 {
      %mul3A_54 = arith.constant 1 : i32
      %mul3A_55 = arith.muli %scan3A_53, %mul3A_54 : i32
      %add3A_56 = arith.constant 0 : i32
      %add3A_57 = arith.addi %add3A_56, %mul3A_55 : i32
      %mul3A_58 = arith.constant 3136 : i32
      %mul3A_59 = arith.muli %arg1, %mul3A_58 : i32
      %mul3A_60 = arith.constant 196 : i32
      %mul3A_61 = arith.muli %add3A_57, %mul3A_60 : i32
      %add3A_62 = arith.addi %mul3A_59, %mul3A_61 : i32
      "tpu.region"() ({
        %run_scoped3A = tpu.sem_alloc : memref<!tpu.dma_semaphore, #tpu.memory_space<semaphore_mem>>
        %dma_start3A_63 = arith.constant 0 : i32
        %dma_start3A_64 = tpu.memref_slice %arg13[%add3A_62, %dma_start3A_63] : memref<50176x32xf32, #tpu.memory_space<vmem_shared>> -> memref<196x32xf32, #tpu.memory_space<vmem_shared>>
        %dma_start3A_65 = arith.constant 0 : i32
        %dma_start3A_66 = tpu.memref_slice %arg13[%add3A_62, %dma_start3A_65] : memref<50176x32xf32, #tpu.memory_space<vmem_shared>> -> memref<196x32xf32, #tpu.memory_space<vmem_shared>>
        tpu.enqueue_dma source(%arg12 : memref<196x32xf32, #tpu.memory_space<vmem>>) target(%dma_start3A_66 : memref<196x32xf32, #tpu.memory_space<vmem_shared>>) target_semaphore(%run_scoped3A : memref<!tpu.dma_semaphore, #tpu.memory_space<semaphore_mem>>)
        %dma_wait3A_67 = arith.constant 0 : i32
        %dma_wait3A_68 = tpu.memref_slice %arg13[%add3A_62, %dma_wait3A_67] : memref<50176x32xf32, #tpu.memory_space<vmem_shared>> -> memref<196x32xf32, #tpu.memory_space<vmem_shared>>
        %dma_wait3A_69 = arith.constant 0 : i32
        %dma_wait3A_70 = tpu.memref_slice %arg13[%add3A_62, %dma_wait3A_69] : memref<50176x32xf32, #tpu.memory_space<vmem_shared>> -> memref<196x32xf32, #tpu.memory_space<vmem_shared>>
        tpu.wait_dma2 semaphore(%run_scoped3A : memref<!tpu.dma_semaphore, #tpu.memory_space<semaphore_mem>>) src(%arg12 : memref<196x32xf32, #tpu.memory_space<vmem>>) dst(%dma_wait3A_70 : memref<196x32xf32, #tpu.memory_space<vmem_shared>>)
        tpu.yield
      }) : () -> ()
    }
    %scan3A_8 = arith.constant 16 : i32
    %barrier3A = arith.constant 0 : index
    tpu.barrier barrier_id(%barrier3A)
    %mul3A = arith.constant 50000 : i32
    %mul3A_9 = arith.muli %arg1, %mul3A : i32
    %add3A = arith.constant 0 : i32
    %add3A_10 = arith.addi %mul3A_9, %add3A : i32
    "tpu.region"() ({
      %run_scoped3A = tpu.sem_alloc : memref<!tpu.dma_semaphore, #tpu.memory_space<semaphore_mem>>
      %dma_start3A_53 = tpu.memref_slice %arg3[%add3A_10] : memref<800000xi32, #tpu.memory_space<hbm>> -> memref<200xi32, #tpu.memory_space<hbm>>
      %dma_start3A_54 = tpu.memref_slice %arg3[%add3A_10] : memref<800000xi32, #tpu.memory_space<hbm>> -> memref<200xi32, #tpu.memory_space<hbm>>
      tpu.enqueue_dma source(%dma_start3A_54 : memref<200xi32, #tpu.memory_space<hbm>>) target(%arg6 : memref<200xi32, #tpu.memory_space<vmem>>) target_semaphore(%run_scoped3A : memref<!tpu.dma_semaphore, #tpu.memory_space<semaphore_mem>>)
      %dma_wait3A_55 = tpu.memref_slice %arg3[%add3A_10] : memref<800000xi32, #tpu.memory_space<hbm>> -> memref<200xi32, #tpu.memory_space<hbm>>
      %dma_wait3A_56 = tpu.memref_slice %arg3[%add3A_10] : memref<800000xi32, #tpu.memory_space<hbm>> -> memref<200xi32, #tpu.memory_space<hbm>>
      tpu.wait_dma2 semaphore(%run_scoped3A : memref<!tpu.dma_semaphore, #tpu.memory_space<semaphore_mem>>) src(%dma_wait3A_56 : memref<200xi32, #tpu.memory_space<hbm>>) dst(%arg6 : memref<200xi32, #tpu.memory_space<vmem>>)
      tpu.yield
    }) : () -> ()
    %add3A_11 = arith.constant 0 : i32
    %add3A_12 = arith.addi %mul3A_9, %add3A_11 : i32
    "tpu.region"() ({
      %run_scoped3A = tpu.sem_alloc : memref<!tpu.dma_semaphore, #tpu.memory_space<semaphore_mem>>
      %dma_start3A_53 = tpu.memref_slice %arg4[%add3A_12] : memref<800000xi32, #tpu.memory_space<hbm>> -> memref<200xi32, #tpu.memory_space<hbm>>
      %dma_start3A_54 = tpu.memref_slice %arg4[%add3A_12] : memref<800000xi32, #tpu.memory_space<hbm>> -> memref<200xi32, #tpu.memory_space<hbm>>
      tpu.enqueue_dma source(%dma_start3A_54 : memref<200xi32, #tpu.memory_space<hbm>>) target(%arg7 : memref<200xi32, #tpu.memory_space<vmem>>) target_semaphore(%run_scoped3A : memref<!tpu.dma_semaphore, #tpu.memory_space<semaphore_mem>>)
      %dma_wait3A_55 = tpu.memref_slice %arg4[%add3A_12] : memref<800000xi32, #tpu.memory_space<hbm>> -> memref<200xi32, #tpu.memory_space<hbm>>
      %dma_wait3A_56 = tpu.memref_slice %arg4[%add3A_12] : memref<800000xi32, #tpu.memory_space<hbm>> -> memref<200xi32, #tpu.memory_space<hbm>>
      tpu.wait_dma2 semaphore(%run_scoped3A : memref<!tpu.dma_semaphore, #tpu.memory_space<semaphore_mem>>) src(%dma_wait3A_56 : memref<200xi32, #tpu.memory_space<hbm>>) dst(%arg7 : memref<200xi32, #tpu.memory_space<vmem>>)
      tpu.yield
    }) : () -> ()
    %dma_start3A = arith.constant 0 : i32
    %dma_start3A_13 = arith.constant 0 : i32
    %dma_start3A_14 = tpu.memref_slice %arg2[%arg0, %dma_start3A, %dma_start3A_13] : memref<2x50000x32xf32, #tpu.memory_space<hbm>> -> memref<1x50000x32xf32, #tpu.memory_space<hbm>>
    %dma_start3A_15 = tpu.memref_squeeze %dma_start3A_14 : memref<1x50000x32xf32, #tpu.memory_space<hbm>> -> memref<50000x32xf32, #tpu.memory_space<hbm>>
    %dma_start3A_16 = arith.constant 0 : i32
    %dma_start3A_17 = arith.constant 0 : i32
    %dma_start3A_18 = tpu.memref_slice %dma_start3A_15[%dma_start3A_16, %dma_start3A_17] : memref<50000x32xf32, #tpu.memory_space<hbm>> -> memref<50000x32xf32, #tpu.memory_space<hbm>>
    tpu.enqueue_indirect_dma source(%dma_start3A_18 : memref<50000x32xf32, #tpu.memory_space<hbm>>) target(%arg10 : memref<200x32xf32, #tpu.memory_space<vmem>>) offsets(%arg6 : memref<200xi32, #tpu.memory_space<vmem>>) semaphore(%arg14 : memref<!tpu.dma_semaphore, #tpu.memory_space<semaphore_mem>>)
    %add3A_19 = arith.constant 200 : i32
    %add3A_20 = arith.addi %mul3A_9, %add3A_19 : i32
    "tpu.region"() ({
      %run_scoped3A = tpu.sem_alloc : memref<!tpu.dma_semaphore, #tpu.memory_space<semaphore_mem>>
      %dma_start3A_53 = tpu.memref_slice %arg3[%add3A_20] : memref<800000xi32, #tpu.memory_space<hbm>> -> memref<200xi32, #tpu.memory_space<hbm>>
      %dma_start3A_54 = tpu.memref_slice %arg3[%add3A_20] : memref<800000xi32, #tpu.memory_space<hbm>> -> memref<200xi32, #tpu.memory_space<hbm>>
      tpu.enqueue_dma source(%dma_start3A_54 : memref<200xi32, #tpu.memory_space<hbm>>) target(%arg8 : memref<200xi32, #tpu.memory_space<vmem>>) target_semaphore(%run_scoped3A : memref<!tpu.dma_semaphore, #tpu.memory_space<semaphore_mem>>)
      %dma_wait3A_55 = tpu.memref_slice %arg3[%add3A_20] : memref<800000xi32, #tpu.memory_space<hbm>> -> memref<200xi32, #tpu.memory_space<hbm>>
      %dma_wait3A_56 = tpu.memref_slice %arg3[%add3A_20] : memref<800000xi32, #tpu.memory_space<hbm>> -> memref<200xi32, #tpu.memory_space<hbm>>
      tpu.wait_dma2 semaphore(%run_scoped3A : memref<!tpu.dma_semaphore, #tpu.memory_space<semaphore_mem>>) src(%dma_wait3A_56 : memref<200xi32, #tpu.memory_space<hbm>>) dst(%arg8 : memref<200xi32, #tpu.memory_space<vmem>>)
      tpu.yield
    }) : () -> ()
    %add3A_21 = arith.constant 200 : i32
    %add3A_22 = arith.addi %mul3A_9, %add3A_21 : i32
    "tpu.region"() ({
      %run_scoped3A = tpu.sem_alloc : memref<!tpu.dma_semaphore, #tpu.memory_space<semaphore_mem>>
      %dma_start3A_53 = tpu.memref_slice %arg4[%add3A_22] : memref<800000xi32, #tpu.memory_space<hbm>> -> memref<200xi32, #tpu.memory_space<hbm>>
      %dma_start3A_54 = tpu.memref_slice %arg4[%add3A_22] : memref<800000xi32, #tpu.memory_space<hbm>> -> memref<200xi32, #tpu.memory_space<hbm>>
      tpu.enqueue_dma source(%dma_start3A_54 : memref<200xi32, #tpu.memory_space<hbm>>) target(%arg9 : memref<200xi32, #tpu.memory_space<vmem>>) target_semaphore(%run_scoped3A : memref<!tpu.dma_semaphore, #tpu.memory_space<semaphore_mem>>)
      %dma_wait3A_55 = tpu.memref_slice %arg4[%add3A_22] : memref<800000xi32, #tpu.memory_space<hbm>> -> memref<200xi32, #tpu.memory_space<hbm>>
      %dma_wait3A_56 = tpu.memref_slice %arg4[%add3A_22] : memref<800000xi32, #tpu.memory_space<hbm>> -> memref<200xi32, #tpu.memory_space<hbm>>
      tpu.wait_dma2 semaphore(%run_scoped3A : memref<!tpu.dma_semaphore, #tpu.memory_space<semaphore_mem>>) src(%dma_wait3A_56 : memref<200xi32, #tpu.memory_space<hbm>>) dst(%arg9 : memref<200xi32, #tpu.memory_space<vmem>>)
      tpu.yield
    }) : () -> ()
    %dma_start3A_23 = arith.constant 0 : i32
    %dma_start3A_24 = arith.constant 0 : i32
    %dma_start3A_25 = tpu.memref_slice %arg2[%arg0, %dma_start3A_23, %dma_start3A_24] : memref<2x50000x32xf32, #tpu.memory_space<hbm>> -> memref<1x50000x32xf32, #tpu.memory_space<hbm>>
    %dma_start3A_26 = tpu.memref_squeeze %dma_start3A_25 : memref<1x50000x32xf32, #tpu.memory_space<hbm>> -> memref<50000x32xf32, #tpu.memory_space<hbm>>
    %dma_start3A_27 = arith.constant 0 : i32
    %dma_start3A_28 = arith.constant 0 : i32
    %dma_start3A_29 = tpu.memref_slice %dma_start3A_26[%dma_start3A_27, %dma_start3A_28] : memref<50000x32xf32, #tpu.memory_space<hbm>> -> memref<50000x32xf32, #tpu.memory_space<hbm>>
    tpu.enqueue_indirect_dma source(%dma_start3A_29 : memref<50000x32xf32, #tpu.memory_space<hbm>>) target(%arg11 : memref<200x32xf32, #tpu.memory_space<vmem>>) offsets(%arg8 : memref<200xi32, #tpu.memory_space<vmem>>) semaphore(%arg15 : memref<!tpu.dma_semaphore, #tpu.memory_space<semaphore_mem>>)
    %scan3A_30 = arith.constant 0 : i32
    %scan3A_31 = arith.constant 124 : i32
    %scan3A_32 = arith.addi %scan3A_30, %scan3A_31 : i32
    %scan3A_33 = arith.constant 1 : i32
    scf.for %scan3A_53 = %scan3A_30 to %scan3A_32 step %scan3A_33  : i32 {
      %mul3A_54 = arith.constant 1 : i32
      %mul3A_55 = arith.muli %scan3A_53, %mul3A_54 : i32
      %add3A_56 = arith.constant 0 : i32
      %add3A_57 = arith.addi %add3A_56, %mul3A_55 : i32
      %mul3A_58 = arith.constant 2 : i32
      %mul3A_59 = arith.muli %mul3A_58, %add3A_57 : i32
      %dma_wait3A_60 = arith.constant 0 : i32
      %dma_wait3A_61 = arith.constant 0 : i32
      %dma_wait3A_62 = tpu.memref_slice %arg2[%arg0, %dma_wait3A_60, %dma_wait3A_61] : memref<2x50000x32xf32, #tpu.memory_space<hbm>> -> memref<1x50000x32xf32, #tpu.memory_space<hbm>>
      %dma_wait3A_63 = tpu.memref_squeeze %dma_wait3A_62 : memref<1x50000x32xf32, #tpu.memory_space<hbm>> -> memref<50000x32xf32, #tpu.memory_space<hbm>>
      %dma_wait3A_64 = arith.constant 0 : i32
      %dma_wait3A_65 = arith.constant 0 : i32
      %dma_wait3A_66 = tpu.memref_slice %dma_wait3A_63[%dma_wait3A_64, %dma_wait3A_65] : memref<50000x32xf32, #tpu.memory_space<hbm>> -> memref<50000x32xf32, #tpu.memory_space<hbm>>
      tpu.wait_indirect_dma semaphore(%arg14 : memref<!tpu.dma_semaphore, #tpu.memory_space<semaphore_mem>>) src(%dma_wait3A_66 : memref<50000x32xf32, #tpu.memory_space<hbm>>) dst(%arg10 : memref<200x32xf32, #tpu.memory_space<vmem>>)
      "tpu.region"() ({
        %run_scoped3A = tpu.sem_alloc : memref<!tpu.dma_semaphore, #tpu.memory_space<semaphore_mem>>
        %dma_start3A_104 = arith.constant 0 : i32
        %dma_start3A_105 = arith.constant 0 : i32
        %dma_start3A_106 = tpu.memref_slice %arg13[%dma_start3A_104, %dma_start3A_105] : memref<50176x32xf32, #tpu.memory_space<vmem_shared>> -> memref<50176x32xf32, #tpu.memory_space<vmem_shared>>
        tpu.enqueue_indirect_dma source(%arg10 : memref<200x32xf32, #tpu.memory_space<vmem>>) target(%dma_start3A_106 : memref<50176x32xf32, #tpu.memory_space<vmem_shared>>) offsets(%arg7 : memref<200xi32, #tpu.memory_space<vmem>>) semaphore(%run_scoped3A : memref<!tpu.dma_semaphore, #tpu.memory_space<semaphore_mem>>) {add = true}
        %dma_wait3A_107 = arith.constant 0 : i32
        %dma_wait3A_108 = arith.constant 0 : i32
        %dma_wait3A_109 = tpu.memref_slice %arg13[%dma_wait3A_107, %dma_wait3A_108] : memref<50176x32xf32, #tpu.memory_space<vmem_shared>> -> memref<50176x32xf32, #tpu.memory_space<vmem_shared>>
        tpu.wait_indirect_dma semaphore(%run_scoped3A : memref<!tpu.dma_semaphore, #tpu.memory_space<semaphore_mem>>) src(%arg10 : memref<200x32xf32, #tpu.memory_space<vmem>>) dst(%dma_wait3A_109 : memref<50176x32xf32, #tpu.memory_space<vmem_shared>>)
        tpu.yield
      }) : () -> ()
      %add3A_67 = arith.constant 2 : i32
      %add3A_68 = arith.addi %mul3A_59, %add3A_67 : i32
      %mul3A_69 = arith.constant 200 : i32
      %mul3A_70 = arith.muli %add3A_68, %mul3A_69 : i32
      %add3A_71 = arith.addi %mul3A_9, %mul3A_70 : i32
      "tpu.region"() ({
        %run_scoped3A = tpu.sem_alloc : memref<!tpu.dma_semaphore, #tpu.memory_space<semaphore_mem>>
        %dma_start3A_104 = tpu.memref_slice %arg3[%add3A_71] : memref<800000xi32, #tpu.memory_space<hbm>> -> memref<200xi32, #tpu.memory_space<hbm>>
        %dma_start3A_105 = tpu.memref_slice %arg3[%add3A_71] : memref<800000xi32, #tpu.memory_space<hbm>> -> memref<200xi32, #tpu.memory_space<hbm>>
        tpu.enqueue_dma source(%dma_start3A_105 : memref<200xi32, #tpu.memory_space<hbm>>) target(%arg6 : memref<200xi32, #tpu.memory_space<vmem>>) target_semaphore(%run_scoped3A : memref<!tpu.dma_semaphore, #tpu.memory_space<semaphore_mem>>)
        %dma_wait3A_106 = tpu.memref_slice %arg3[%add3A_71] : memref<800000xi32, #tpu.memory_space<hbm>> -> memref<200xi32, #tpu.memory_space<hbm>>
        %dma_wait3A_107 = tpu.memref_slice %arg3[%add3A_71] : memref<800000xi32, #tpu.memory_space<hbm>> -> memref<200xi32, #tpu.memory_space<hbm>>
        tpu.wait_dma2 semaphore(%run_scoped3A : memref<!tpu.dma_semaphore, #tpu.memory_space<semaphore_mem>>) src(%dma_wait3A_107 : memref<200xi32, #tpu.memory_space<hbm>>) dst(%arg6 : memref<200xi32, #tpu.memory_space<vmem>>)
        tpu.yield
      }) : () -> ()
      %mul3A_72 = arith.constant 200 : i32
      %mul3A_73 = arith.muli %add3A_68, %mul3A_72 : i32
      %add3A_74 = arith.addi %mul3A_9, %mul3A_73 : i32
      "tpu.region"() ({
        %run_scoped3A = tpu.sem_alloc : memref<!tpu.dma_semaphore, #tpu.memory_space<semaphore_mem>>
        %dma_start3A_104 = tpu.memref_slice %arg4[%add3A_74] : memref<800000xi32, #tpu.memory_space<hbm>> -> memref<200xi32, #tpu.memory_space<hbm>>
        %dma_start3A_105 = tpu.memref_slice %arg4[%add3A_74] : memref<800000xi32, #tpu.memory_space<hbm>> -> memref<200xi32, #tpu.memory_space<hbm>>
        tpu.enqueue_dma source(%dma_start3A_105 : memref<200xi32, #tpu.memory_space<hbm>>) target(%arg7 : memref<200xi32, #tpu.memory_space<vmem>>) target_semaphore(%run_scoped3A : memref<!tpu.dma_semaphore, #tpu.memory_space<semaphore_mem>>)
        %dma_wait3A_106 = tpu.memref_slice %arg4[%add3A_74] : memref<800000xi32, #tpu.memory_space<hbm>> -> memref<200xi32, #tpu.memory_space<hbm>>
        %dma_wait3A_107 = tpu.memref_slice %arg4[%add3A_74] : memref<800000xi32, #tpu.memory_space<hbm>> -> memref<200xi32, #tpu.memory_space<hbm>>
        tpu.wait_dma2 semaphore(%run_scoped3A : memref<!tpu.dma_semaphore, #tpu.memory_space<semaphore_mem>>) src(%dma_wait3A_107 : memref<200xi32, #tpu.memory_space<hbm>>) dst(%arg7 : memref<200xi32, #tpu.memory_space<vmem>>)
        tpu.yield
      }) : () -> ()
      %dma_start3A_75 = arith.constant 0 : i32
      %dma_start3A_76 = arith.constant 0 : i32
      %dma_start3A_77 = tpu.memref_slice %arg2[%arg0, %dma_start3A_75, %dma_start3A_76] : memref<2x50000x32xf32, #tpu.memory_space<hbm>> -> memref<1x50000x32xf32, #tpu.memory_space<hbm>>
      %dma_start3A_78 = tpu.memref_squeeze %dma_start3A_77 : memref<1x50000x32xf32, #tpu.memory_space<hbm>> -> memref<50000x32xf32, #tpu.memory_space<hbm>>
      %dma_start3A_79 = arith.constant 0 : i32
      %dma_start3A_80 = arith.constant 0 : i32
      %dma_start3A_81 = tpu.memref_slice %dma_start3A_78[%dma_start3A_79, %dma_start3A_80] : memref<50000x32xf32, #tpu.memory_space<hbm>> -> memref<50000x32xf32, #tpu.memory_space<hbm>>
      tpu.enqueue_indirect_dma source(%dma_start3A_81 : memref<50000x32xf32, #tpu.memory_space<hbm>>) target(%arg10 : memref<200x32xf32, #tpu.memory_space<vmem>>) offsets(%arg6 : memref<200xi32, #tpu.memory_space<vmem>>) semaphore(%arg14 : memref<!tpu.dma_semaphore, #tpu.memory_space<semaphore_mem>>)
      %dma_wait3A_82 = arith.constant 0 : i32
      %dma_wait3A_83 = arith.constant 0 : i32
      %dma_wait3A_84 = tpu.memref_slice %arg2[%arg0, %dma_wait3A_82, %dma_wait3A_83] : memref<2x50000x32xf32, #tpu.memory_space<hbm>> -> memref<1x50000x32xf32, #tpu.memory_space<hbm>>
      %dma_wait3A_85 = tpu.memref_squeeze %dma_wait3A_84 : memref<1x50000x32xf32, #tpu.memory_space<hbm>> -> memref<50000x32xf32, #tpu.memory_space<hbm>>
      %dma_wait3A_86 = arith.constant 0 : i32
      %dma_wait3A_87 = arith.constant 0 : i32
      %dma_wait3A_88 = tpu.memref_slice %dma_wait3A_85[%dma_wait3A_86, %dma_wait3A_87] : memref<50000x32xf32, #tpu.memory_space<hbm>> -> memref<50000x32xf32, #tpu.memory_space<hbm>>
      tpu.wait_indirect_dma semaphore(%arg15 : memref<!tpu.dma_semaphore, #tpu.memory_space<semaphore_mem>>) src(%dma_wait3A_88 : memref<50000x32xf32, #tpu.memory_space<hbm>>) dst(%arg11 : memref<200x32xf32, #tpu.memory_space<vmem>>)
      "tpu.region"() ({
        %run_scoped3A = tpu.sem_alloc : memref<!tpu.dma_semaphore, #tpu.memory_space<semaphore_mem>>
        %dma_start3A_104 = arith.constant 0 : i32
        %dma_start3A_105 = arith.constant 0 : i32
        %dma_start3A_106 = tpu.memref_slice %arg13[%dma_start3A_104, %dma_start3A_105] : memref<50176x32xf32, #tpu.memory_space<vmem_shared>> -> memref<50176x32xf32, #tpu.memory_space<vmem_shared>>
        tpu.enqueue_indirect_dma source(%arg11 : memref<200x32xf32, #tpu.memory_space<vmem>>) target(%dma_start3A_106 : memref<50176x32xf32, #tpu.memory_space<vmem_shared>>) offsets(%arg9 : memref<200xi32, #tpu.memory_space<vmem>>) semaphore(%run_scoped3A : memref<!tpu.dma_semaphore, #tpu.memory_space<semaphore_mem>>) {add = true}
        %dma_wait3A_107 = arith.constant 0 : i32
        %dma_wait3A_108 = arith.constant 0 : i32
        %dma_wait3A_109 = tpu.memref_slice %arg13[%dma_wait3A_107, %dma_wait3A_108] : memref<50176x32xf32, #tpu.memory_space<vmem_shared>> -> memref<50176x32xf32, #tpu.memory_space<vmem_shared>>
        tpu.wait_indirect_dma semaphore(%run_scoped3A : memref<!tpu.dma_semaphore, #tpu.memory_space<semaphore_mem>>) src(%arg11 : memref<200x32xf32, #tpu.memory_space<vmem>>) dst(%dma_wait3A_109 : memref<50176x32xf32, #tpu.memory_space<vmem_shared>>)
        tpu.yield
      }) : () -> ()
      %add3A_89 = arith.constant 3 : i32
      %add3A_90 = arith.addi %mul3A_59, %add3A_89 : i32
      %mul3A_91 = arith.constant 200 : i32
      %mul3A_92 = arith.muli %add3A_90, %mul3A_91 : i32
      %add3A_93 = arith.addi %mul3A_9, %mul3A_92 : i32
      "tpu.region"() ({
        %run_scoped3A = tpu.sem_alloc : memref<!tpu.dma_semaphore, #tpu.memory_space<semaphore_mem>>
        %dma_start3A_104 = tpu.memref_slice %arg3[%add3A_93] : memref<800000xi32, #tpu.memory_space<hbm>> -> memref<200xi32, #tpu.memory_space<hbm>>
        %dma_start3A_105 = tpu.memref_slice %arg3[%add3A_93] : memref<800000xi32, #tpu.memory_space<hbm>> -> memref<200xi32, #tpu.memory_space<hbm>>
        tpu.enqueue_dma source(%dma_start3A_105 : memref<200xi32, #tpu.memory_space<hbm>>) target(%arg8 : memref<200xi32, #tpu.memory_space<vmem>>) target_semaphore(%run_scoped3A : memref<!tpu.dma_semaphore, #tpu.memory_space<semaphore_mem>>)
        %dma_wait3A_106 = tpu.memref_slice %arg3[%add3A_93] : memref<800000xi32, #tpu.memory_space<hbm>> -> memref<200xi32, #tpu.memory_space<hbm>>
        %dma_wait3A_107 = tpu.memref_slice %arg3[%add3A_93] : memref<800000xi32, #tpu.memory_space<hbm>> -> memref<200xi32, #tpu.memory_space<hbm>>
        tpu.wait_dma2 semaphore(%run_scoped3A : memref<!tpu.dma_semaphore, #tpu.memory_space<semaphore_mem>>) src(%dma_wait3A_107 : memref<200xi32, #tpu.memory_space<hbm>>) dst(%arg8 : memref<200xi32, #tpu.memory_space<vmem>>)
        tpu.yield
      }) : () -> ()
      %mul3A_94 = arith.constant 200 : i32
      %mul3A_95 = arith.muli %add3A_90, %mul3A_94 : i32
      %add3A_96 = arith.addi %mul3A_9, %mul3A_95 : i32
      "tpu.region"() ({
        %run_scoped3A = tpu.sem_alloc : memref<!tpu.dma_semaphore, #tpu.memory_space<semaphore_mem>>
        %dma_start3A_104 = tpu.memref_slice %arg4[%add3A_96] : memref<800000xi32, #tpu.memory_space<hbm>> -> memref<200xi32, #tpu.memory_space<hbm>>
        %dma_start3A_105 = tpu.memref_slice %arg4[%add3A_96] : memref<800000xi32, #tpu.memory_space<hbm>> -> memref<200xi32, #tpu.memory_space<hbm>>
        tpu.enqueue_dma source(%dma_start3A_105 : memref<200xi32, #tpu.memory_space<hbm>>) target(%arg9 : memref<200xi32, #tpu.memory_space<vmem>>) target_semaphore(%run_scoped3A : memref<!tpu.dma_semaphore, #tpu.memory_space<semaphore_mem>>)
        %dma_wait3A_106 = tpu.memref_slice %arg4[%add3A_96] : memref<800000xi32, #tpu.memory_space<hbm>> -> memref<200xi32, #tpu.memory_space<hbm>>
        %dma_wait3A_107 = tpu.memref_slice %arg4[%add3A_96] : memref<800000xi32, #tpu.memory_space<hbm>> -> memref<200xi32, #tpu.memory_space<hbm>>
        tpu.wait_dma2 semaphore(%run_scoped3A : memref<!tpu.dma_semaphore, #tpu.memory_space<semaphore_mem>>) src(%dma_wait3A_107 : memref<200xi32, #tpu.memory_space<hbm>>) dst(%arg9 : memref<200xi32, #tpu.memory_space<vmem>>)
        tpu.yield
      }) : () -> ()
      %dma_start3A_97 = arith.constant 0 : i32
      %dma_start3A_98 = arith.constant 0 : i32
      %dma_start3A_99 = tpu.memref_slice %arg2[%arg0, %dma_start3A_97, %dma_start3A_98] : memref<2x50000x32xf32, #tpu.memory_space<hbm>> -> memref<1x50000x32xf32, #tpu.memory_space<hbm>>
      %dma_start3A_100 = tpu.memref_squeeze %dma_start3A_99 : memref<1x50000x32xf32, #tpu.memory_space<hbm>> -> memref<50000x32xf32, #tpu.memory_space<hbm>>
      %dma_start3A_101 = arith.constant 0 : i32
      %dma_start3A_102 = arith.constant 0 : i32
      %dma_start3A_103 = tpu.memref_slice %dma_start3A_100[%dma_start3A_101, %dma_start3A_102] : memref<50000x32xf32, #tpu.memory_space<hbm>> -> memref<50000x32xf32, #tpu.memory_space<hbm>>
      tpu.enqueue_indirect_dma source(%dma_start3A_103 : memref<50000x32xf32, #tpu.memory_space<hbm>>) target(%arg11 : memref<200x32xf32, #tpu.memory_space<vmem>>) offsets(%arg8 : memref<200xi32, #tpu.memory_space<vmem>>) semaphore(%arg15 : memref<!tpu.dma_semaphore, #tpu.memory_space<semaphore_mem>>)
    }
    %scan3A_34 = arith.constant 124 : i32
    %dma_wait3A = arith.constant 0 : i32
    %dma_wait3A_35 = arith.constant 0 : i32
    %dma_wait3A_36 = tpu.memref_slice %arg2[%arg0, %dma_wait3A, %dma_wait3A_35] : memref<2x50000x32xf32, #tpu.memory_space<hbm>> -> memref<1x50000x32xf32, #tpu.memory_space<hbm>>
    %dma_wait3A_37 = tpu.memref_squeeze %dma_wait3A_36 : memref<1x50000x32xf32, #tpu.memory_space<hbm>> -> memref<50000x32xf32, #tpu.memory_space<hbm>>
    %dma_wait3A_38 = arith.constant 0 : i32
    %dma_wait3A_39 = arith.constant 0 : i32
    %dma_wait3A_40 = tpu.memref_slice %dma_wait3A_37[%dma_wait3A_38, %dma_wait3A_39] : memref<50000x32xf32, #tpu.memory_space<hbm>> -> memref<50000x32xf32, #tpu.memory_space<hbm>>
    tpu.wait_indirect_dma semaphore(%arg14 : memref<!tpu.dma_semaphore, #tpu.memory_space<semaphore_mem>>) src(%dma_wait3A_40 : memref<50000x32xf32, #tpu.memory_space<hbm>>) dst(%arg10 : memref<200x32xf32, #tpu.memory_space<vmem>>)
    "tpu.region"() ({
      %run_scoped3A = tpu.sem_alloc : memref<!tpu.dma_semaphore, #tpu.memory_space<semaphore_mem>>
      %dma_start3A_53 = arith.constant 0 : i32
      %dma_start3A_54 = arith.constant 0 : i32
      %dma_start3A_55 = tpu.memref_slice %arg13[%dma_start3A_53, %dma_start3A_54] : memref<50176x32xf32, #tpu.memory_space<vmem_shared>> -> memref<50176x32xf32, #tpu.memory_space<vmem_shared>>
      tpu.enqueue_indirect_dma source(%arg10 : memref<200x32xf32, #tpu.memory_space<vmem>>) target(%dma_start3A_55 : memref<50176x32xf32, #tpu.memory_space<vmem_shared>>) offsets(%arg7 : memref<200xi32, #tpu.memory_space<vmem>>) semaphore(%run_scoped3A : memref<!tpu.dma_semaphore, #tpu.memory_space<semaphore_mem>>) {add = true}
      %dma_wait3A_56 = arith.constant 0 : i32
      %dma_wait3A_57 = arith.constant 0 : i32
      %dma_wait3A_58 = tpu.memref_slice %arg13[%dma_wait3A_56, %dma_wait3A_57] : memref<50176x32xf32, #tpu.memory_space<vmem_shared>> -> memref<50176x32xf32, #tpu.memory_space<vmem_shared>>
      tpu.wait_indirect_dma semaphore(%run_scoped3A : memref<!tpu.dma_semaphore, #tpu.memory_space<semaphore_mem>>) src(%arg10 : memref<200x32xf32, #tpu.memory_space<vmem>>) dst(%dma_wait3A_58 : memref<50176x32xf32, #tpu.memory_space<vmem_shared>>)
      tpu.yield
    }) : () -> ()
    %dma_wait3A_41 = arith.constant 0 : i32
    %dma_wait3A_42 = arith.constant 0 : i32
    %dma_wait3A_43 = tpu.memref_slice %arg2[%arg0, %dma_wait3A_41, %dma_wait3A_42] : memref<2x50000x32xf32, #tpu.memory_space<hbm>> -> memref<1x50000x32xf32, #tpu.memory_space<hbm>>
    %dma_wait3A_44 = tpu.memref_squeeze %dma_wait3A_43 : memref<1x50000x32xf32, #tpu.memory_space<hbm>> -> memref<50000x32xf32, #tpu.memory_space<hbm>>
    %dma_wait3A_45 = arith.constant 0 : i32
    %dma_wait3A_46 = arith.constant 0 : i32
    %dma_wait3A_47 = tpu.memref_slice %dma_wait3A_44[%dma_wait3A_45, %dma_wait3A_46] : memref<50000x32xf32, #tpu.memory_space<hbm>> -> memref<50000x32xf32, #tpu.memory_space<hbm>>
    tpu.wait_indirect_dma semaphore(%arg15 : memref<!tpu.dma_semaphore, #tpu.memory_space<semaphore_mem>>) src(%dma_wait3A_47 : memref<50000x32xf32, #tpu.memory_space<hbm>>) dst(%arg11 : memref<200x32xf32, #tpu.memory_space<vmem>>)
    "tpu.region"() ({
      %run_scoped3A = tpu.sem_alloc : memref<!tpu.dma_semaphore, #tpu.memory_space<semaphore_mem>>
      %dma_start3A_53 = arith.constant 0 : i32
      %dma_start3A_54 = arith.constant 0 : i32
      %dma_start3A_55 = tpu.memref_slice %arg13[%dma_start3A_53, %dma_start3A_54] : memref<50176x32xf32, #tpu.memory_space<vmem_shared>> -> memref<50176x32xf32, #tpu.memory_space<vmem_shared>>
      tpu.enqueue_indirect_dma source(%arg11 : memref<200x32xf32, #tpu.memory_space<vmem>>) target(%dma_start3A_55 : memref<50176x32xf32, #tpu.memory_space<vmem_shared>>) offsets(%arg9 : memref<200xi32, #tpu.memory_space<vmem>>) semaphore(%run_scoped3A : memref<!tpu.dma_semaphore, #tpu.memory_space<semaphore_mem>>) {add = true}
      %dma_wait3A_56 = arith.constant 0 : i32
      %dma_wait3A_57 = arith.constant 0 : i32
      %dma_wait3A_58 = tpu.memref_slice %arg13[%dma_wait3A_56, %dma_wait3A_57] : memref<50176x32xf32, #tpu.memory_space<vmem_shared>> -> memref<50176x32xf32, #tpu.memory_space<vmem_shared>>
      tpu.wait_indirect_dma semaphore(%run_scoped3A : memref<!tpu.dma_semaphore, #tpu.memory_space<semaphore_mem>>) src(%arg11 : memref<200x32xf32, #tpu.memory_space<vmem>>) dst(%dma_wait3A_58 : memref<50176x32xf32, #tpu.memory_space<vmem_shared>>)
      tpu.yield
    }) : () -> ()
    %barrier3A_48 = arith.constant 0 : index
    tpu.barrier barrier_id(%barrier3A_48)
    %mul3A_49 = arith.constant 3136 : i32
    %mul3A_50 = arith.muli %arg1, %mul3A_49 : i32
    %mul3A_51 = arith.constant 3136 : i32
    %mul3A_52 = arith.muli %arg1, %mul3A_51 : i32
    "tpu.region"() ({
      %run_scoped3A = tpu.sem_alloc : memref<!tpu.dma_semaphore, #tpu.memory_space<semaphore_mem>>
      %dma_start3A_53 = arith.constant 0 : i32
      %dma_start3A_54 = arith.constant 0 : i32
      %dma_start3A_55 = tpu.memref_slice %arg5[%arg0, %dma_start3A_53, %dma_start3A_54] : memref<2x50176x32xf32, #tpu.memory_space<hbm>> -> memref<1x50176x32xf32, #tpu.memory_space<hbm>>
      %dma_start3A_56 = tpu.memref_squeeze %dma_start3A_55 : memref<1x50176x32xf32, #tpu.memory_space<hbm>> -> memref<50176x32xf32, #tpu.memory_space<hbm>>
      %dma_start3A_57 = arith.constant 0 : i32
      %dma_start3A_58 = tpu.memref_slice %dma_start3A_56[%mul3A_52, %dma_start3A_57] : memref<50176x32xf32, #tpu.memory_space<hbm>> -> memref<3136x32xf32, #tpu.memory_space<hbm>>
      %dma_start3A_59 = arith.constant 0 : i32
      %dma_start3A_60 = tpu.memref_slice %arg13[%mul3A_50, %dma_start3A_59] : memref<50176x32xf32, #tpu.memory_space<vmem_shared>> -> memref<3136x32xf32, #tpu.memory_space<vmem_shared>>
      tpu.enqueue_dma source(%dma_start3A_60 : memref<3136x32xf32, #tpu.memory_space<vmem_shared>>) target(%dma_start3A_58 : memref<3136x32xf32, #tpu.memory_space<hbm>>) target_semaphore(%run_scoped3A : memref<!tpu.dma_semaphore, #tpu.memory_space<semaphore_mem>>)
      %dma_wait3A_61 = arith.constant 0 : i32
      %dma_wait3A_62 = arith.constant 0 : i32
      %dma_wait3A_63 = tpu.memref_slice %arg5[%arg0, %dma_wait3A_61, %dma_wait3A_62] : memref<2x50176x32xf32, #tpu.memory_space<hbm>> -> memref<1x50176x32xf32, #tpu.memory_space<hbm>>
      %dma_wait3A_64 = tpu.memref_squeeze %dma_wait3A_63 : memref<1x50176x32xf32, #tpu.memory_space<hbm>> -> memref<50176x32xf32, #tpu.memory_space<hbm>>
      %dma_wait3A_65 = arith.constant 0 : i32
      %dma_wait3A_66 = tpu.memref_slice %dma_wait3A_64[%mul3A_52, %dma_wait3A_65] : memref<50176x32xf32, #tpu.memory_space<hbm>> -> memref<3136x32xf32, #tpu.memory_space<hbm>>
      %dma_wait3A_67 = arith.constant 0 : i32
      %dma_wait3A_68 = tpu.memref_slice %arg13[%mul3A_50, %dma_wait3A_67] : memref<50176x32xf32, #tpu.memory_space<vmem_shared>> -> memref<3136x32xf32, #tpu.memory_space<vmem_shared>>
      tpu.wait_dma2 semaphore(%run_scoped3A : memref<!tpu.dma_semaphore, #tpu.memory_space<semaphore_mem>>) src(%dma_wait3A_68 : memref<3136x32xf32, #tpu.memory_space<vmem_shared>>) dst(%dma_wait3A_66 : memref<3136x32xf32, #tpu.memory_space<hbm>>)
      tpu.yield
    }) : () -> ()
    return
  }
}

module attributes {stable_mosaic.version = 14 : i64} {
  func.func @_init_body(%arg0: i32, %arg1: memref<1000x2xf32, #tpu.memory_space<vmem>>, %arg2: memref<2x64xf32, #tpu.memory_space<vmem>>, %arg3: memref<1x64xf32, #tpu.memory_space<vmem>>, %arg4: memref<1000x64xf32, #tpu.memory_space<vmem>>, %arg5: memref<2x1000x32xf32, #tpu.memory_space<vmem>>) attributes {dimension_semantics = [#tpu.dimension_semantics<arbitrary>], iteration_bounds = array<i64: 50>, scalar_prefetch = 0 : i64, scratch_operands = 0 : i64, tpu.core_type = #tpu.core_type<tc>, window_params = [{transform_indices = @transform_0, window_bounds = array<i64: 1000, 2>}, {pipeline_mode = #tpu.pipeline_mode<synchronous>, transform_indices = @transform_1, window_bounds = array<i64: 2, 64>}, {pipeline_mode = #tpu.pipeline_mode<synchronous>, transform_indices = @transform_2, window_bounds = array<i64: 1, 64>}, {transform_indices = @transform_3, window_bounds = array<i64: 1000, 64>}, {transform_indices = @transform_4, window_bounds = array<i64: 2, 1000, 32>}]} {
    %get3A = arith.constant 0 : index
    %get3A_0 = arith.constant 0 : index
    %get3A_1 = vector.load %arg1[%get3A, %get3A_0] : memref<1000x2xf32, #tpu.memory_space<vmem>>, vector<1000x2xf32>
    %get3A_2 = arith.constant 0 : index
    %get3A_3 = arith.constant 0 : index
    %get3A_4 = vector.load %arg2[%get3A_2, %get3A_3] : memref<2x64xf32, #tpu.memory_space<vmem>>, vector<2x64xf32>
    %dot_general3A = arith.constant dense<0.000000e+00> : vector<1000x64xf32>
    %dot_general3A_5 = tpu.matmul %get3A_1, %get3A_4, %dot_general3A {dimension_numbers = #tpu.dot_dimension_numbers<[1], [0], [0], [1], [0, 0, 1, 1], [], []>, transpose_lhs_hint = false} : vector<1000x2xf32>, vector<2x64xf32>, vector<1000x64xf32> -> vector<1000x64xf32>
    %get3A_6 = arith.constant 0 : index
    %get3A_7 = arith.constant 0 : index
    %get3A_8 = vector.load %arg3[%get3A_6, %get3A_7] : memref<1x64xf32, #tpu.memory_space<vmem>>, vector<1x64xf32>
    %add3A = vector.broadcast %get3A_8 : vector<1x64xf32> to vector<1000x64xf32>
    %add3A_9 = arith.addf %dot_general3A_5, %add3A : vector<1000x64xf32>
    %max3A = arith.constant 0.000000e+00 : f32
    %max3A_10 = vector.broadcast %max3A : f32 to vector<1000x64xf32>
    %max3A_11 = arith.maximumf %add3A_9, %max3A_10 : vector<1000x64xf32>
    %swap3A = arith.constant 0 : index
    %swap3A_12 = arith.constant 0 : index
    %swap3A_13 = vector.load %arg4[%swap3A, %swap3A_12] : memref<1000x64xf32, #tpu.memory_space<vmem>>, vector<1000x64xf32>
    tpu.vector_store %arg4[%swap3A, %swap3A_12], %max3A_11 {strides = array<i32>} : memref<1000x64xf32, #tpu.memory_space<vmem>>, vector<1000x64xf32>,
    %slice3A = vector.extract_strided_slice %max3A_11 {offsets = [0, 0], sizes = [1000, 32], strides = [1, 1]} : vector<1000x64xf32> to vector<1000x32xf32>
    %swap3A_14 = arith.constant 0 : index
    %swap3A_15 = arith.constant 0 : index
    %swap3A_16 = arith.constant 0 : index
    %swap3A_17 = vector.load %arg5[%swap3A_14, %swap3A_15, %swap3A_16] : memref<2x1000x32xf32, #tpu.memory_space<vmem>>, vector<1x1000x32xf32>
    %swap3A_18 = vector.shape_cast %swap3A_17 : vector<1x1000x32xf32> to vector<1000x32xf32>
    %swap3A_19 = vector.shape_cast %slice3A : vector<1000x32xf32> to vector<1x1000x32xf32>
    tpu.vector_store %arg5[%swap3A_14, %swap3A_15, %swap3A_16], %swap3A_19 {strides = array<i32>} : memref<2x1000x32xf32, #tpu.memory_space<vmem>>, vector<1x1000x32xf32>,
    %slice3A_20 = vector.extract_strided_slice %max3A_11 {offsets = [0, 32], sizes = [1000, 32], strides = [1, 1]} : vector<1000x64xf32> to vector<1000x32xf32>
    %swap3A_21 = arith.constant 1 : index
    %swap3A_22 = arith.constant 0 : index
    %swap3A_23 = arith.constant 0 : index
    %swap3A_24 = vector.load %arg5[%swap3A_21, %swap3A_22, %swap3A_23] : memref<2x1000x32xf32, #tpu.memory_space<vmem>>, vector<1x1000x32xf32>
    %swap3A_25 = vector.shape_cast %swap3A_24 : vector<1x1000x32xf32> to vector<1000x32xf32>
    %swap3A_26 = vector.shape_cast %slice3A_20 : vector<1000x32xf32> to vector<1x1000x32xf32>
    tpu.vector_store %arg5[%swap3A_21, %swap3A_22, %swap3A_23], %swap3A_26 {strides = array<i32>} : memref<2x1000x32xf32, #tpu.memory_space<vmem>>, vector<1x1000x32xf32>,
    return
  }
  func.func @transform_0(%arg0: i32) -> (i32, i32) {
    %c0_i32 = arith.constant 0 : i32
    %c0_i32_0 = arith.constant 0 : i32
    return %arg0, %c0_i32 : i32, i32
  }
  func.func @transform_1(%arg0: i32) -> (i32, i32) {
    %c0_i32 = arith.constant 0 : i32
    %c0_i32_0 = arith.constant 0 : i32
    %c0_i32_1 = arith.constant 0 : i32
    return %c0_i32, %c0_i32_0 : i32, i32
  }
  func.func @transform_2(%arg0: i32) -> (i32, i32) {
    %c0_i32 = arith.constant 0 : i32
    %c0_i32_0 = arith.constant 0 : i32
    %c0_i32_1 = arith.constant 0 : i32
    return %c0_i32, %c0_i32_0 : i32, i32
  }
  func.func @transform_3(%arg0: i32) -> (i32, i32) {
    %c0_i32 = arith.constant 0 : i32
    %c0_i32_0 = arith.constant 0 : i32
    return %arg0, %c0_i32 : i32, i32
  }
  func.func @transform_4(%arg0: i32) -> (i32, i32, i32) {
    %c0_i32 = arith.constant 0 : i32
    %c0_i32_0 = arith.constant 0 : i32
    %c0_i32_1 = arith.constant 0 : i32
    return %c0_i32, %arg0, %c0_i32_0 : i32, i32, i32
  }
}

module attributes {stable_mosaic.version = 14 : i64} {
  func.func @_round_body(%arg0: i32, %arg1: memref<2x1000x32xf32, #tpu.memory_space<vmem>>, %arg2: memref<1000x64xf32, #tpu.memory_space<vmem>>, %arg3: memref<64x64xf32, #tpu.memory_space<vmem>>, %arg4: memref<2x1000x32xf32, #tpu.memory_space<vmem>>) attributes {dimension_semantics = [#tpu.dimension_semantics<arbitrary>], iteration_bounds = array<i64: 50>, scalar_prefetch = 0 : i64, scratch_operands = 0 : i64, tpu.core_type = #tpu.core_type<tc>, window_params = [{transform_indices = @transform_0, window_bounds = array<i64: 2, 1000, 32>}, {transform_indices = @transform_1, window_bounds = array<i64: 1000, 64>}, {pipeline_mode = #tpu.pipeline_mode<synchronous>, transform_indices = @transform_2, window_bounds = array<i64: 64, 64>}, {transform_indices = @transform_3, window_bounds = array<i64: 2, 1000, 32>}]} {
    %get3A = arith.constant 0 : index
    %get3A_0 = arith.constant 0 : index
    %get3A_1 = arith.constant 0 : index
    %get3A_2 = vector.load %arg1[%get3A, %get3A_0, %get3A_1] : memref<2x1000x32xf32, #tpu.memory_space<vmem>>, vector<1x1000x32xf32>
    %get3A_3 = vector.shape_cast %get3A_2 : vector<1x1000x32xf32> to vector<1000x32xf32>
    %get3A_4 = arith.constant 1 : index
    %get3A_5 = arith.constant 0 : index
    %get3A_6 = arith.constant 0 : index
    %get3A_7 = vector.load %arg1[%get3A_4, %get3A_5, %get3A_6] : memref<2x1000x32xf32, #tpu.memory_space<vmem>>, vector<1x1000x32xf32>
    %get3A_8 = vector.shape_cast %get3A_7 : vector<1x1000x32xf32> to vector<1000x32xf32>
    %concatenate3A = tpu.concatenate %get3A_3, %get3A_8 in 1 : vector<1000x32xf32>, vector<1000x32xf32> -> vector<1000x64xf32>
    %get3A_9 = arith.constant 0 : index
    %get3A_10 = arith.constant 0 : index
    %get3A_11 = vector.load %arg3[%get3A_9, %get3A_10] : memref<64x64xf32, #tpu.memory_space<vmem>>, vector<64x64xf32>
    %dot_general3A = arith.constant dense<0.000000e+00> : vector<1000x64xf32>
    %dot_general3A_12 = tpu.matmul %concatenate3A, %get3A_11, %dot_general3A {dimension_numbers = #tpu.dot_dimension_numbers<[1], [0], [0], [1], [0, 0, 1, 1], [], []>, transpose_lhs_hint = false} : vector<1000x64xf32>, vector<64x64xf32>, vector<1000x64xf32> -> vector<1000x64xf32>
    %get3A_13 = arith.constant 0 : index
    %get3A_14 = arith.constant 0 : index
    %get3A_15 = vector.load %arg2[%get3A_13, %get3A_14] : memref<1000x64xf32, #tpu.memory_space<vmem>>, vector<1000x64xf32>
    %add3A = arith.addf %dot_general3A_12, %get3A_15 : vector<1000x64xf32>
    %max3A = arith.constant 0.000000e+00 : f32
    %max3A_16 = vector.broadcast %max3A : f32 to vector<1000x64xf32>
    %max3A_17 = arith.maximumf %add3A, %max3A_16 : vector<1000x64xf32>
    %slice3A = vector.extract_strided_slice %max3A_17 {offsets = [0, 0], sizes = [1000, 32], strides = [1, 1]} : vector<1000x64xf32> to vector<1000x32xf32>
    %swap3A = arith.constant 0 : index
    %swap3A_18 = arith.constant 0 : index
    %swap3A_19 = arith.constant 0 : index
    %swap3A_20 = vector.load %arg4[%swap3A, %swap3A_18, %swap3A_19] : memref<2x1000x32xf32, #tpu.memory_space<vmem>>, vector<1x1000x32xf32>
    %swap3A_21 = vector.shape_cast %swap3A_20 : vector<1x1000x32xf32> to vector<1000x32xf32>
    %swap3A_22 = vector.shape_cast %slice3A : vector<1000x32xf32> to vector<1x1000x32xf32>
    tpu.vector_store %arg4[%swap3A, %swap3A_18, %swap3A_19], %swap3A_22 {strides = array<i32>} : memref<2x1000x32xf32, #tpu.memory_space<vmem>>, vector<1x1000x32xf32>,
    %slice3A_23 = vector.extract_strided_slice %max3A_17 {offsets = [0, 32], sizes = [1000, 32], strides = [1, 1]} : vector<1000x64xf32> to vector<1000x32xf32>
    %swap3A_24 = arith.constant 1 : index
    %swap3A_25 = arith.constant 0 : index
    %swap3A_26 = arith.constant 0 : index
    %swap3A_27 = vector.load %arg4[%swap3A_24, %swap3A_25, %swap3A_26] : memref<2x1000x32xf32, #tpu.memory_space<vmem>>, vector<1x1000x32xf32>
    %swap3A_28 = vector.shape_cast %swap3A_27 : vector<1x1000x32xf32> to vector<1000x32xf32>
    %swap3A_29 = vector.shape_cast %slice3A_23 : vector<1000x32xf32> to vector<1x1000x32xf32>
    tpu.vector_store %arg4[%swap3A_24, %swap3A_25, %swap3A_26], %swap3A_29 {strides = array<i32>} : memref<2x1000x32xf32, #tpu.memory_space<vmem>>, vector<1x1000x32xf32>,
    return
  }
  func.func @transform_0(%arg0: i32) -> (i32, i32, i32) {
    %c0_i32 = arith.constant 0 : i32
    %c0_i32_0 = arith.constant 0 : i32
    %c0_i32_1 = arith.constant 0 : i32
    return %c0_i32, %arg0, %c0_i32_0 : i32, i32, i32
  }
  func.func @transform_1(%arg0: i32) -> (i32, i32) {
    %c0_i32 = arith.constant 0 : i32
    %c0_i32_0 = arith.constant 0 : i32
    return %arg0, %c0_i32 : i32, i32
  }
  func.func @transform_2(%arg0: i32) -> (i32, i32) {
    %c0_i32 = arith.constant 0 : i32
    %c0_i32_0 = arith.constant 0 : i32
    %c0_i32_1 = arith.constant 0 : i32
    return %c0_i32, %c0_i32_0 : i32, i32
  }
  func.func @transform_3(%arg0: i32) -> (i32, i32, i32) {
    %c0_i32 = arith.constant 0 : i32
    %c0_i32_0 = arith.constant 0 : i32
    %c0_i32_1 = arith.constant 0 : i32
    return %c0_i32, %arg0, %c0_i32_0 : i32, i32, i32
  }
}

module attributes {stable_mosaic.version = 14 : i64} {
  func.func @_final_body(%arg0: i32, %arg1: memref<2x1000x32xf32, #tpu.memory_space<vmem>>, %arg2: memref<1000x64xf32, #tpu.memory_space<vmem>>, %arg3: memref<64x64xf32, #tpu.memory_space<vmem>>, %arg4: memref<64x128xf32, #tpu.memory_space<vmem>>, %arg5: memref<1x128xf32, #tpu.memory_space<vmem>>, %arg6: memref<128x1xf32, #tpu.memory_space<vmem>>, %arg7: memref<1x1xf32, #tpu.memory_space<vmem>>, %arg8: memref<1000x1xf32, #tpu.memory_space<vmem>>) attributes {dimension_semantics = [#tpu.dimension_semantics<arbitrary>], iteration_bounds = array<i64: 50>, scalar_prefetch = 0 : i64, scratch_operands = 0 : i64, tpu.core_type = #tpu.core_type<tc>, window_params = [{transform_indices = @transform_0, window_bounds = array<i64: 2, 1000, 32>}, {transform_indices = @transform_1, window_bounds = array<i64: 1000, 64>}, {pipeline_mode = #tpu.pipeline_mode<synchronous>, transform_indices = @transform_2, window_bounds = array<i64: 64, 64>}, {pipeline_mode = #tpu.pipeline_mode<synchronous>, transform_indices = @transform_3, window_bounds = array<i64: 64, 128>}, {pipeline_mode = #tpu.pipeline_mode<synchronous>, transform_indices = @transform_4, window_bounds = array<i64: 1, 128>}, {pipeline_mode = #tpu.pipeline_mode<synchronous>, transform_indices = @transform_5, window_bounds = array<i64: 128, 1>}, {pipeline_mode = #tpu.pipeline_mode<synchronous>, transform_indices = @transform_6, window_bounds = array<i64: 1, 1>}, {transform_indices = @transform_7, window_bounds = array<i64: 1000, 1>}]} {
    %get3A = arith.constant 0 : index
    %get3A_0 = arith.constant 0 : index
    %get3A_1 = arith.constant 0 : index
    %get3A_2 = vector.load %arg1[%get3A, %get3A_0, %get3A_1] : memref<2x1000x32xf32, #tpu.memory_space<vmem>>, vector<1x1000x32xf32>
    %get3A_3 = vector.shape_cast %get3A_2 : vector<1x1000x32xf32> to vector<1000x32xf32>
    %get3A_4 = arith.constant 1 : index
    %get3A_5 = arith.constant 0 : index
    %get3A_6 = arith.constant 0 : index
    %get3A_7 = vector.load %arg1[%get3A_4, %get3A_5, %get3A_6] : memref<2x1000x32xf32, #tpu.memory_space<vmem>>, vector<1x1000x32xf32>
    %get3A_8 = vector.shape_cast %get3A_7 : vector<1x1000x32xf32> to vector<1000x32xf32>
    %concatenate3A = tpu.concatenate %get3A_3, %get3A_8 in 1 : vector<1000x32xf32>, vector<1000x32xf32> -> vector<1000x64xf32>
    %get3A_9 = arith.constant 0 : index
    %get3A_10 = arith.constant 0 : index
    %get3A_11 = vector.load %arg3[%get3A_9, %get3A_10] : memref<64x64xf32, #tpu.memory_space<vmem>>, vector<64x64xf32>
    %dot_general3A = arith.constant dense<0.000000e+00> : vector<1000x64xf32>
    %dot_general3A_12 = tpu.matmul %concatenate3A, %get3A_11, %dot_general3A {dimension_numbers = #tpu.dot_dimension_numbers<[1], [0], [0], [1], [0, 0, 1, 1], [], []>, transpose_lhs_hint = false} : vector<1000x64xf32>, vector<64x64xf32>, vector<1000x64xf32> -> vector<1000x64xf32>
    %get3A_13 = arith.constant 0 : index
    %get3A_14 = arith.constant 0 : index
    %get3A_15 = vector.load %arg2[%get3A_13, %get3A_14] : memref<1000x64xf32, #tpu.memory_space<vmem>>, vector<1000x64xf32>
    %add3A = arith.addf %dot_general3A_12, %get3A_15 : vector<1000x64xf32>
    %max3A = arith.constant 0.000000e+00 : f32
    %max3A_16 = vector.broadcast %max3A : f32 to vector<1000x64xf32>
    %max3A_17 = arith.maximumf %add3A, %max3A_16 : vector<1000x64xf32>
    %get3A_18 = arith.constant 0 : index
    %get3A_19 = arith.constant 0 : index
    %get3A_20 = vector.load %arg4[%get3A_18, %get3A_19] : memref<64x128xf32, #tpu.memory_space<vmem>>, vector<64x128xf32>
    %dot_general3A_21 = arith.constant dense<0.000000e+00> : vector<1000x128xf32>
    %dot_general3A_22 = tpu.matmul %max3A_17, %get3A_20, %dot_general3A_21 {dimension_numbers = #tpu.dot_dimension_numbers<[1], [0], [0], [1], [0, 0, 1, 1], [], []>, transpose_lhs_hint = false} : vector<1000x64xf32>, vector<64x128xf32>, vector<1000x128xf32> -> vector<1000x128xf32>
    %get3A_23 = arith.constant 0 : index
    %get3A_24 = arith.constant 0 : index
    %get3A_25 = vector.load %arg5[%get3A_23, %get3A_24] : memref<1x128xf32, #tpu.memory_space<vmem>>, vector<1x128xf32>
    %add3A_26 = vector.broadcast %get3A_25 : vector<1x128xf32> to vector<1000x128xf32>
    %add3A_27 = arith.addf %dot_general3A_22, %add3A_26 : vector<1000x128xf32>
    %max3A_28 = arith.constant 0.000000e+00 : f32
    %max3A_29 = vector.broadcast %max3A_28 : f32 to vector<1000x128xf32>
    %max3A_30 = arith.maximumf %add3A_27, %max3A_29 : vector<1000x128xf32>
    %get3A_31 = arith.constant 0 : index
    %get3A_32 = arith.constant 0 : index
    %get3A_33 = vector.load %arg6[%get3A_31, %get3A_32] : memref<128x1xf32, #tpu.memory_space<vmem>>, vector<128x1xf32>
    %dot_general3A_34 = arith.constant dense<0.000000e+00> : vector<1000x1xf32>
    %dot_general3A_35 = tpu.matmul %max3A_30, %get3A_33, %dot_general3A_34 {dimension_numbers = #tpu.dot_dimension_numbers<[1], [0], [0], [1], [0, 0, 1, 1], [], []>, transpose_lhs_hint = false} : vector<1000x128xf32>, vector<128x1xf32>, vector<1000x1xf32> -> vector<1000x1xf32>
    %get3A_36 = arith.constant 0 : index
    %get3A_37 = arith.constant 0 : index
    %get3A_38 = vector.load %arg7[%get3A_36, %get3A_37] : memref<1x1xf32, #tpu.memory_space<vmem>>, vector<1x1xf32>
    %add3A_39 = vector.broadcast %get3A_38 : vector<1x1xf32> to vector<1000x1xf32>
    %add3A_40 = arith.addf %dot_general3A_35, %add3A_39 : vector<1000x1xf32>
    %swap3A = arith.constant 0 : index
    %swap3A_41 = arith.constant 0 : index
    %swap3A_42 = vector.load %arg8[%swap3A, %swap3A_41] : memref<1000x1xf32, #tpu.memory_space<vmem>>, vector<1000x1xf32>
    tpu.vector_store %arg8[%swap3A, %swap3A_41], %add3A_40 {strides = array<i32>} : memref<1000x1xf32, #tpu.memory_space<vmem>>, vector<1000x1xf32>,
    return
  }
  func.func @transform_0(%arg0: i32) -> (i32, i32, i32) {
    %c0_i32 = arith.constant 0 : i32
    %c0_i32_0 = arith.constant 0 : i32
    %c0_i32_1 = arith.constant 0 : i32
    return %c0_i32, %arg0, %c0_i32_0 : i32, i32, i32
  }
  func.func @transform_1(%arg0: i32) -> (i32, i32) {
    %c0_i32 = arith.constant 0 : i32
    %c0_i32_0 = arith.constant 0 : i32
    return %arg0, %c0_i32 : i32, i32
  }
  func.func @transform_2(%arg0: i32) -> (i32, i32) {
    %c0_i32 = arith.constant 0 : i32
    %c0_i32_0 = arith.constant 0 : i32
    %c0_i32_1 = arith.constant 0 : i32
    return %c0_i32, %c0_i32_0 : i32, i32
  }
  func.func @transform_3(%arg0: i32) -> (i32, i32) {
    %c0_i32 = arith.constant 0 : i32
    %c0_i32_0 = arith.constant 0 : i32
    %c0_i32_1 = arith.constant 0 : i32
    return %c0_i32, %c0_i32_0 : i32, i32
  }
  func.func @transform_4(%arg0: i32) -> (i32, i32) {
    %c0_i32 = arith.constant 0 : i32
    %c0_i32_0 = arith.constant 0 : i32
    %c0_i32_1 = arith.constant 0 : i32
    return %c0_i32, %c0_i32_0 : i32, i32
  }
  func.func @transform_5(%arg0: i32) -> (i32, i32) {
    %c0_i32 = arith.constant 0 : i32
    %c0_i32_0 = arith.constant 0 : i32
    %c0_i32_1 = arith.constant 0 : i32
    return %c0_i32, %c0_i32_0 : i32, i32
  }
  func.func @transform_6(%arg0: i32) -> (i32, i32) {
    %c0_i32 = arith.constant 0 : i32
    %c0_i32_0 = arith.constant 0 : i32
    %c0_i32_1 = arith.constant 0 : i32
    return %c0_i32, %c0_i32_0 : i32, i32
  }
  func.func @transform_7(%arg0: i32) -> (i32, i32) {
    %c0_i32 = arith.constant 0 : i32
    %c0_i32_0 = arith.constant 0 : i32
    return %arg0, %c0_i32 : i32, i32
  }
}

</mosaic_0001>

<sc_bundles>
// kernel: kernel.12.cloned.1.call-start
scs
__scs_entry_jumppad:
0x0: {  	(pc) =	sbr.rel $0x88, $3  }
0x1: {  	(tag) =	ssettag $0x0;
	lr =	simm.s32 $0x1  }
0x2: {  	[smem:$0x3F98] =	sst lr;
	_ =	strace $0xD0000000  }
0x3: {  	_ = 	snop  }
0x4: {  	_ = 	snop  }
0x5: {  	_ = 	snop  }
0x6: {  	_ = 	snop  }
0x7: {  	_ = 	snop  }
__scs_overlays_trampoline_lowered:
0x8: {  	[smem:$0x3FA7] =	sst s0  }
0x9: {  	[smem:$0x3FA8] =	sst s1  }
0xa: {  	[smem:$0x3FA9] =	sst s2  }
0xb: {  	[smem:$0x3FAA] =	sst s3  }
0xc: {  	[smem:$0x3FAB] =	sst s4  }
0xd: {  	[smem:$0x3FAC] =	sst s5  }
0xe: {  	[smem:$0x3FAD] =	sst s6  }
0xf: {  	[smem:$0x3FAE] =	sst s7  }
0x10: {  	[smem:$0x3FAF] =	sst s8  }
0x11: {  	[smem:$0x3FB0] =	sst s9;
	s0 =	simm.s32 @!p0 $0x0  }
0x12: {  	s1 =	sld [smem:$0x3F96];
	s0 =	simm.s32 @p0 $0x1  }
0x13: {  	[smem:$0x3FB1] =	sst s0;
	s0 =	simm.s32 @!p1 $0x0  }
0x14: {  	s2 =	sld [smem:$0x3F95];
	s0 =	simm.s32 @p1 $0x1  }
0x15: {  	[smem:$0x3FB2] =	sst s0;
	s0 =	simm.s32 @!p2 $0x0  }
0x16: {  	s3 =	sld [smem:$0x3FDB];
	s0 =	simm.s32 @p2 $0x1  }
0x17: {  	s4 =	simm.s32 $0x1BF5;
	[smem:$0x3FB4] =	sst s0  }
0x18: {  	s0 =	sld [smem:$0x3F97];
	_ =	swait.ge [sflag:s4], $0x0  }
0x19: {  	s7 =	sld [smem:$0x3F98]  }
0x1a: {  	s8 =	sadd.s32 $0xFFFFE003, lr  }
0x1b: {  	s9 =	sadd.s32 $0xFFFFFEF7, lr;
	s5 =	simm.s32 $0xFFFFFFFF;
	p2 =	slt.u32 s8, $0xFFFFF086  }
0x1c: {  	p1 =	slt.u32 s9, $0xF7A;
	s5 =	simm.s32 @!p2 $0x0  }
0x1d: {  	s5 =	simm.s32 @p1 $0x1;
	p0 =	seq.s32 s7, s2  }
0x1e: {  	s7 =	smul.u32 @!p0 $0xF7A, s2;
	p2 =	seq.s32 @!p0 s5, $0x0  }
0x1f: {  	s9 =	smul.u32 $0xF7A, s1;
	s8 =	simm.s32 @!p0 $0x1BF5;
	p2 =	por !p2, p0  }
0x20: {  	[sflag:s8] =	ssyncset.s32 @!p0 $0xFFFFF086;
	s6 =	sadd.s32 @!p0 s3, s7;
	s7 =	simm.s32 @!p0 $0x108  }
0x21: {  	s3 =	sadd.s32 s3, s9;
	s6 =	sadd.s32 @!p0 $0x88, s6;
	s7 =	simm.s32 @p2 $0x1082  }
0x22: {  	[simem:s7], [sflag:s8] =	dma.local @!p0 [hbm:s6], $0xF7A  }
0x23: {  	s9 =	sor.u32 $0xD0000000, s2;
	s6 =	simm.s32 $0x108;
	_ =	swait.ge @!p0 [sflag:s8], $0x0  }
0x24: {  	s3 =	sadd.s32 $0x88, s3;
	s6 =	simm.s32 @!p1 $0x1082;
	[sflag:s4] =	ssyncset.s32 $0xFFFFF086  }
0x25: {  	[simem:s6], [sflag:s4] =	dma.local [hbm:s3], $0xF7A  }
0x26: {  	[smem:$0x3F98] =	sst s1;
	(tag) =	ssettag s2;
	_ =	strace s9  }
0x27: {  	s1 =	sld [smem:$0x3FA8]  }
0x28: {  	s2 =	sld [smem:$0x3FA9]  }
0x29: {  	s4 =	sld [smem:$0x3FAB]  }
0x2a: {  	p0 =	seq.s32 s5, $0x0;
	s5 =	sld [smem:$0x3FAC]  }
0x2b: {  	s6 =	sld [smem:$0x3FAD]  }
0x2c: {  	s7 =	sld [smem:$0x3FAE]  }
0x2d: {  	s3 =	simm.s32 $0x108;
	s8 =	sld [smem:$0x3FAF]  }
0x2e: {  	s3 =	simm.s32 @!p0 $0x1082;
	s9 =	sld [smem:$0x3FB0]  }
0x2f: {  	lr =	sadd.s32 s0, s3;
	s0 =	sld [smem:$0x3FA7]  }
0x30: {  	s3 =	sld [smem:$0x3FAA]  }
0x31: {  	[smem:$0x3FB3] =	sst s10  }
0x32: {  	s10 =	sld [smem:$0x3FB1];
	_ =	sdelay $0x3  }
0x33: {  	p0 =	seq.s32 s10, $0x1;
	s10 =	sld [smem:$0x3FB3];
	_ =	sdelay $0x3  }
0x34: {  	[smem:$0x3FB3] =	sst s10  }
0x35: {  	s10 =	sld [smem:$0x3FB2];
	_ =	sdelay $0x3  }
0x36: {  	p1 =	seq.s32 s10, $0x1;
	s10 =	sld [smem:$0x3FB3];
	_ =	sdelay $0x3  }
0x37: {  	[smem:$0x3FB3] =	sst s10  }
0x38: {  	s10 =	sld [smem:$0x3FB4]  }
0x39: {  	_ = 	snop;
	(pc) =	sbr.ind lr, $3  }
0x3a: {  	_ = 	snop  }
0x3b: {  	_ = 	snop  }
0x3c: {  	p2 =	seq.s32 s10, $0x1;
	s10 =	sld [smem:$0x3FB3]  }
0x3d: {  	_ =	shalt  }
0x3e: {  	_ =	shalt  }
0x3f: {  	_ =	shalt  }
0x40: {  	_ =	shalt  }
0x41: {  	_ =	shalt  }
0x42: {  	_ =	shalt  }
0x43: {  	_ =	shalt  }
0x44: {  	_ =	shalt  }
0x45: {  	_ =	shalt  }
0x46: {  	_ =	shalt  }
0x47: {  	_ =	shalt  }
0x48: {  	_ =	shalt  }
0x49: {  	_ =	shalt  }
0x4a: {  	_ =	shalt  }
0x4b: {  	_ =	shalt  }
0x4c: {  	_ =	shalt  }
0x4d: {  	_ =	shalt  }
0x4e: {  	_ =	shalt  }
0x4f: {  	_ =	shalt  }
0x50: {  	_ =	shalt  }
0x51: {  	_ =	shalt  }
0x52: {  	_ =	shalt  }
0x53: {  	_ =	shalt  }
0x54: {  	_ =	shalt  }
0x55: {  	_ =	shalt  }
0x56: {  	_ =	shalt  }
0x57: {  	_ =	shalt  }
0x58: {  	_ =	shalt  }
0x59: {  	_ =	shalt  }
0x5a: {  	_ =	shalt  }
0x5b: {  	_ =	shalt  }
0x5c: {  	_ =	shalt  }
0x5d: {  	_ =	shalt  }
0x5e: {  	_ =	shalt  }
0x5f: {  	_ =	shalt  }
0x60: {  	_ =	shalt  }
0x61: {  	_ =	shalt  }
0x62: {  	_ =	shalt  }
0x63: {  	_ =	shalt  }
0x64: {  	_ =	shalt  }
0x65: {  	_ =	shalt  }
0x66: {  	_ =	shalt  }
0x67: {  	_ =	shalt  }
0x68: {  	_ =	shalt  }
0x69: {  	_ =	shalt  }
0x6a: {  	_ =	shalt  }
0x6b: {  	_ =	shalt  }
0x6c: {  	_ =	shalt  }
0x6d: {  	_ =	shalt  }
0x6e: {  	_ =	shalt  }
0x6f: {  	_ =	shalt  }
0x70: {  	_ =	shalt  }
0x71: {  	_ =	shalt  }
0x72: {  	_ =	shalt  }
0x73: {  	_ =	shalt  }
0x74: {  	_ =	shalt  }
0x75: {  	_ =	shalt  }
0x76: {  	_ =	shalt  }
0x77: {  	_ =	shalt  }
0x78: {  	_ =	shalt  }
0x79: {  	_ =	shalt  }
0x7a: {  	_ =	shalt  }
0x7b: {  	_ =	shalt  }
0x7c: {  	_ =	shalt  }
0x7d: {  	_ =	shalt  }
0x7e: {  	_ =	shalt  }
0x7f: {  	_ =	shalt  }
0x80: {  	_ =	shalt  }
0x81: {  	_ =	shalt  }
0x82: {  	_ =	shalt  }
0x83: {  	_ =	shalt  }
0x84: {  	_ =	shalt  }
0x85: {  	_ =	shalt  }
0x86: {  	_ =	shalt  }
0x87: {  	_ =	shalt  }
.Lfunc_end0:
.L_simem_size_0:
called_computation.1_lowered:
.L_overlay_start_0:
0x88: {  	s2 =	sld [smem:$0x3FD9]  }
0x89: {  	s3 =	sld [smem:$0x3FFE];
	_ =	sdelay $0x1  }
0x8a: {  	s1 =	srdreg.scid  }
0x8b: {  	s0 =	sand.u32 $0x1, s1  }
0x8c: {  	s16 =	sshll.u32 s0, $0xA;
	s2 =	sadd.s32 s3, s2  }
0x8d: {  	s2 =	sadd.s32 s2, s16  }
0x8e: {  	[smem:$0x3FBF] =	sst s2  }
0x8f: {  	_ = 	snop  }
0x90: {  	(tm) =	ssettm $0x1  }
0x91: {  	s17 =	sld [smem:$0x3FFB];
	_ =	sdelay $0x3  }
0x92: {  	_ =	strace s17  }
0x93: {  	s2 =	sld [smem:$0x3FFC];
	_ =	sdelay $0x3  }
0x94: {  	_ =	strace s2  }
0x95: {  	s2 =	sld [smem:$0x3FFD];
	_ =	sdelay $0x3  }
0x96: {  	_ =	strace s2  }
0x97: {  	_ =	strace $0x8FFFFFFF  }
0x98: {  	s18 =	sld [smem:$0x3FDB];
	_ =	sdelay $0x1  }
0x99: {  	s19 =	simm.s32 $_scs_section_size  }
0x9a: {  	s4 =	simm.s32 $_size__tile_overlayer_lowered;
	s5 =	simm.s32 $_tile_overlayer_lowered  }
0x9b: {  	s22 =	simm.s32 $0x1BFF;
	s21 =	sshll.u32 s5, $0x1;
	s2 =	sadd.s32 s19, s18  }
0x9c: {  	s6 =	simm.s32 $0x0;
	s20 =	sshll.u32 s4, $0x1;
	s4 =	sadd.s32 s21, s2  }
0x9d: {  	[timem:s6], [sflag:s22] =	dma.local [hbm:s4], s20  }
0x9e: {  	_ =	swait.ge [sflag:s22], s20  }
0x9f: {  	s3 =	ssub.s32 $0x0, s20;
	[sflag:s22] =	ssyncset.done $0x0  }
0xa0: {  	[sflag:s22] =	ssyncadd.s32 s3;
	_ =	sdelay $0x1  }
0xa1: {  	s23 =	simm.s32 $0x1B8B  }
0xa2: {  	_ =	swait.ge [sflag:s23], $0x1  }
0xa3: {  	[sflag:s23] =	ssyncset.done $0x0  }
0xa4: {  	s25 =	simm.s32 $0x1B8E;
	s24 =	sld [smem:$0x3FFE];
	[sflag:s23] =	ssyncadd.s32 $0xFFFFFFFF  }
0xa5: {  	s26 =	simm.s32 $execute0_lowered;
	[smem:$0x3FD2] =	sst s25  }
0xa6: {  	s4 =	sshll.u32 s26, $0x1;
	_ =	strace $0x80000049;
	[dreg:$0x1] =	wrdreg $0xFFFFFFFF  }
0xa7: {  	s28 =	simm.s32 $_size_execute0_lowered;
	s2 =	sadd.s32 s2, s4;
	[dreg:$0x0] =	wrdreg $0x0  }
0xa8: {  	s4 =	sshll.u32 s28, $0x1;
	[dreg:$0x2] =	wrdreg s2  }
0xa9: {  	[dreg:$0x3] =	wrdreg s4  }
0xaa: {  	[dreg:$0x4] =	wrdreg $0xC0  }
0xab: {  	_ =	task [dreg:s6], $0x5FFFF  }
0xac: {  	[dreg:$0x1] =	wrdreg $0xFFFFFFFF  }
0xad: {  	[dreg:$0x0] =	wrdreg $0x60  }
0xae: {  	[dreg:$0x2] =	wrdreg s24  }
0xaf: {  	[dreg:$0x3] =	wrdreg $0x4DA00  }
0xb0: {  	[dreg:$0x4] =	wrdreg $0x9  }
0xb1: {  	_ =	task.clear_ibuf [dreg:s6], $0x5FFFF;
	_ =	strace $0x90000049  }
0xb2: {  	s29 =	simm.s32 $0x9;
	_ =	strace $0x8000004B  }
0xb3: {  	_ =	swait.ge [sflag:s29], $0x1  }
0xb4: {  	[sflag:s29] =	ssyncadd.s32 $0xFFFFFFFF  }
0xb5: {  	_ =	strace $0x9000004B  }
0xb6: {  	_ =	sfence  }
0xb7: {  	s30 =	sld [smem:$0x0];
	_ =	sdelay $0x2  }
0xb8: {  	s31 =	sshll.u32 s1, $0xD;
	s1 =	sshrl.u32 s1, $0x2  }
0xb9: {  	s3 =	sand.u32 $0x4000, s31;
	s1 =	sadd.s32 s1, s30  }
0xba: {  	s0 =	sor.u32 s3, s0;
	s1 =	sshll.u32 s1, $0x11  }
0xbb: {  	s0 =	sor.u32 s1, s0  }
0xbc: {  	s0 =	sadd.s32 $0x8F2B, s0  }
0xbd: {  	[sflag:s0] =	ssyncadd.remote.s32 $0x1  }
0xbe: {  	_ =	sfence.sel $0xFFFF  }
0xbf: {  	[dreg:$0x0] =	wrdreg $0xFFFFFFFF;
	(pc) =	sbr.abs _section_cstart, $3  }
0xc0: {  	[dreg:$0x1] =	wrdreg $0xFFFFFFFF  }
0xc1: {  	_ =	task.clear_ibuf [dreg:s6], $0x2FFFF;
	_ =	strace $0x9FFFFFFF  }
0xc2: {  	(tm) =	ssettm $0x7FFFFFFF  }
0xc3: {  	_ =	shalt  }
tec
execute0_lowered:
.L_overlay_start_1:
0x0: {  	(tag) =	ssettag $0x1  }
0x1: {  	s0 =	rddreg [dreg:$0x0]  }
0x2: {  	s1 =	rddreg [dreg:$0x1];
	s11 =	stileid.u32  }
0x3: {  	s3 =	srdreg.scid;
	s2 =	simm.s32 $0x0;
	s6 =	smul.u32 $0xC350, s11  }
0x4: {  	s31 =	simm.s32 $0x3520;
	s3 =	sand.u32 $0x1, s3;
	s12 =	smul.u32 $0x18800, s11  }
0x5: {  	[smem:$0x7FF] =	sst s2;
	s7 =	sadd.s32 $0x19C00, s0;
	s4 =	smul.u32 $0x30D40, s3  }
0x6: {  	s8 =	sadd.s32 $0x1400, s0;
	s5 =	smul.u32 $0x31000, s3;
	s3 =	ssub.s32 $0x2, s3  }
0x7: {  	_ =	strace $0x8000004A;
	s9 =	sshrl.u32 s3, $0x1;
	s26 =	sshrl.u32 s6, $0x3  }
0x8: {  	s6 =	sadd.s32 $0xC8, s6;
	s16 =	sshrl.u32 s12, $0x3;
	s4 =	sadd.s32 s4, s0  }
0x9: {  	s0 =	sadd.s32 s5, s0;
	s3 =	ssub.s32 s3, s9;
	s10 =	sadd.s32 s7, s26  }
0xa: {  	s5 =	sadd.s32 s8, s26;
	s13 =	sshrl.u32 s6, $0x3;
	s9 =	sadd.s32 s12, s1  }
0xb: {  	s26 =	smul.u32 $0x186A, s11;
	s12 =	simm.s32 $0x0;
	[dreg:$0x3] =	wrdreg s10  }
0xc: {  	[dreg:$0x4] =	wrdreg s5;
	s10 =	smul.u32 $0x62000, s11;
	s6 =	sadd.s32 $0x1B8E00, s4  }
0xd: {  	s14 =	sadd.s32 s7, s13;
	s15 =	sadd.s32 s8, s13;
	s0 =	sadd.s32 $0x32400, s0  }
0xe: {  	s3 =	smax.u32 s3, $0x1;
	s4 =	simm.s32 $0x320;
	[dreg:$0x5] =	wrdreg s14  }
0xf: {  	s11 =	simm.s32 $0x2;
	[dreg:$0x6] =	wrdreg s15;
	s20 =	sshrl.u32 s10, $0x2  }
0x10: {  	[dreg:$0x7] =	wrdreg s3;
	s3 =	simm.s32 $0xC8;
	s10 =	sadd.s32 s20, s1  }
0x11: {  	s20 =	sadd.s32 s26, s8;
	s8 =	simm.s32 $0x1C20;
	s21 =	sadd.s32 $0x1880, s10  }
0x12: {  	s22 =	sadd.s32 $0x3100, s10;
	s23 =	sadd.s32 $0x4980, s10;
	[dreg:$0x8] =	wrdreg s21  }
0x13: {  	s24 =	sadd.s32 $0x6200, s10;
	s25 =	sadd.s32 $0x7A80, s10;
	[dreg:$0x9] =	wrdreg s22  }
0x14: {  	s5 =	sadd.s32 $0x9300, s10;
	s17 =	sadd.s32 $0xAB80, s10;
	[dreg:$0xa] =	wrdreg s23  }
0x15: {  	s18 =	sadd.s32 $0xC400, s10;
	s19 =	sadd.s32 $0xDC80, s10;
	[dreg:$0xb] =	wrdreg s24  }
0x16: {  	s28 =	sadd.s32 $0x13E80, s10;
	s29 =	sadd.s32 $0x15700, s10;
	[dreg:$0xc] =	wrdreg s25  }
0x17: {  	s30 =	sadd.s32 $0x16F80, s10;
	[dreg:$0xd] =	wrdreg s5;
	s21 =	sadd.s32 s26, s7  }
0x18: {  	s22 =	sadd.s32 $0xF500, s10;
	s23 =	sadd.s32 s16, s0;
	s24 =	sadd.s32 $0x10D80, s10  }
0x19: {  	s25 =	sshrl.u32 s9, $0x3;
	s26 =	sadd.s32 $0x12600, s10;
	s0 =	simm.s32 $0x3  }
0x1a: {  	v0 =	vimm.f32 $0.0e+00;
	s5 =	simm.s32 $0x190;
	s7 =	simm.s32 $0x258;
	s9 =	simm.s32 $0x1  }
.LBB2_1:
0x1b: {  	s13 =	simm.s32 $0x80;
	s14 =	simm.s32 $0x0  }
.LBB2_2:
0x1c: {  	p0 =	sne.s32 s13, $0x6180;
	[tilespmem:s14+$0x3520] =	vst v0;
	s15 =	smov.u32 s13;
	s13 =	sadd.s32 $0x80, s13  }
.Ltmp0:
0x1d: {  	[tilespmem:s14+$0x3530] =	vst v0;
	(pc) =	sbr.rel @p0 .LBB2_2-.Ltmp0, $2  }
0x1e: {  	_ =	sdelay $0x2  }
0x1f: {  	s14 =	sshra.s32 s15, $0x2  }
0x20: {  	[tilespmem:s14+$0x3520] =	vst v0  }
0x21: {  	[tilespmem:s14+$0x3530] =	vst v0  }
0x22: {  	[spmem:s10] =	stream.linear.scatter [tilespmem:s31], [sflag:$0x3], $0x1880, $0x38;
	[tilespmem:$0x1D5A0] =	vst v63  }
0x23: {  	_ =	swait.ge [sflag:s0], $0x1880  }
0x24: {  	[sflag:s0] =	ssyncset.done $0x0  }
0x25: {  	s13 =	rddreg [dreg:$0x8];
	[sflag:s0] =	ssyncadd.s32 $0xFFFFE780  }
0x26: {  	[spmem:s13] =	stream.linear.scatter [tilespmem:s31], [sflag:$0x3], $0x1880, $0x38;
	[tilespmem:$0x1D5A0] =	vst v63  }
0x27: {  	_ =	swait.ge [sflag:s0], $0x1880  }
0x28: {  	[sflag:s0] =	ssyncset.done $0x0  }
0x29: {  	s15 =	rddreg [dreg:$0x9];
	[sflag:s0] =	ssyncadd.s32 $0xFFFFE780  }
0x2a: {  	[spmem:s15] =	stream.linear.scatter [tilespmem:s31], [sflag:$0x3], $0x1880, $0x38;
	[tilespmem:$0x1D5A0] =	vst v63  }
0x2b: {  	_ =	swait.ge [sflag:s0], $0x1880  }
0x2c: {  	[sflag:s0] =	ssyncset.done $0x0  }
0x2d: {  	s16 =	rddreg [dreg:$0xa];
	[sflag:s0] =	ssyncadd.s32 $0xFFFFE780  }
0x2e: {  	[spmem:s16] =	stream.linear.scatter [tilespmem:s31], [sflag:$0x3], $0x1880, $0x38;
	[tilespmem:$0x1D5A0] =	vst v63  }
0x2f: {  	_ =	swait.ge [sflag:s0], $0x1880  }
0x30: {  	[sflag:s0] =	ssyncset.done $0x0  }
0x31: {  	s14 =	rddreg [dreg:$0xb];
	[sflag:s0] =	ssyncadd.s32 $0xFFFFE780  }
0x32: {  	[spmem:s14] =	stream.linear.scatter [tilespmem:s31], [sflag:$0x3], $0x1880, $0x38;
	[tilespmem:$0x1D5A0] =	vst v63  }
0x33: {  	_ =	swait.ge [sflag:s0], $0x1880  }
0x34: {  	[sflag:s0] =	ssyncset.done $0x0  }
0x35: {  	s15 =	rddreg [dreg:$0xc];
	[sflag:s0] =	ssyncadd.s32 $0xFFFFE780  }
0x36: {  	[spmem:s15] =	stream.linear.scatter [tilespmem:s31], [sflag:$0x3], $0x1880, $0x38;
	[tilespmem:$0x1D5A0] =	vst v63  }
0x37: {  	_ =	swait.ge [sflag:s0], $0x1880  }
0x38: {  	[sflag:s0] =	ssyncset.done $0x0  }
0x39: {  	s16 =	rddreg [dreg:$0xd];
	[sflag:s0] =	ssyncadd.s32 $0xFFFFE780  }
0x3a: {  	[spmem:s16] =	stream.linear.scatter [tilespmem:s31], [sflag:$0x3], $0x1880, $0x38;
	[tilespmem:$0x1D5A0] =	vst v63  }
0x3b: {  	_ =	swait.ge [sflag:s0], $0x1880  }
0x3c: {  	[sflag:s0] =	ssyncset.done $0x0  }
0x3d: {  	[sflag:s0] =	ssyncadd.s32 $0xFFFFE780  }
0x3e: {  	[spmem:s17] =	stream.linear.scatter [tilespmem:s31], [sflag:$0x3], $0x1880, $0x38;
	[tilespmem:$0x1D5A0] =	vst v63  }
0x3f: {  	_ =	swait.ge [sflag:s0], $0x1880  }
0x40: {  	[sflag:s0] =	ssyncset.done $0x0  }
0x41: {  	[sflag:s0] =	ssyncadd.s32 $0xFFFFE780  }
0x42: {  	[spmem:s18] =	stream.linear.scatter [tilespmem:s31], [sflag:$0x3], $0x1880, $0x38;
	[tilespmem:$0x1D5A0] =	vst v63  }
0x43: {  	_ =	swait.ge [sflag:s0], $0x1880  }
0x44: {  	[sflag:s0] =	ssyncset.done $0x0  }
0x45: {  	[sflag:s0] =	ssyncadd.s32 $0xFFFFE780  }
0x46: {  	[spmem:s19] =	stream.linear.scatter [tilespmem:s31], [sflag:$0x3], $0x1880, $0x38;
	[tilespmem:$0x1D5A0] =	vst v63  }
0x47: {  	_ =	swait.ge [sflag:s0], $0x1880  }
0x48: {  	[sflag:s0] =	ssyncset.done $0x0  }
0x49: {  	[sflag:s0] =	ssyncadd.s32 $0xFFFFE780  }
0x4a: {  	[spmem:s22] =	stream.linear.scatter [tilespmem:s31], [sflag:$0x3], $0x1880, $0x38;
	[tilespmem:$0x1D5A0] =	vst v63  }
0x4b: {  	_ =	swait.ge [sflag:s0], $0x1880  }
0x4c: {  	[sflag:s0] =	ssyncset.done $0x0  }
0x4d: {  	[sflag:s0] =	ssyncadd.s32 $0xFFFFE780  }
0x4e: {  	[spmem:s24] =	stream.linear.scatter [tilespmem:s31], [sflag:$0x3], $0x1880, $0x38;
	[tilespmem:$0x1D5A0] =	vst v63  }
0x4f: {  	_ =	swait.ge [sflag:s0], $0x1880  }
0x50: {  	[sflag:s0] =	ssyncset.done $0x0  }
0x51: {  	[sflag:s0] =	ssyncadd.s32 $0xFFFFE780  }
0x52: {  	[spmem:s26] =	stream.linear.scatter [tilespmem:s31], [sflag:$0x3], $0x1880, $0x38;
	[tilespmem:$0x1D5A0] =	vst v63  }
0x53: {  	_ =	swait.ge [sflag:s0], $0x1880  }
0x54: {  	[sflag:s0] =	ssyncset.done $0x0  }
0x55: {  	[sflag:s0] =	ssyncadd.s32 $0xFFFFE780  }
0x56: {  	[spmem:s28] =	stream.linear.scatter [tilespmem:s31], [sflag:$0x3], $0x1880, $0x38;
	[tilespmem:$0x1D5A0] =	vst v63  }
0x57: {  	_ =	swait.ge [sflag:s0], $0x1880  }
0x58: {  	[sflag:s0] =	ssyncset.done $0x0  }
0x59: {  	[sflag:s0] =	ssyncadd.s32 $0xFFFFE780  }
0x5a: {  	[spmem:s29] =	stream.linear.scatter [tilespmem:s31], [sflag:$0x3], $0x1880, $0x38;
	[tilespmem:$0x1D5A0] =	vst v63  }
0x5b: {  	_ =	swait.ge [sflag:s0], $0x1880  }
0x5c: {  	[sflag:s0] =	ssyncset.done $0x0  }
0x5d: {  	[sflag:s0] =	ssyncadd.s32 $0xFFFFE780  }
0x5e: {  	[spmem:s30] =	stream.linear.scatter [tilespmem:s31], [sflag:$0x3], $0x1880, $0x38;
	[tilespmem:$0x1D5A0] =	vst v63  }
0x5f: {  	_ =	swait.ge [sflag:s0], $0x1880  }
0x60: {  	[sflag:s0] =	ssyncset.done $0x0  }
0x61: {  	[sflag:s0] =	ssyncadd.s32 $0xFFFFE780  }
0x62: {  	[bflag:$0x0] =	sbarrier.arrive $0xFFFF  }
0x63: {  	s14 =	rddreg [dreg:$0x3]  }
0x64: {  	[tilespmem:s2], [sflag:$0x3] =	stream.linear.gather [hbm4b:s14+s2], $0xC8, $0x38;
	[tilespmem:$0x1D5A0] =	vst v63  }
0x65: {  	_ =	swait.ge [sflag:s0], $0xC8  }
0x66: {  	[sflag:s0] =	ssyncset.done $0x0  }
0x67: {  	s15 =	rddreg [dreg:$0x4];
	[sflag:s0] =	ssyncadd.s32 $0xFFFFFF38  }
0x68: {  	[tilespmem:s3], [sflag:$0x3] =	stream.linear.gather [hbm4b:s15+s2], $0xC8, $0x38;
	[tilespmem:$0x1D5A0] =	vst v63  }
0x69: {  	_ =	swait.ge [sflag:s0], $0xC8  }
0x6a: {  	[sflag:s0] =	ssyncset.done $0x0  }
0x6b: {  	[sflag:s0] =	ssyncadd.s32 $0xFFFFFF38  }
0x6c: {  	[tilespmem:s4], [sflag:$0x1] =	stream.indirect.gather [hbm4b:s6+s3], $0x20, s2, s3, $0xb8;
	[tilespmem:$0x1D5A0] =	vst v63  }
0x6d: {  	s16 =	rddreg [dreg:$0x5]  }
0x6e: {  	[tilespmem:s5], [sflag:$0x3] =	stream.linear.gather [hbm4b:s16+s2], $0xC8, $0x38;
	[tilespmem:$0x1D5A0] =	vst v63  }
0x6f: {  	_ =	swait.ge [sflag:s0], $0xC8  }
0x70: {  	[sflag:s0] =	ssyncset.done $0x0  }
0x71: {  	s14 =	rddreg [dreg:$0x6];
	[sflag:s0] =	ssyncadd.s32 $0xFFFFFF38  }
0x72: {  	[tilespmem:s7], [sflag:$0x3] =	stream.linear.gather [hbm4b:s14+s2], $0xC8, $0x38;
	[tilespmem:$0x1D5A0] =	vst v63  }
0x73: {  	_ =	swait.ge [sflag:s0], $0xC8  }
0x74: {  	[sflag:s0] =	ssyncset.done $0x0  }
0x75: {  	[sflag:s0] =	ssyncadd.s32 $0xFFFFFF38  }
0x76: {  	[tilespmem:s8], [sflag:$0x2] =	stream.indirect.gather [hbm4b:s6+s3], $0x20, s5, s3, $0xb8;
	[tilespmem:$0x1D5A0] =	vst v63  }
0x77: {  	_ =	swait.ge [sflag:s9], $0x1900  }
0x78: {  	[sflag:s9] =	ssyncset.done $0x0  }
0x79: {  	[sflag:s9] =	ssyncadd.s32 $0xFFFFE700  }
0x7a: {  	[spmem:s1] =	stream.indirect.scatter.add.f32 [tilespmem:s4], [sflag:$0x3], $0x20, s3, s3, $0xb8;
	[tilespmem:$0x1D5A0] =	vst v63  }
0x7b: {  	_ =	swait.ge [sflag:s0], $0x1900  }
0x7c: {  	s13 =	sadd.s32 $0xFFFFE7C8, s21;
	[sflag:s0] =	ssyncset.done $0x0  }
0x7d: {  	s15 =	sadd.s32 $0x186A, s13;
	[sflag:s0] =	ssyncadd.s32 $0xFFFFE700  }
0x7e: {  	[tilespmem:s2], [sflag:$0x3] =	stream.linear.gather [hbm4b:s15+s2], $0xC8, $0x38;
	[tilespmem:$0x1D5A0] =	vst v63  }
0x7f: {  	_ =	swait.ge [sflag:s0], $0xC8  }
0x80: {  	s16 =	sadd.s32 $0xFFFFE7C8, s20;
	[sflag:s0] =	ssyncset.done $0x0  }
0x81: {  	s15 =	sadd.s32 $0x186A, s16;
	[sflag:s0] =	ssyncadd.s32 $0xFFFFFF38  }
0x82: {  	[tilespmem:s3], [sflag:$0x3] =	stream.linear.gather [hbm4b:s15+s2], $0xC8, $0x38;
	[tilespmem:$0x1D5A0] =	vst v63  }
0x83: {  	_ =	swait.ge [sflag:s0], $0xC8  }
0x84: {  	[sflag:s0] =	ssyncset.done $0x0  }
0x85: {  	[sflag:s0] =	ssyncadd.s32 $0xFFFFFF38  }
0x86: {  	[tilespmem:s4], [sflag:$0x1] =	stream.indirect.gather [hbm4b:s6+s3], $0x20, s2, s3, $0xb8;
	[tilespmem:$0x1D5A0] =	vst v63  }
0x87: {  	_ =	swait.ge [sflag:s11], $0x1900  }
0x88: {  	[sflag:s11] =	ssyncset.done $0x0  }
0x89: {  	[sflag:s11] =	ssyncadd.s32 $0xFFFFE700  }
0x8a: {  	[spmem:s1] =	stream.indirect.scatter.add.f32 [tilespmem:s8], [sflag:$0x3], $0x20, s7, s3, $0xb8;
	[tilespmem:$0x1D5A0] =	vst v63  }
0x8b: {  	_ =	swait.ge [sflag:s0], $0x1900  }
0x8c: {  	[sflag:s0] =	ssyncset.done $0x0  }
0x8d: {  	s13 =	sadd.s32 $0x1883, s13;
	[sflag:s0] =	ssyncadd.s32 $0xFFFFE700  }
0x8e: {  	[tilespmem:s5], [sflag:$0x3] =	stream.linear.gather [hbm4b:s13+s2], $0xC8, $0x38;
	[tilespmem:$0x1D5A0] =	vst v63  }
0x8f: {  	_ =	swait.ge [sflag:s0], $0xC8  }
0x90: {  	[sflag:s0] =	ssyncset.done $0x0  }
0x91: {  	s16 =	sadd.s32 $0x1883, s16;
	[sflag:s0] =	ssyncadd.s32 $0xFFFFFF38  }
0x92: {  	[tilespmem:s7], [sflag:$0x3] =	stream.linear.gather [hbm4b:s16+s2], $0xC8, $0x38;
	[tilespmem:$0x1D5A0] =	vst v63  }
0x93: {  	_ =	swait.ge [sflag:s0], $0xC8  }
0x94: {  	[sflag:s0] =	ssyncset.done $0x0  }
0x95: {  	s13 =	simm.s32 $0xFFFFE7FA;
	[sflag:s0] =	ssyncadd.s32 $0xFFFFFF38  }
.LBB2_4:
0x96: {  	[tilespmem:s8], [sflag:$0x2] =	stream.indirect.gather [hbm4b:s6+s3], $0x20, s5, s3, $0xb8;
	[tilespmem:$0x1D5A0] =	vst v63  }
0x97: {  	s14 =	smov.u32 s13  }
0x98: {  	p0 =	sne.s32 s13, $0xFFFFFFCE;
	s13 =	sadd.s32 $0x32, s13;
	_ =	swait.ge [sflag:s9], $0x1900  }
0x99: {  	[sflag:s9] =	ssyncset.done $0x0  }
0x9a: {  	[sflag:s9] =	ssyncadd.s32 $0xFFFFE700  }
0x9b: {  	[spmem:s1] =	stream.indirect.scatter.add.f32 [tilespmem:s4], [sflag:$0x3], $0x20, s3, s3, $0xb8;
	[tilespmem:$0x1D5A0] =	vst v63  }
0x9c: {  	_ =	swait.ge [sflag:s0], $0x1900  }
0x9d: {  	s15 =	sadd.s32 s14, s21;
	[sflag:s0] =	ssyncset.done $0x0  }
0x9e: {  	s16 =	sadd.s32 $0x186A, s15;
	[sflag:s0] =	ssyncadd.s32 $0xFFFFE700  }
0x9f: {  	[tilespmem:s2], [sflag:$0x3] =	stream.linear.gather [hbm4b:s16+s2], $0xC8, $0x38;
	[tilespmem:$0x1D5A0] =	vst v63  }
0xa0: {  	_ =	swait.ge [sflag:s0], $0xC8  }
0xa1: {  	s14 =	sadd.s32 s14, s20;
	[sflag:s0] =	ssyncset.done $0x0  }
0xa2: {  	s16 =	sadd.s32 $0x186A, s14;
	[sflag:s0] =	ssyncadd.s32 $0xFFFFFF38  }
0xa3: {  	[tilespmem:s3], [sflag:$0x3] =	stream.linear.gather [hbm4b:s16+s2], $0xC8, $0x38;
	[tilespmem:$0x1D5A0] =	vst v63  }
0xa4: {  	_ =	swait.ge [sflag:s0], $0xC8  }
0xa5: {  	[sflag:s0] =	ssyncset.done $0x0  }
0xa6: {  	[sflag:s0] =	ssyncadd.s32 $0xFFFFFF38  }
0xa7: {  	[tilespmem:s4], [sflag:$0x1] =	stream.indirect.gather [hbm4b:s6+s3], $0x20, s2, s3, $0xb8;
	[tilespmem:$0x1D5A0] =	vst v63  }
0xa8: {  	_ =	swait.ge [sflag:s11], $0x1900  }
0xa9: {  	[sflag:s11] =	ssyncset.done $0x0  }
0xaa: {  	[sflag:s11] =	ssyncadd.s32 $0xFFFFE700  }
0xab: {  	[spmem:s1] =	stream.indirect.scatter.add.f32 [tilespmem:s8], [sflag:$0x3], $0x20, s7, s3, $0xb8;
	[tilespmem:$0x1D5A0] =	vst v63  }
0xac: {  	_ =	swait.ge [sflag:s0], $0x1900  }
0xad: {  	[sflag:s0] =	ssyncset.done $0x0  }
0xae: {  	s15 =	sadd.s32 $0x1883, s15;
	[sflag:s0] =	ssyncadd.s32 $0xFFFFE700  }
0xaf: {  	[tilespmem:s5], [sflag:$0x3] =	stream.linear.gather [hbm4b:s15+s2], $0xC8, $0x38;
	[tilespmem:$0x1D5A0] =	vst v63  }
0xb0: {  	_ =	swait.ge [sflag:s0], $0xC8  }
0xb1: {  	[sflag:s0] =	ssyncset.done $0x0  }
.Ltmp1:
0xb2: {  	s14 =	sadd.s32 $0x1883, s14;
	[sflag:s0] =	ssyncadd.s32 $0xFFFFFF38;
	(pc) =	sbr.rel @p0 .LBB2_4-.Ltmp1, $4  }
0xb3: {  	[tilespmem:s7], [sflag:$0x3] =	stream.linear.gather [hbm4b:s14+s2], $0xC8, $0x38;
	[tilespmem:$0x1D5A0] =	vst v63  }
0xb4: {  	_ =	swait.ge [sflag:s0], $0xC8  }
0xb5: {  	[sflag:s0] =	ssyncset.done $0x0  }
0xb6: {  	[sflag:s0] =	ssyncadd.s32 $0xFFFFFF38  }
0xb7: {  	[tilespmem:s8], [sflag:$0x2] =	stream.indirect.gather [hbm4b:s6+s3], $0x20, s5, s3, $0xb8;
	[tilespmem:$0x1D5A0] =	vst v63  }
0xb8: {  	_ =	swait.ge [sflag:s9], $0x1900  }
0xb9: {  	[sflag:s9] =	ssyncset.done $0x0  }
0xba: {  	[sflag:s9] =	ssyncadd.s32 $0xFFFFE700  }
0xbb: {  	[spmem:s1] =	stream.indirect.scatter.add.f32 [tilespmem:s4], [sflag:$0x3], $0x20, s3, s3, $0xb8;
	[tilespmem:$0x1D5A0] =	vst v63  }
0xbc: {  	_ =	swait.ge [sflag:s0], $0x1900  }
0xbd: {  	[sflag:s0] =	ssyncset.done $0x0  }
0xbe: {  	[sflag:s0] =	ssyncadd.s32 $0xFFFFE700  }
0xbf: {  	_ =	swait.ge [sflag:s11], $0x1900  }
0xc0: {  	[sflag:s11] =	ssyncset.done $0x0  }
0xc1: {  	[sflag:s11] =	ssyncadd.s32 $0xFFFFE700  }
0xc2: {  	[spmem:s1] =	stream.indirect.scatter.add.f32 [tilespmem:s8], [sflag:$0x3], $0x20, s7, s3, $0xb8;
	[tilespmem:$0x1D5A0] =	vst v63  }
0xc3: {  	_ =	swait.ge [sflag:s0], $0x1900  }
0xc4: {  	s13 =	stileid.u32;
	[sflag:s0] =	ssyncset.done $0x0  }
0xc5: {  	s13 =	sshll.u32 s13, $0x6;
	[sflag:s0] =	ssyncadd.s32 $0xFFFFE700  }
0xc6: {  	s13 =	sor.u32 $0x1C03, s13;
	[bflag:$0x0] =	sbarrier.arrive $0xFFFF  }
0xc7: {  	[hbm:s23], [sflag:s13] =	dma.local [spmem:s25], $0x3100  }
0xc8: {  	_ =	swait.ge [sflag:s0], $0x3100  }
0xc9: {  	s12 =	sadd.s32 $0x1, s12;
	s16 =	rddreg [dreg:$0x7]  }
0xca: {  	p0 =	sne.s32 s12, s16  }
.Ltmp2:
0xcb: {  	_ = 	snop;
	(pc) =	sbr.rel @p0 .LBB2_1-.Ltmp2, $3  }
0xcc: {  	_ =	sdelay $0x1  }
0xcd: {  	[sflag:s0] =	ssyncset.done $0x0  }
0xce: {  	[sflag:s0] =	ssyncadd.s32 $0xFFFFCF00  }
0xcf: {  	_ =	sfence.sel $0x180000  }
0xd0: {  	[bflag:$0x0] =	sbarrier.arrive $0xFFFF  }
0xd1: {  	_ =	strace $0x9000004A  }
0xd2: {  	s0 =	stileid.u32;
	[bflag:$0x2] =	sbarrier.arrive $0xFFFF  }
0xd3: {  	p0 =	sne.s32 s0, $0x0;
	s0 =	rddreg [dreg:$0x2]  }
0xd4: {  	s0 =	sadd.s32 @!p0 $0x100000, s0  }
0xd5: {  	[sflag:s0] =	ssyncadd.tile.s32 @!p0 $0x1;
	_ =	shalt  }
.Lfunc_end2:
_tile_overlayer_lowered:
.L_overlay_start_2:
0xd6: {  	(tag) =	ssettag $0x2  }
0xd7: {  	s0 =	rddreg [dreg:$0x0];
	s2 =	stileid.u32  }
0xd8: {  	s1 =	rddreg [dreg:$0x1];
	p0 =	sne.s32 s2, $0x0  }
0xd9: {  	s3 =	rddreg [dreg:$0x2];
	[bflag:$0x3] =	sbarrier.arrive $0xFFFF;
	s2 =	simm.s32 @!p0 $0x1C03  }
0xda: {  	[timem:s3], [sflag:s2] =	dma.local @!p0 [hbm:s0], s1  }
0xdb: {  	s0 =	simm.s32 @!p0 $0x3  }
0xdc: {  	_ =	swait.ge @!p0 [sflag:s0], s1  }
0xdd: {  	s1 =	ssub.s32 @!p0 $0x0, s1;
	[sflag:s0] =	ssyncset.done @!p0 $0x0  }
0xde: {  	[sflag:s0] =	ssyncadd.s32 @!p0 s1  }
0xdf: {  	[bflag:$0x3] =	sbarrier.arrive $0xFFFF  }
0xe0: {  	_ =	shalt  }

// kernel: kernel.15.cloned.1.call-start
scs
__scs_entry_jumppad:
0x0: {  	(pc) =	sbr.rel $0x88, $3  }
0x1: {  	(tag) =	ssettag $0x0;
	lr =	simm.s32 $0x1  }
0x2: {  	[smem:$0x3F98] =	sst lr;
	_ =	strace $0xD0000000  }
0x3: {  	_ = 	snop  }
0x4: {  	_ = 	snop  }
0x5: {  	_ = 	snop  }
0x6: {  	_ = 	snop  }
0x7: {  	_ = 	snop  }
__scs_overlays_trampoline_lowered:
0x8: {  	[smem:$0x3FA7] =	sst s0  }
0x9: {  	[smem:$0x3FA8] =	sst s1  }
0xa: {  	[smem:$0x3FA9] =	sst s2  }
0xb: {  	[smem:$0x3FAA] =	sst s3  }
0xc: {  	[smem:$0x3FAB] =	sst s4  }
0xd: {  	[smem:$0x3FAC] =	sst s5  }
0xe: {  	[smem:$0x3FAD] =	sst s6  }
0xf: {  	[smem:$0x3FAE] =	sst s7  }
0x10: {  	[smem:$0x3FAF] =	sst s8  }
0x11: {  	[smem:$0x3FB0] =	sst s9;
	s0 =	simm.s32 @!p0 $0x0  }
0x12: {  	s1 =	sld [smem:$0x3F96];
	s0 =	simm.s32 @p0 $0x1  }
0x13: {  	[smem:$0x3FB1] =	sst s0;
	s0 =	simm.s32 @!p1 $0x0  }
0x14: {  	s2 =	sld [smem:$0x3F95];
	s0 =	simm.s32 @p1 $0x1  }
0x15: {  	[smem:$0x3FB2] =	sst s0;
	s0 =	simm.s32 @!p2 $0x0  }
0x16: {  	s3 =	sld [smem:$0x3FDB];
	s0 =	simm.s32 @p2 $0x1  }
0x17: {  	s4 =	simm.s32 $0x1BF5;
	[smem:$0x3FB4] =	sst s0  }
0x18: {  	s0 =	sld [smem:$0x3F97];
	_ =	swait.ge [sflag:s4], $0x0  }
0x19: {  	s7 =	sld [smem:$0x3F98]  }
0x1a: {  	s8 =	sadd.s32 $0xFFFFE003, lr  }
0x1b: {  	s9 =	sadd.s32 $0xFFFFFEF7, lr;
	s5 =	simm.s32 $0xFFFFFFFF;
	p2 =	slt.u32 s8, $0xFFFFF086  }
0x1c: {  	p1 =	slt.u32 s9, $0xF7A;
	s5 =	simm.s32 @!p2 $0x0  }
0x1d: {  	s5 =	simm.s32 @p1 $0x1;
	p0 =	seq.s32 s7, s2  }
0x1e: {  	s7 =	smul.u32 @!p0 $0xF7A, s2;
	p2 =	seq.s32 @!p0 s5, $0x0  }
0x1f: {  	s9 =	smul.u32 $0xF7A, s1;
	s8 =	simm.s32 @!p0 $0x1BF5;
	p2 =	por !p2, p0  }
0x20: {  	[sflag:s8] =	ssyncset.s32 @!p0 $0xFFFFF086;
	s6 =	sadd.s32 @!p0 s3, s7;
	s7 =	simm.s32 @!p0 $0x108  }
0x21: {  	s3 =	sadd.s32 s3, s9;
	s6 =	sadd.s32 @!p0 $0x88, s6;
	s7 =	simm.s32 @p2 $0x1082  }
0x22: {  	[simem:s7], [sflag:s8] =	dma.local @!p0 [hbm:s6], $0xF7A  }
0x23: {  	s9 =	sor.u32 $0xD0000000, s2;
	s6 =	simm.s32 $0x108;
	_ =	swait.ge @!p0 [sflag:s8], $0x0  }
0x24: {  	s3 =	sadd.s32 $0x88, s3;
	s6 =	simm.s32 @!p1 $0x1082;
	[sflag:s4] =	ssyncset.s32 $0xFFFFF086  }
0x25: {  	[simem:s6], [sflag:s4] =	dma.local [hbm:s3], $0xF7A  }
0x26: {  	[smem:$0x3F98] =	sst s1;
	(tag) =	ssettag s2;
	_ =	strace s9  }
0x27: {  	s1 =	sld [smem:$0x3FA8]  }
0x28: {  	s2 =	sld [smem:$0x3FA9]  }
0x29: {  	s4 =	sld [smem:$0x3FAB]  }
0x2a: {  	p0 =	seq.s32 s5, $0x0;
	s5 =	sld [smem:$0x3FAC]  }
0x2b: {  	s6 =	sld [smem:$0x3FAD]  }
0x2c: {  	s7 =	sld [smem:$0x3FAE]  }
0x2d: {  	s3 =	simm.s32 $0x108;
	s8 =	sld [smem:$0x3FAF]  }
0x2e: {  	s3 =	simm.s32 @!p0 $0x1082;
	s9 =	sld [smem:$0x3FB0]  }
0x2f: {  	lr =	sadd.s32 s0, s3;
	s0 =	sld [smem:$0x3FA7]  }
0x30: {  	s3 =	sld [smem:$0x3FAA]  }
0x31: {  	[smem:$0x3FB3] =	sst s10  }
0x32: {  	s10 =	sld [smem:$0x3FB1];
	_ =	sdelay $0x3  }
0x33: {  	p0 =	seq.s32 s10, $0x1;
	s10 =	sld [smem:$0x3FB3];
	_ =	sdelay $0x3  }
0x34: {  	[smem:$0x3FB3] =	sst s10  }
0x35: {  	s10 =	sld [smem:$0x3FB2];
	_ =	sdelay $0x3  }
0x36: {  	p1 =	seq.s32 s10, $0x1;
	s10 =	sld [smem:$0x3FB3];
	_ =	sdelay $0x3  }
0x37: {  	[smem:$0x3FB3] =	sst s10  }
0x38: {  	s10 =	sld [smem:$0x3FB4]  }
0x39: {  	_ = 	snop;
	(pc) =	sbr.ind lr, $3  }
0x3a: {  	_ = 	snop  }
0x3b: {  	_ = 	snop  }
0x3c: {  	p2 =	seq.s32 s10, $0x1;
	s10 =	sld [smem:$0x3FB3]  }
0x3d: {  	_ =	shalt  }
0x3e: {  	_ =	shalt  }
0x3f: {  	_ =	shalt  }
0x40: {  	_ =	shalt  }
0x41: {  	_ =	shalt  }
0x42: {  	_ =	shalt  }
0x43: {  	_ =	shalt  }
0x44: {  	_ =	shalt  }
0x45: {  	_ =	shalt  }
0x46: {  	_ =	shalt  }
0x47: {  	_ =	shalt  }
0x48: {  	_ =	shalt  }
0x49: {  	_ =	shalt  }
0x4a: {  	_ =	shalt  }
0x4b: {  	_ =	shalt  }
0x4c: {  	_ =	shalt  }
0x4d: {  	_ =	shalt  }
0x4e: {  	_ =	shalt  }
0x4f: {  	_ =	shalt  }
0x50: {  	_ =	shalt  }
0x51: {  	_ =	shalt  }
0x52: {  	_ =	shalt  }
0x53: {  	_ =	shalt  }
0x54: {  	_ =	shalt  }
0x55: {  	_ =	shalt  }
0x56: {  	_ =	shalt  }
0x57: {  	_ =	shalt  }
0x58: {  	_ =	shalt  }
0x59: {  	_ =	shalt  }
0x5a: {  	_ =	shalt  }
0x5b: {  	_ =	shalt  }
0x5c: {  	_ =	shalt  }
0x5d: {  	_ =	shalt  }
0x5e: {  	_ =	shalt  }
0x5f: {  	_ =	shalt  }
0x60: {  	_ =	shalt  }
0x61: {  	_ =	shalt  }
0x62: {  	_ =	shalt  }
0x63: {  	_ =	shalt  }
0x64: {  	_ =	shalt  }
0x65: {  	_ =	shalt  }
0x66: {  	_ =	shalt  }
0x67: {  	_ =	shalt  }
0x68: {  	_ =	shalt  }
0x69: {  	_ =	shalt  }
0x6a: {  	_ =	shalt  }
0x6b: {  	_ =	shalt  }
0x6c: {  	_ =	shalt  }
0x6d: {  	_ =	shalt  }
0x6e: {  	_ =	shalt  }
0x6f: {  	_ =	shalt  }
0x70: {  	_ =	shalt  }
0x71: {  	_ =	shalt  }
0x72: {  	_ =	shalt  }
0x73: {  	_ =	shalt  }
0x74: {  	_ =	shalt  }
0x75: {  	_ =	shalt  }
0x76: {  	_ =	shalt  }
0x77: {  	_ =	shalt  }
0x78: {  	_ =	shalt  }
0x79: {  	_ =	shalt  }
0x7a: {  	_ =	shalt  }
0x7b: {  	_ =	shalt  }
0x7c: {  	_ =	shalt  }
0x7d: {  	_ =	shalt  }
0x7e: {  	_ =	shalt  }
0x7f: {  	_ =	shalt  }
0x80: {  	_ =	shalt  }
0x81: {  	_ =	shalt  }
0x82: {  	_ =	shalt  }
0x83: {  	_ =	shalt  }
0x84: {  	_ =	shalt  }
0x85: {  	_ =	shalt  }
0x86: {  	_ =	shalt  }
0x87: {  	_ =	shalt  }
.Lfunc_end0:
.L_simem_size_0:
called_computation.2_lowered:
.L_overlay_start_0:
0x88: {  	s2 =	sld [smem:$0x3FD9]  }
0x89: {  	s3 =	sld [smem:$0x3FFE];
	_ =	sdelay $0x1  }
0x8a: {  	s1 =	srdreg.scid  }
0x8b: {  	s0 =	sand.u32 $0x1, s1  }
0x8c: {  	s16 =	sshll.u32 s0, $0xA;
	s2 =	sadd.s32 s3, s2  }
0x8d: {  	s2 =	sadd.s32 s2, s16  }
0x8e: {  	[smem:$0x3FBF] =	sst s2  }
0x8f: {  	_ = 	snop  }
0x90: {  	(tm) =	ssettm $0x1  }
0x91: {  	s17 =	sld [smem:$0x3FFB];
	_ =	sdelay $0x3  }
0x92: {  	_ =	strace s17  }
0x93: {  	s2 =	sld [smem:$0x3FFC];
	_ =	sdelay $0x3  }
0x94: {  	_ =	strace s2  }
0x95: {  	s2 =	sld [smem:$0x3FFD];
	_ =	sdelay $0x3  }
0x96: {  	_ =	strace s2  }
0x97: {  	_ =	strace $0x8FFFFFFF  }
0x98: {  	s18 =	sld [smem:$0x3FDB];
	_ =	sdelay $0x1  }
0x99: {  	s19 =	simm.s32 $_scs_section_size  }
0x9a: {  	s4 =	simm.s32 $_size__tile_overlayer_lowered;
	s5 =	simm.s32 $_tile_overlayer_lowered  }
0x9b: {  	s22 =	simm.s32 $0x1BFF;
	s21 =	sshll.u32 s5, $0x1;
	s2 =	sadd.s32 s19, s18  }
0x9c: {  	s6 =	simm.s32 $0x0;
	s20 =	sshll.u32 s4, $0x1;
	s4 =	sadd.s32 s21, s2  }
0x9d: {  	[timem:s6], [sflag:s22] =	dma.local [hbm:s4], s20  }
0x9e: {  	_ =	swait.ge [sflag:s22], s20  }
0x9f: {  	s3 =	ssub.s32 $0x0, s20;
	[sflag:s22] =	ssyncset.done $0x0  }
0xa0: {  	[sflag:s22] =	ssyncadd.s32 s3;
	_ =	sdelay $0x1  }
0xa1: {  	s23 =	simm.s32 $0x1B8B  }
0xa2: {  	_ =	swait.ge [sflag:s23], $0x1  }
0xa3: {  	[sflag:s23] =	ssyncset.done $0x0  }
0xa4: {  	s25 =	simm.s32 $0x1B8E;
	s24 =	sld [smem:$0x3FFE];
	[sflag:s23] =	ssyncadd.s32 $0xFFFFFFFF  }
0xa5: {  	s26 =	simm.s32 $execute0_lowered;
	[smem:$0x3FD2] =	sst s25  }
0xa6: {  	s4 =	sshll.u32 s26, $0x1;
	_ =	strace $0x8000004C;
	[dreg:$0x1] =	wrdreg $0xFFFFFFFF  }
0xa7: {  	s28 =	simm.s32 $_size_execute0_lowered;
	s2 =	sadd.s32 s2, s4;
	[dreg:$0x0] =	wrdreg $0x0  }
0xa8: {  	s4 =	sshll.u32 s28, $0x1;
	[dreg:$0x2] =	wrdreg s2  }
0xa9: {  	[dreg:$0x3] =	wrdreg s4  }
0xaa: {  	[dreg:$0x4] =	wrdreg $0xC0  }
0xab: {  	_ =	task [dreg:s6], $0x5FFFF  }
0xac: {  	[dreg:$0x1] =	wrdreg $0xFFFFFFFF  }
0xad: {  	[dreg:$0x0] =	wrdreg $0x60  }
0xae: {  	[dreg:$0x2] =	wrdreg s24  }
0xaf: {  	[dreg:$0x3] =	wrdreg $0x4DA00  }
0xb0: {  	[dreg:$0x4] =	wrdreg $0x9  }
0xb1: {  	_ =	task.clear_ibuf [dreg:s6], $0x5FFFF;
	_ =	strace $0x9000004C  }
0xb2: {  	s29 =	simm.s32 $0x9;
	_ =	strace $0x8000004E  }
0xb3: {  	_ =	swait.ge [sflag:s29], $0x1  }
0xb4: {  	[sflag:s29] =	ssyncadd.s32 $0xFFFFFFFF  }
0xb5: {  	_ =	strace $0x9000004E  }
0xb6: {  	_ =	sfence  }
0xb7: {  	s30 =	sld [smem:$0x0];
	_ =	sdelay $0x2  }
0xb8: {  	s31 =	sshll.u32 s1, $0xD;
	s1 =	sshrl.u32 s1, $0x2  }
0xb9: {  	s3 =	sand.u32 $0x4000, s31;
	s1 =	sadd.s32 s1, s30  }
0xba: {  	s0 =	sor.u32 s3, s0;
	s1 =	sshll.u32 s1, $0x11  }
0xbb: {  	s0 =	sor.u32 s1, s0  }
0xbc: {  	s0 =	sadd.s32 $0x8F2B, s0  }
0xbd: {  	[sflag:s0] =	ssyncadd.remote.s32 $0x1  }
0xbe: {  	_ =	sfence.sel $0xFFFF  }
0xbf: {  	[dreg:$0x0] =	wrdreg $0xFFFFFFFF;
	(pc) =	sbr.abs _section_cstart, $3  }
0xc0: {  	[dreg:$0x1] =	wrdreg $0xFFFFFFFF  }
0xc1: {  	_ =	task.clear_ibuf [dreg:s6], $0x2FFFF;
	_ =	strace $0x9FFFFFFF  }
0xc2: {  	(tm) =	ssettm $0x7FFFFFFF  }
0xc3: {  	_ =	shalt  }
tec
execute0_lowered:
.L_overlay_start_1:
0x0: {  	(tag) =	ssettag $0x1  }
0x1: {  	s0 =	rddreg [dreg:$0x0]  }
0x2: {  	s1 =	rddreg [dreg:$0x1];
	s11 =	stileid.u32  }
0x3: {  	s3 =	srdreg.scid;
	s2 =	simm.s32 $0x0;
	s6 =	smul.u32 $0xC350, s11  }
0x4: {  	s31 =	simm.s32 $0x3520;
	s3 =	sand.u32 $0x1, s3;
	s12 =	smul.u32 $0x18800, s11  }
0x5: {  	[smem:$0x7FF] =	sst s2;
	s7 =	sadd.s32 $0x19C00, s0;
	s4 =	smul.u32 $0x30D40, s3  }
0x6: {  	s8 =	sadd.s32 $0x1400, s0;
	s5 =	smul.u32 $0x31000, s3;
	s3 =	ssub.s32 $0x2, s3  }
0x7: {  	_ =	strace $0x8000004D;
	s9 =	sshrl.u32 s3, $0x1;
	s26 =	sshrl.u32 s6, $0x3  }
0x8: {  	s6 =	sadd.s32 $0xC8, s6;
	s16 =	sshrl.u32 s12, $0x3;
	s4 =	sadd.s32 s4, s0  }
0x9: {  	s0 =	sadd.s32 s5, s0;
	s3 =	ssub.s32 s3, s9;
	s10 =	sadd.s32 s7, s26  }
0xa: {  	s5 =	sadd.s32 s8, s26;
	s13 =	sshrl.u32 s6, $0x3;
	s9 =	sadd.s32 s12, s1  }
0xb: {  	s26 =	smul.u32 $0x186A, s11;
	s12 =	simm.s32 $0x0;
	[dreg:$0x3] =	wrdreg s10  }
0xc: {  	[dreg:$0x4] =	wrdreg s5;
	s10 =	smul.u32 $0x62000, s11;
	s6 =	sadd.s32 $0x32400, s4  }
0xd: {  	s14 =	sadd.s32 s7, s13;
	s15 =	sadd.s32 s8, s13;
	s0 =	sadd.s32 $0x94000, s0  }
0xe: {  	s3 =	smax.u32 s3, $0x1;
	s4 =	simm.s32 $0x320;
	[dreg:$0x5] =	wrdreg s14  }
0xf: {  	s11 =	simm.s32 $0x2;
	[dreg:$0x6] =	wrdreg s15;
	s20 =	sshrl.u32 s10, $0x2  }
0x10: {  	[dreg:$0x7] =	wrdreg s3;
	s3 =	simm.s32 $0xC8;
	s10 =	sadd.s32 s20, s1  }
0x11: {  	s20 =	sadd.s32 s26, s8;
	s8 =	simm.s32 $0x1C20;
	s21 =	sadd.s32 $0x1880, s10  }
0x12: {  	s22 =	sadd.s32 $0x3100, s10;
	s23 =	sadd.s32 $0x4980, s10;
	[dreg:$0x8] =	wrdreg s21  }
0x13: {  	s24 =	sadd.s32 $0x6200, s10;
	s25 =	sadd.s32 $0x7A80, s10;
	[dreg:$0x9] =	wrdreg s22  }
0x14: {  	s5 =	sadd.s32 $0x9300, s10;
	s17 =	sadd.s32 $0xAB80, s10;
	[dreg:$0xa] =	wrdreg s23  }
0x15: {  	s18 =	sadd.s32 $0xC400, s10;
	s19 =	sadd.s32 $0xDC80, s10;
	[dreg:$0xb] =	wrdreg s24  }
0x16: {  	s28 =	sadd.s32 $0x13E80, s10;
	s29 =	sadd.s32 $0x15700, s10;
	[dreg:$0xc] =	wrdreg s25  }
0x17: {  	s30 =	sadd.s32 $0x16F80, s10;
	[dreg:$0xd] =	wrdreg s5;
	s21 =	sadd.s32 s26, s7  }
0x18: {  	s22 =	sadd.s32 $0xF500, s10;
	s23 =	sadd.s32 s16, s0;
	s24 =	sadd.s32 $0x10D80, s10  }
0x19: {  	s25 =	sshrl.u32 s9, $0x3;
	s26 =	sadd.s32 $0x12600, s10;
	s0 =	simm.s32 $0x3  }
0x1a: {  	v0 =	vimm.f32 $0.0e+00;
	s5 =	simm.s32 $0x190;
	s7 =	simm.s32 $0x258;
	s9 =	simm.s32 $0x1  }
.LBB2_1:
0x1b: {  	s13 =	simm.s32 $0x80;
	s14 =	simm.s32 $0x0  }
.LBB2_2:
0x1c: {  	p0 =	sne.s32 s13, $0x6180;
	[tilespmem:s14+$0x3520] =	vst v0;
	s15 =	smov.u32 s13;
	s13 =	sadd.s32 $0x80, s13  }
.Ltmp0:
0x1d: {  	[tilespmem:s14+$0x3530] =	vst v0;
	(pc) =	sbr.rel @p0 .LBB2_2-.Ltmp0, $2  }
0x1e: {  	_ =	sdelay $0x2  }
0x1f: {  	s14 =	sshra.s32 s15, $0x2  }
0x20: {  	[tilespmem:s14+$0x3520] =	vst v0  }
0x21: {  	[tilespmem:s14+$0x3530] =	vst v0  }
0x22: {  	[spmem:s10] =	stream.linear.scatter [tilespmem:s31], [sflag:$0x3], $0x1880, $0x38;
	[tilespmem:$0x1D5A0] =	vst v63  }
0x23: {  	_ =	swait.ge [sflag:s0], $0x1880  }
0x24: {  	[sflag:s0] =	ssyncset.done $0x0  }
0x25: {  	s13 =	rddreg [dreg:$0x8];
	[sflag:s0] =	ssyncadd.s32 $0xFFFFE780  }
0x26: {  	[spmem:s13] =	stream.linear.scatter [tilespmem:s31], [sflag:$0x3], $0x1880, $0x38;
	[tilespmem:$0x1D5A0] =	vst v63  }
0x27: {  	_ =	swait.ge [sflag:s0], $0x1880  }
0x28: {  	[sflag:s0] =	ssyncset.done $0x0  }
0x29: {  	s15 =	rddreg [dreg:$0x9];
	[sflag:s0] =	ssyncadd.s32 $0xFFFFE780  }
0x2a: {  	[spmem:s15] =	stream.linear.scatter [tilespmem:s31], [sflag:$0x3], $0x1880, $0x38;
	[tilespmem:$0x1D5A0] =	vst v63  }
0x2b: {  	_ =	swait.ge [sflag:s0], $0x1880  }
0x2c: {  	[sflag:s0] =	ssyncset.done $0x0  }
0x2d: {  	s16 =	rddreg [dreg:$0xa];
	[sflag:s0] =	ssyncadd.s32 $0xFFFFE780  }
0x2e: {  	[spmem:s16] =	stream.linear.scatter [tilespmem:s31], [sflag:$0x3], $0x1880, $0x38;
	[tilespmem:$0x1D5A0] =	vst v63  }
0x2f: {  	_ =	swait.ge [sflag:s0], $0x1880  }
0x30: {  	[sflag:s0] =	ssyncset.done $0x0  }
0x31: {  	s14 =	rddreg [dreg:$0xb];
	[sflag:s0] =	ssyncadd.s32 $0xFFFFE780  }
0x32: {  	[spmem:s14] =	stream.linear.scatter [tilespmem:s31], [sflag:$0x3], $0x1880, $0x38;
	[tilespmem:$0x1D5A0] =	vst v63  }
0x33: {  	_ =	swait.ge [sflag:s0], $0x1880  }
0x34: {  	[sflag:s0] =	ssyncset.done $0x0  }
0x35: {  	s15 =	rddreg [dreg:$0xc];
	[sflag:s0] =	ssyncadd.s32 $0xFFFFE780  }
0x36: {  	[spmem:s15] =	stream.linear.scatter [tilespmem:s31], [sflag:$0x3], $0x1880, $0x38;
	[tilespmem:$0x1D5A0] =	vst v63  }
0x37: {  	_ =	swait.ge [sflag:s0], $0x1880  }
0x38: {  	[sflag:s0] =	ssyncset.done $0x0  }
0x39: {  	s16 =	rddreg [dreg:$0xd];
	[sflag:s0] =	ssyncadd.s32 $0xFFFFE780  }
0x3a: {  	[spmem:s16] =	stream.linear.scatter [tilespmem:s31], [sflag:$0x3], $0x1880, $0x38;
	[tilespmem:$0x1D5A0] =	vst v63  }
0x3b: {  	_ =	swait.ge [sflag:s0], $0x1880  }
0x3c: {  	[sflag:s0] =	ssyncset.done $0x0  }
0x3d: {  	[sflag:s0] =	ssyncadd.s32 $0xFFFFE780  }
0x3e: {  	[spmem:s17] =	stream.linear.scatter [tilespmem:s31], [sflag:$0x3], $0x1880, $0x38;
	[tilespmem:$0x1D5A0] =	vst v63  }
0x3f: {  	_ =	swait.ge [sflag:s0], $0x1880  }
0x40: {  	[sflag:s0] =	ssyncset.done $0x0  }
0x41: {  	[sflag:s0] =	ssyncadd.s32 $0xFFFFE780  }
0x42: {  	[spmem:s18] =	stream.linear.scatter [tilespmem:s31], [sflag:$0x3], $0x1880, $0x38;
	[tilespmem:$0x1D5A0] =	vst v63  }
0x43: {  	_ =	swait.ge [sflag:s0], $0x1880  }
0x44: {  	[sflag:s0] =	ssyncset.done $0x0  }
0x45: {  	[sflag:s0] =	ssyncadd.s32 $0xFFFFE780  }
0x46: {  	[spmem:s19] =	stream.linear.scatter [tilespmem:s31], [sflag:$0x3], $0x1880, $0x38;
	[tilespmem:$0x1D5A0] =	vst v63  }
0x47: {  	_ =	swait.ge [sflag:s0], $0x1880  }
0x48: {  	[sflag:s0] =	ssyncset.done $0x0  }
0x49: {  	[sflag:s0] =	ssyncadd.s32 $0xFFFFE780  }
0x4a: {  	[spmem:s22] =	stream.linear.scatter [tilespmem:s31], [sflag:$0x3], $0x1880, $0x38;
	[tilespmem:$0x1D5A0] =	vst v63  }
0x4b: {  	_ =	swait.ge [sflag:s0], $0x1880  }
0x4c: {  	[sflag:s0] =	ssyncset.done $0x0  }
0x4d: {  	[sflag:s0] =	ssyncadd.s32 $0xFFFFE780  }
0x4e: {  	[spmem:s24] =	stream.linear.scatter [tilespmem:s31], [sflag:$0x3], $0x1880, $0x38;
	[tilespmem:$0x1D5A0] =	vst v63  }
0x4f: {  	_ =	swait.ge [sflag:s0], $0x1880  }
0x50: {  	[sflag:s0] =	ssyncset.done $0x0  }
0x51: {  	[sflag:s0] =	ssyncadd.s32 $0xFFFFE780  }
0x52: {  	[spmem:s26] =	stream.linear.scatter [tilespmem:s31], [sflag:$0x3], $0x1880, $0x38;
	[tilespmem:$0x1D5A0] =	vst v63  }
0x53: {  	_ =	swait.ge [sflag:s0], $0x1880  }
0x54: {  	[sflag:s0] =	ssyncset.done $0x0  }
0x55: {  	[sflag:s0] =	ssyncadd.s32 $0xFFFFE780  }
0x56: {  	[spmem:s28] =	stream.linear.scatter [tilespmem:s31], [sflag:$0x3], $0x1880, $0x38;
	[tilespmem:$0x1D5A0] =	vst v63  }
0x57: {  	_ =	swait.ge [sflag:s0], $0x1880  }
0x58: {  	[sflag:s0] =	ssyncset.done $0x0  }
0x59: {  	[sflag:s0] =	ssyncadd.s32 $0xFFFFE780  }
0x5a: {  	[spmem:s29] =	stream.linear.scatter [tilespmem:s31], [sflag:$0x3], $0x1880, $0x38;
	[tilespmem:$0x1D5A0] =	vst v63  }
0x5b: {  	_ =	swait.ge [sflag:s0], $0x1880  }
0x5c: {  	[sflag:s0] =	ssyncset.done $0x0  }
0x5d: {  	[sflag:s0] =	ssyncadd.s32 $0xFFFFE780  }
0x5e: {  	[spmem:s30] =	stream.linear.scatter [tilespmem:s31], [sflag:$0x3], $0x1880, $0x38;
	[tilespmem:$0x1D5A0] =	vst v63  }
0x5f: {  	_ =	swait.ge [sflag:s0], $0x1880  }
0x60: {  	[sflag:s0] =	ssyncset.done $0x0  }
0x61: {  	[sflag:s0] =	ssyncadd.s32 $0xFFFFE780  }
0x62: {  	[bflag:$0x0] =	sbarrier.arrive $0xFFFF  }
0x63: {  	s14 =	rddreg [dreg:$0x3]  }
0x64: {  	[tilespmem:s2], [sflag:$0x3] =	stream.linear.gather [hbm4b:s14+s2], $0xC8, $0x38;
	[tilespmem:$0x1D5A0] =	vst v63  }
0x65: {  	_ =	swait.ge [sflag:s0], $0xC8  }
0x66: {  	[sflag:s0] =	ssyncset.done $0x0  }
0x67: {  	s15 =	rddreg [dreg:$0x4];
	[sflag:s0] =	ssyncadd.s32 $0xFFFFFF38  }
0x68: {  	[tilespmem:s3], [sflag:$0x3] =	stream.linear.gather [hbm4b:s15+s2], $0xC8, $0x38;
	[tilespmem:$0x1D5A0] =	vst v63  }
0x69: {  	_ =	swait.ge [sflag:s0], $0xC8  }
0x6a: {  	[sflag:s0] =	ssyncset.done $0x0  }
0x6b: {  	[sflag:s0] =	ssyncadd.s32 $0xFFFFFF38  }
0x6c: {  	[tilespmem:s4], [sflag:$0x1] =	stream.indirect.gather [hbm4b:s6+s3], $0x20, s2, s3, $0xb8;
	[tilespmem:$0x1D5A0] =	vst v63  }
0x6d: {  	s16 =	rddreg [dreg:$0x5]  }
0x6e: {  	[tilespmem:s5], [sflag:$0x3] =	stream.linear.gather [hbm4b:s16+s2], $0xC8, $0x38;
	[tilespmem:$0x1D5A0] =	vst v63  }
0x6f: {  	_ =	swait.ge [sflag:s0], $0xC8  }
0x70: {  	[sflag:s0] =	ssyncset.done $0x0  }
0x71: {  	s14 =	rddreg [dreg:$0x6];
	[sflag:s0] =	ssyncadd.s32 $0xFFFFFF38  }
0x72: {  	[tilespmem:s7], [sflag:$0x3] =	stream.linear.gather [hbm4b:s14+s2], $0xC8, $0x38;
	[tilespmem:$0x1D5A0] =	vst v63  }
0x73: {  	_ =	swait.ge [sflag:s0], $0xC8  }
0x74: {  	[sflag:s0] =	ssyncset.done $0x0  }
0x75: {  	[sflag:s0] =	ssyncadd.s32 $0xFFFFFF38  }
0x76: {  	[tilespmem:s8], [sflag:$0x2] =	stream.indirect.gather [hbm4b:s6+s3], $0x20, s5, s3, $0xb8;
	[tilespmem:$0x1D5A0] =	vst v63  }
0x77: {  	_ =	swait.ge [sflag:s9], $0x1900  }
0x78: {  	[sflag:s9] =	ssyncset.done $0x0  }
0x79: {  	[sflag:s9] =	ssyncadd.s32 $0xFFFFE700  }
0x7a: {  	[spmem:s1] =	stream.indirect.scatter.add.f32 [tilespmem:s4], [sflag:$0x3], $0x20, s3, s3, $0xb8;
	[tilespmem:$0x1D5A0] =	vst v63  }
0x7b: {  	_ =	swait.ge [sflag:s0], $0x1900  }
0x7c: {  	s13 =	sadd.s32 $0xFFFFE7C8, s21;
	[sflag:s0] =	ssyncset.done $0x0  }
0x7d: {  	s15 =	sadd.s32 $0x186A, s13;
	[sflag:s0] =	ssyncadd.s32 $0xFFFFE700  }
0x7e: {  	[tilespmem:s2], [sflag:$0x3] =	stream.linear.gather [hbm4b:s15+s2], $0xC8, $0x38;
	[tilespmem:$0x1D5A0] =	vst v63  }
0x7f: {  	_ =	swait.ge [sflag:s0], $0xC8  }
0x80: {  	s16 =	sadd.s32 $0xFFFFE7C8, s20;
	[sflag:s0] =	ssyncset.done $0x0  }
0x81: {  	s15 =	sadd.s32 $0x186A, s16;
	[sflag:s0] =	ssyncadd.s32 $0xFFFFFF38  }
0x82: {  	[tilespmem:s3], [sflag:$0x3] =	stream.linear.gather [hbm4b:s15+s2], $0xC8, $0x38;
	[tilespmem:$0x1D5A0] =	vst v63  }
0x83: {  	_ =	swait.ge [sflag:s0], $0xC8  }
0x84: {  	[sflag:s0] =	ssyncset.done $0x0  }
0x85: {  	[sflag:s0] =	ssyncadd.s32 $0xFFFFFF38  }
0x86: {  	[tilespmem:s4], [sflag:$0x1] =	stream.indirect.gather [hbm4b:s6+s3], $0x20, s2, s3, $0xb8;
	[tilespmem:$0x1D5A0] =	vst v63  }
0x87: {  	_ =	swait.ge [sflag:s11], $0x1900  }
0x88: {  	[sflag:s11] =	ssyncset.done $0x0  }
0x89: {  	[sflag:s11] =	ssyncadd.s32 $0xFFFFE700  }
0x8a: {  	[spmem:s1] =	stream.indirect.scatter.add.f32 [tilespmem:s8], [sflag:$0x3], $0x20, s7, s3, $0xb8;
	[tilespmem:$0x1D5A0] =	vst v63  }
0x8b: {  	_ =	swait.ge [sflag:s0], $0x1900  }
0x8c: {  	[sflag:s0] =	ssyncset.done $0x0  }
0x8d: {  	s13 =	sadd.s32 $0x1883, s13;
	[sflag:s0] =	ssyncadd.s32 $0xFFFFE700  }
0x8e: {  	[tilespmem:s5], [sflag:$0x3] =	stream.linear.gather [hbm4b:s13+s2], $0xC8, $0x38;
	[tilespmem:$0x1D5A0] =	vst v63  }
0x8f: {  	_ =	swait.ge [sflag:s0], $0xC8  }
0x90: {  	[sflag:s0] =	ssyncset.done $0x0  }
0x91: {  	s16 =	sadd.s32 $0x1883, s16;
	[sflag:s0] =	ssyncadd.s32 $0xFFFFFF38  }
0x92: {  	[tilespmem:s7], [sflag:$0x3] =	stream.linear.gather [hbm4b:s16+s2], $0xC8, $0x38;
	[tilespmem:$0x1D5A0] =	vst v63  }
0x93: {  	_ =	swait.ge [sflag:s0], $0xC8  }
0x94: {  	[sflag:s0] =	ssyncset.done $0x0  }
0x95: {  	s13 =	simm.s32 $0xFFFFE7FA;
	[sflag:s0] =	ssyncadd.s32 $0xFFFFFF38  }
.LBB2_4:
0x96: {  	[tilespmem:s8], [sflag:$0x2] =	stream.indirect.gather [hbm4b:s6+s3], $0x20, s5, s3, $0xb8;
	[tilespmem:$0x1D5A0] =	vst v63  }
0x97: {  	s14 =	smov.u32 s13  }
0x98: {  	p0 =	sne.s32 s13, $0xFFFFFFCE;
	s13 =	sadd.s32 $0x32, s13;
	_ =	swait.ge [sflag:s9], $0x1900  }
0x99: {  	[sflag:s9] =	ssyncset.done $0x0  }
0x9a: {  	[sflag:s9] =	ssyncadd.s32 $0xFFFFE700  }
0x9b: {  	[spmem:s1] =	stream.indirect.scatter.add.f32 [tilespmem:s4], [sflag:$0x3], $0x20, s3, s3, $0xb8;
	[tilespmem:$0x1D5A0] =	vst v63  }
0x9c: {  	_ =	swait.ge [sflag:s0], $0x1900  }
0x9d: {  	s15 =	sadd.s32 s14, s21;
	[sflag:s0] =	ssyncset.done $0x0  }
0x9e: {  	s16 =	sadd.s32 $0x186A, s15;
	[sflag:s0] =	ssyncadd.s32 $0xFFFFE700  }
0x9f: {  	[tilespmem:s2], [sflag:$0x3] =	stream.linear.gather [hbm4b:s16+s2], $0xC8, $0x38;
	[tilespmem:$0x1D5A0] =	vst v63  }
0xa0: {  	_ =	swait.ge [sflag:s0], $0xC8  }
0xa1: {  	s14 =	sadd.s32 s14, s20;
	[sflag:s0] =	ssyncset.done $0x0  }
0xa2: {  	s16 =	sadd.s32 $0x186A, s14;
	[sflag:s0] =	ssyncadd.s32 $0xFFFFFF38  }
0xa3: {  	[tilespmem:s3], [sflag:$0x3] =	stream.linear.gather [hbm4b:s16+s2], $0xC8, $0x38;
	[tilespmem:$0x1D5A0] =	vst v63  }
0xa4: {  	_ =	swait.ge [sflag:s0], $0xC8  }
0xa5: {  	[sflag:s0] =	ssyncset.done $0x0  }
0xa6: {  	[sflag:s0] =	ssyncadd.s32 $0xFFFFFF38  }
0xa7: {  	[tilespmem:s4], [sflag:$0x1] =	stream.indirect.gather [hbm4b:s6+s3], $0x20, s2, s3, $0xb8;
	[tilespmem:$0x1D5A0] =	vst v63  }
0xa8: {  	_ =	swait.ge [sflag:s11], $0x1900  }
0xa9: {  	[sflag:s11] =	ssyncset.done $0x0  }
0xaa: {  	[sflag:s11] =	ssyncadd.s32 $0xFFFFE700  }
0xab: {  	[spmem:s1] =	stream.indirect.scatter.add.f32 [tilespmem:s8], [sflag:$0x3], $0x20, s7, s3, $0xb8;
	[tilespmem:$0x1D5A0] =	vst v63  }
0xac: {  	_ =	swait.ge [sflag:s0], $0x1900  }
0xad: {  	[sflag:s0] =	ssyncset.done $0x0  }
0xae: {  	s15 =	sadd.s32 $0x1883, s15;
	[sflag:s0] =	ssyncadd.s32 $0xFFFFE700  }
0xaf: {  	[tilespmem:s5], [sflag:$0x3] =	stream.linear.gather [hbm4b:s15+s2], $0xC8, $0x38;
	[tilespmem:$0x1D5A0] =	vst v63  }
0xb0: {  	_ =	swait.ge [sflag:s0], $0xC8  }
0xb1: {  	[sflag:s0] =	ssyncset.done $0x0  }
.Ltmp1:
0xb2: {  	s14 =	sadd.s32 $0x1883, s14;
	[sflag:s0] =	ssyncadd.s32 $0xFFFFFF38;
	(pc) =	sbr.rel @p0 .LBB2_4-.Ltmp1, $4  }
0xb3: {  	[tilespmem:s7], [sflag:$0x3] =	stream.linear.gather [hbm4b:s14+s2], $0xC8, $0x38;
	[tilespmem:$0x1D5A0] =	vst v63  }
0xb4: {  	_ =	swait.ge [sflag:s0], $0xC8  }
0xb5: {  	[sflag:s0] =	ssyncset.done $0x0  }
0xb6: {  	[sflag:s0] =	ssyncadd.s32 $0xFFFFFF38  }
0xb7: {  	[tilespmem:s8], [sflag:$0x2] =	stream.indirect.gather [hbm4b:s6+s3], $0x20, s5, s3, $0xb8;
	[tilespmem:$0x1D5A0] =	vst v63  }
0xb8: {  	_ =	swait.ge [sflag:s9], $0x1900  }
0xb9: {  	[sflag:s9] =	ssyncset.done $0x0  }
0xba: {  	[sflag:s9] =	ssyncadd.s32 $0xFFFFE700  }
0xbb: {  	[spmem:s1] =	stream.indirect.scatter.add.f32 [tilespmem:s4], [sflag:$0x3], $0x20, s3, s3, $0xb8;
	[tilespmem:$0x1D5A0] =	vst v63  }
0xbc: {  	_ =	swait.ge [sflag:s0], $0x1900  }
0xbd: {  	[sflag:s0] =	ssyncset.done $0x0  }
0xbe: {  	[sflag:s0] =	ssyncadd.s32 $0xFFFFE700  }
0xbf: {  	_ =	swait.ge [sflag:s11], $0x1900  }
0xc0: {  	[sflag:s11] =	ssyncset.done $0x0  }
0xc1: {  	[sflag:s11] =	ssyncadd.s32 $0xFFFFE700  }
0xc2: {  	[spmem:s1] =	stream.indirect.scatter.add.f32 [tilespmem:s8], [sflag:$0x3], $0x20, s7, s3, $0xb8;
	[tilespmem:$0x1D5A0] =	vst v63  }
0xc3: {  	_ =	swait.ge [sflag:s0], $0x1900  }
0xc4: {  	s13 =	stileid.u32;
	[sflag:s0] =	ssyncset.done $0x0  }
0xc5: {  	s13 =	sshll.u32 s13, $0x6;
	[sflag:s0] =	ssyncadd.s32 $0xFFFFE700  }
0xc6: {  	s13 =	sor.u32 $0x1C03, s13;
	[bflag:$0x0] =	sbarrier.arrive $0xFFFF  }
0xc7: {  	[hbm:s23], [sflag:s13] =	dma.local [spmem:s25], $0x3100  }
0xc8: {  	_ =	swait.ge [sflag:s0], $0x3100  }
0xc9: {  	s12 =	sadd.s32 $0x1, s12;
	s16 =	rddreg [dreg:$0x7]  }
0xca: {  	p0 =	sne.s32 s12, s16  }
.Ltmp2:
0xcb: {  	_ = 	snop;
	(pc) =	sbr.rel @p0 .LBB2_1-.Ltmp2, $3  }
0xcc: {  	_ =	sdelay $0x1  }
0xcd: {  	[sflag:s0] =	ssyncset.done $0x0  }
0xce: {  	[sflag:s0] =	ssyncadd.s32 $0xFFFFCF00  }
0xcf: {  	_ =	sfence.sel $0x180000  }
0xd0: {  	[bflag:$0x0] =	sbarrier.arrive $0xFFFF  }
0xd1: {  	_ =	strace $0x9000004D  }
0xd2: {  	s0 =	stileid.u32;
	[bflag:$0x2] =	sbarrier.arrive $0xFFFF  }
0xd3: {  	p0 =	sne.s32 s0, $0x0;
	s0 =	rddreg [dreg:$0x2]  }
0xd4: {  	s0 =	sadd.s32 @!p0 $0x100000, s0  }
0xd5: {  	[sflag:s0] =	ssyncadd.tile.s32 @!p0 $0x1;
	_ =	shalt  }
.Lfunc_end2:
_tile_overlayer_lowered:
.L_overlay_start_2:
0xd6: {  	(tag) =	ssettag $0x2  }
0xd7: {  	s0 =	rddreg [dreg:$0x0];
	s2 =	stileid.u32  }
0xd8: {  	s1 =	rddreg [dreg:$0x1];
	p0 =	sne.s32 s2, $0x0  }
0xd9: {  	s3 =	rddreg [dreg:$0x2];
	[bflag:$0x3] =	sbarrier.arrive $0xFFFF;
	s2 =	simm.s32 @!p0 $0x1C03  }
0xda: {  	[timem:s3], [sflag:s2] =	dma.local @!p0 [hbm:s0], s1  }
0xdb: {  	s0 =	simm.s32 @!p0 $0x3  }
0xdc: {  	_ =	swait.ge @!p0 [sflag:s0], s1  }
0xdd: {  	s1 =	ssub.s32 @!p0 $0x0, s1;
	[sflag:s0] =	ssyncset.done @!p0 $0x0  }
0xde: {  	[sflag:s0] =	ssyncadd.s32 @!p0 s1  }
0xdf: {  	[bflag:$0x3] =	sbarrier.arrive $0xFFFF  }
0xe0: {  	_ =	shalt  }

// kernel: kernel.9.cloned.1.call-start
scs
__scs_entry_jumppad:
0x0: {  	(pc) =	sbr.rel $0x88, $3  }
0x1: {  	(tag) =	ssettag $0x0;
	lr =	simm.s32 $0x1  }
0x2: {  	[smem:$0x3F98] =	sst lr;
	_ =	strace $0xD0000000  }
0x3: {  	_ = 	snop  }
0x4: {  	_ = 	snop  }
0x5: {  	_ = 	snop  }
0x6: {  	_ = 	snop  }
0x7: {  	_ = 	snop  }
__scs_overlays_trampoline_lowered:
0x8: {  	[smem:$0x3FA7] =	sst s0  }
0x9: {  	[smem:$0x3FA8] =	sst s1  }
0xa: {  	[smem:$0x3FA9] =	sst s2  }
0xb: {  	[smem:$0x3FAA] =	sst s3  }
0xc: {  	[smem:$0x3FAB] =	sst s4  }
0xd: {  	[smem:$0x3FAC] =	sst s5  }
0xe: {  	[smem:$0x3FAD] =	sst s6  }
0xf: {  	[smem:$0x3FAE] =	sst s7  }
0x10: {  	[smem:$0x3FAF] =	sst s8  }
0x11: {  	[smem:$0x3FB0] =	sst s9;
	s0 =	simm.s32 @!p0 $0x0  }
0x12: {  	s1 =	sld [smem:$0x3F96];
	s0 =	simm.s32 @p0 $0x1  }
0x13: {  	[smem:$0x3FB1] =	sst s0;
	s0 =	simm.s32 @!p1 $0x0  }
0x14: {  	s2 =	sld [smem:$0x3F95];
	s0 =	simm.s32 @p1 $0x1  }
0x15: {  	[smem:$0x3FB2] =	sst s0;
	s0 =	simm.s32 @!p2 $0x0  }
0x16: {  	s3 =	sld [smem:$0x3FDB];
	s0 =	simm.s32 @p2 $0x1  }
0x17: {  	s4 =	simm.s32 $0x1BF5;
	[smem:$0x3FB4] =	sst s0  }
0x18: {  	s0 =	sld [smem:$0x3F97];
	_ =	swait.ge [sflag:s4], $0x0  }
0x19: {  	s7 =	sld [smem:$0x3F98]  }
0x1a: {  	s8 =	sadd.s32 $0xFFFFE003, lr  }
0x1b: {  	s9 =	sadd.s32 $0xFFFFFEF7, lr;
	s5 =	simm.s32 $0xFFFFFFFF;
	p2 =	slt.u32 s8, $0xFFFFF086  }
0x1c: {  	p1 =	slt.u32 s9, $0xF7A;
	s5 =	simm.s32 @!p2 $0x0  }
0x1d: {  	s5 =	simm.s32 @p1 $0x1;
	p0 =	seq.s32 s7, s2  }
0x1e: {  	s7 =	smul.u32 @!p0 $0xF7A, s2;
	p2 =	seq.s32 @!p0 s5, $0x0  }
0x1f: {  	s9 =	smul.u32 $0xF7A, s1;
	s8 =	simm.s32 @!p0 $0x1BF5;
	p2 =	por !p2, p0  }
0x20: {  	[sflag:s8] =	ssyncset.s32 @!p0 $0xFFFFF086;
	s6 =	sadd.s32 @!p0 s3, s7;
	s7 =	simm.s32 @!p0 $0x108  }
0x21: {  	s3 =	sadd.s32 s3, s9;
	s6 =	sadd.s32 @!p0 $0x88, s6;
	s7 =	simm.s32 @p2 $0x1082  }
0x22: {  	[simem:s7], [sflag:s8] =	dma.local @!p0 [hbm:s6], $0xF7A  }
0x23: {  	s9 =	sor.u32 $0xD0000000, s2;
	s6 =	simm.s32 $0x108;
	_ =	swait.ge @!p0 [sflag:s8], $0x0  }
0x24: {  	s3 =	sadd.s32 $0x88, s3;
	s6 =	simm.s32 @!p1 $0x1082;
	[sflag:s4] =	ssyncset.s32 $0xFFFFF086  }
0x25: {  	[simem:s6], [sflag:s4] =	dma.local [hbm:s3], $0xF7A  }
0x26: {  	[smem:$0x3F98] =	sst s1;
	(tag) =	ssettag s2;
	_ =	strace s9  }
0x27: {  	s1 =	sld [smem:$0x3FA8]  }
0x28: {  	s2 =	sld [smem:$0x3FA9]  }
0x29: {  	s4 =	sld [smem:$0x3FAB]  }
0x2a: {  	p0 =	seq.s32 s5, $0x0;
	s5 =	sld [smem:$0x3FAC]  }
0x2b: {  	s6 =	sld [smem:$0x3FAD]  }
0x2c: {  	s7 =	sld [smem:$0x3FAE]  }
0x2d: {  	s3 =	simm.s32 $0x108;
	s8 =	sld [smem:$0x3FAF]  }
0x2e: {  	s3 =	simm.s32 @!p0 $0x1082;
	s9 =	sld [smem:$0x3FB0]  }
0x2f: {  	lr =	sadd.s32 s0, s3;
	s0 =	sld [smem:$0x3FA7]  }
0x30: {  	s3 =	sld [smem:$0x3FAA]  }
0x31: {  	[smem:$0x3FB3] =	sst s10  }
0x32: {  	s10 =	sld [smem:$0x3FB1];
	_ =	sdelay $0x3  }
0x33: {  	p0 =	seq.s32 s10, $0x1;
	s10 =	sld [smem:$0x3FB3];
	_ =	sdelay $0x3  }
0x34: {  	[smem:$0x3FB3] =	sst s10  }
0x35: {  	s10 =	sld [smem:$0x3FB2];
	_ =	sdelay $0x3  }
0x36: {  	p1 =	seq.s32 s10, $0x1;
	s10 =	sld [smem:$0x3FB3];
	_ =	sdelay $0x3  }
0x37: {  	[smem:$0x3FB3] =	sst s10  }
0x38: {  	s10 =	sld [smem:$0x3FB4]  }
0x39: {  	_ = 	snop;
	(pc) =	sbr.ind lr, $3  }
0x3a: {  	_ = 	snop  }
0x3b: {  	_ = 	snop  }
0x3c: {  	p2 =	seq.s32 s10, $0x1;
	s10 =	sld [smem:$0x3FB3]  }
0x3d: {  	_ =	shalt  }
0x3e: {  	_ =	shalt  }
0x3f: {  	_ =	shalt  }
0x40: {  	_ =	shalt  }
0x41: {  	_ =	shalt  }
0x42: {  	_ =	shalt  }
0x43: {  	_ =	shalt  }
0x44: {  	_ =	shalt  }
0x45: {  	_ =	shalt  }
0x46: {  	_ =	shalt  }
0x47: {  	_ =	shalt  }
0x48: {  	_ =	shalt  }
0x49: {  	_ =	shalt  }
0x4a: {  	_ =	shalt  }
0x4b: {  	_ =	shalt  }
0x4c: {  	_ =	shalt  }
0x4d: {  	_ =	shalt  }
0x4e: {  	_ =	shalt  }
0x4f: {  	_ =	shalt  }
0x50: {  	_ =	shalt  }
0x51: {  	_ =	shalt  }
0x52: {  	_ =	shalt  }
0x53: {  	_ =	shalt  }
0x54: {  	_ =	shalt  }
0x55: {  	_ =	shalt  }
0x56: {  	_ =	shalt  }
0x57: {  	_ =	shalt  }
0x58: {  	_ =	shalt  }
0x59: {  	_ =	shalt  }
0x5a: {  	_ =	shalt  }
0x5b: {  	_ =	shalt  }
0x5c: {  	_ =	shalt  }
0x5d: {  	_ =	shalt  }
0x5e: {  	_ =	shalt  }
0x5f: {  	_ =	shalt  }
0x60: {  	_ =	shalt  }
0x61: {  	_ =	shalt  }
0x62: {  	_ =	shalt  }
0x63: {  	_ =	shalt  }
0x64: {  	_ =	shalt  }
0x65: {  	_ =	shalt  }
0x66: {  	_ =	shalt  }
0x67: {  	_ =	shalt  }
0x68: {  	_ =	shalt  }
0x69: {  	_ =	shalt  }
0x6a: {  	_ =	shalt  }
0x6b: {  	_ =	shalt  }
0x6c: {  	_ =	shalt  }
0x6d: {  	_ =	shalt  }
0x6e: {  	_ =	shalt  }
0x6f: {  	_ =	shalt  }
0x70: {  	_ =	shalt  }
0x71: {  	_ =	shalt  }
0x72: {  	_ =	shalt  }
0x73: {  	_ =	shalt  }
0x74: {  	_ =	shalt  }
0x75: {  	_ =	shalt  }
0x76: {  	_ =	shalt  }
0x77: {  	_ =	shalt  }
0x78: {  	_ =	shalt  }
0x79: {  	_ =	shalt  }
0x7a: {  	_ =	shalt  }
0x7b: {  	_ =	shalt  }
0x7c: {  	_ =	shalt  }
0x7d: {  	_ =	shalt  }
0x7e: {  	_ =	shalt  }
0x7f: {  	_ =	shalt  }
0x80: {  	_ =	shalt  }
0x81: {  	_ =	shalt  }
0x82: {  	_ =	shalt  }
0x83: {  	_ =	shalt  }
0x84: {  	_ =	shalt  }
0x85: {  	_ =	shalt  }
0x86: {  	_ =	shalt  }
0x87: {  	_ =	shalt  }
.Lfunc_end0:
.L_simem_size_0:
called_computation_lowered:
.L_overlay_start_0:
0x88: {  	s2 =	sld [smem:$0x3FD9]  }
0x89: {  	s3 =	sld [smem:$0x3FFE];
	_ =	sdelay $0x1  }
0x8a: {  	s1 =	srdreg.scid  }
0x8b: {  	s0 =	sand.u32 $0x1, s1  }
0x8c: {  	s16 =	sshll.u32 s0, $0xA;
	s2 =	sadd.s32 s3, s2  }
0x8d: {  	s2 =	sadd.s32 s2, s16  }
0x8e: {  	[smem:$0x3FBF] =	sst s2  }
0x8f: {  	_ = 	snop  }
0x90: {  	(tm) =	ssettm $0x1  }
0x91: {  	s17 =	sld [smem:$0x3FFB];
	_ =	sdelay $0x3  }
0x92: {  	_ =	strace s17  }
0x93: {  	s2 =	sld [smem:$0x3FFC];
	_ =	sdelay $0x3  }
0x94: {  	_ =	strace s2  }
0x95: {  	s2 =	sld [smem:$0x3FFD];
	_ =	sdelay $0x3  }
0x96: {  	_ =	strace s2  }
0x97: {  	_ =	strace $0x8FFFFFFF  }
0x98: {  	s18 =	sld [smem:$0x3FDB];
	_ =	sdelay $0x1  }
0x99: {  	s19 =	simm.s32 $_scs_section_size  }
0x9a: {  	s4 =	simm.s32 $_size__tile_overlayer_lowered;
	s5 =	simm.s32 $_tile_overlayer_lowered  }
0x9b: {  	s22 =	simm.s32 $0x1BFF;
	s21 =	sshll.u32 s5, $0x1;
	s2 =	sadd.s32 s19, s18  }
0x9c: {  	s6 =	simm.s32 $0x0;
	s20 =	sshll.u32 s4, $0x1;
	s4 =	sadd.s32 s21, s2  }
0x9d: {  	[timem:s6], [sflag:s22] =	dma.local [hbm:s4], s20  }
0x9e: {  	_ =	swait.ge [sflag:s22], s20  }
0x9f: {  	s3 =	ssub.s32 $0x0, s20;
	[sflag:s22] =	ssyncset.done $0x0  }
0xa0: {  	[sflag:s22] =	ssyncadd.s32 s3;
	_ =	sdelay $0x1  }
0xa1: {  	s23 =	simm.s32 $0x1B8B  }
0xa2: {  	_ =	swait.ge [sflag:s23], $0x1  }
0xa3: {  	[sflag:s23] =	ssyncset.done $0x0  }
0xa4: {  	s25 =	simm.s32 $0x1B8E;
	s24 =	sld [smem:$0x3FFE];
	[sflag:s23] =	ssyncadd.s32 $0xFFFFFFFF  }
0xa5: {  	s26 =	simm.s32 $execute0_lowered;
	[smem:$0x3FD2] =	sst s25  }
0xa6: {  	s4 =	sshll.u32 s26, $0x1;
	_ =	strace $0x80000046;
	[dreg:$0x1] =	wrdreg $0xFFFFFFFF  }
0xa7: {  	s28 =	simm.s32 $_size_execute0_lowered;
	s2 =	sadd.s32 s2, s4;
	[dreg:$0x0] =	wrdreg $0x0  }
0xa8: {  	s4 =	sshll.u32 s28, $0x1;
	[dreg:$0x2] =	wrdreg s2  }
0xa9: {  	[dreg:$0x3] =	wrdreg s4  }
0xaa: {  	[dreg:$0x4] =	wrdreg $0xC0  }
0xab: {  	_ =	task [dreg:s6], $0x5FFFF  }
0xac: {  	[dreg:$0x1] =	wrdreg $0xFFFFFFFF  }
0xad: {  	[dreg:$0x0] =	wrdreg $0x60  }
0xae: {  	[dreg:$0x2] =	wrdreg s24  }
0xaf: {  	[dreg:$0x3] =	wrdreg $0x4DA00  }
0xb0: {  	[dreg:$0x4] =	wrdreg $0x9  }
0xb1: {  	_ =	task.clear_ibuf [dreg:s6], $0x5FFFF;
	_ =	strace $0x90000046  }
0xb2: {  	s29 =	simm.s32 $0x9;
	_ =	strace $0x80000048  }
0xb3: {  	_ =	swait.ge [sflag:s29], $0x1  }
0xb4: {  	[sflag:s29] =	ssyncadd.s32 $0xFFFFFFFF  }
0xb5: {  	_ =	strace $0x90000048  }
0xb6: {  	_ =	sfence  }
0xb7: {  	s30 =	sld [smem:$0x0];
	_ =	sdelay $0x2  }
0xb8: {  	s31 =	sshll.u32 s1, $0xD;
	s1 =	sshrl.u32 s1, $0x2  }
0xb9: {  	s3 =	sand.u32 $0x4000, s31;
	s1 =	sadd.s32 s1, s30  }
0xba: {  	s0 =	sor.u32 s3, s0;
	s1 =	sshll.u32 s1, $0x11  }
0xbb: {  	s0 =	sor.u32 s1, s0  }
0xbc: {  	s0 =	sadd.s32 $0x8F2B, s0  }
0xbd: {  	[sflag:s0] =	ssyncadd.remote.s32 $0x1  }
0xbe: {  	_ =	sfence.sel $0xFFFF  }
0xbf: {  	[dreg:$0x0] =	wrdreg $0xFFFFFFFF;
	(pc) =	sbr.abs _section_cstart, $3  }
0xc0: {  	[dreg:$0x1] =	wrdreg $0xFFFFFFFF  }
0xc1: {  	_ =	task.clear_ibuf [dreg:s6], $0x2FFFF;
	_ =	strace $0x9FFFFFFF  }
0xc2: {  	(tm) =	ssettm $0x7FFFFFFF  }
0xc3: {  	_ =	shalt  }
tec
execute0_lowered:
.L_overlay_start_1:
0x0: {  	(tag) =	ssettag $0x1  }
0x1: {  	s0 =	rddreg [dreg:$0x0]  }
0x2: {  	s1 =	rddreg [dreg:$0x1];
	s11 =	stileid.u32  }
0x3: {  	s3 =	srdreg.scid;
	s2 =	simm.s32 $0x0;
	s6 =	smul.u32 $0xC350, s11  }
0x4: {  	s31 =	simm.s32 $0x3520;
	s3 =	sand.u32 $0x1, s3;
	s12 =	smul.u32 $0x18800, s11  }
0x5: {  	[smem:$0x7FF] =	sst s2;
	s7 =	sadd.s32 $0x19C00, s0;
	s4 =	smul.u32 $0x30D40, s3  }
0x6: {  	s8 =	sadd.s32 $0x1400, s0;
	s5 =	smul.u32 $0x31000, s3;
	s3 =	ssub.s32 $0x2, s3  }
0x7: {  	_ =	strace $0x80000047;
	s9 =	sshrl.u32 s3, $0x1;
	s26 =	sshrl.u32 s6, $0x3  }
0x8: {  	s6 =	sadd.s32 $0xC8, s6;
	s16 =	sshrl.u32 s12, $0x3;
	s4 =	sadd.s32 s4, s0  }
0x9: {  	s0 =	sadd.s32 s5, s0;
	s3 =	ssub.s32 s3, s9;
	s10 =	sadd.s32 s7, s26  }
0xa: {  	s5 =	sadd.s32 s8, s26;
	s13 =	sshrl.u32 s6, $0x3;
	s9 =	sadd.s32 s12, s1  }
0xb: {  	s26 =	smul.u32 $0x186A, s11;
	s12 =	simm.s32 $0x0;
	[dreg:$0x3] =	wrdreg s10  }
0xc: {  	[dreg:$0x4] =	wrdreg s5;
	s10 =	smul.u32 $0x62000, s11;
	s6 =	sadd.s32 $0x32400, s4  }
0xd: {  	s14 =	sadd.s32 s7, s13;
	s15 =	sadd.s32 s8, s13;
	s0 =	sadd.s32 $0x94000, s0  }
0xe: {  	s3 =	smax.u32 s3, $0x1;
	s4 =	simm.s32 $0x320;
	[dreg:$0x5] =	wrdreg s14  }
0xf: {  	s11 =	simm.s32 $0x2;
	[dreg:$0x6] =	wrdreg s15;
	s20 =	sshrl.u32 s10, $0x2  }
0x10: {  	[dreg:$0x7] =	wrdreg s3;
	s3 =	simm.s32 $0xC8;
	s10 =	sadd.s32 s20, s1  }
0x11: {  	s20 =	sadd.s32 s26, s8;
	s8 =	simm.s32 $0x1C20;
	s21 =	sadd.s32 $0x1880, s10  }
0x12: {  	s22 =	sadd.s32 $0x3100, s10;
	s23 =	sadd.s32 $0x4980, s10;
	[dreg:$0x8] =	wrdreg s21  }
0x13: {  	s24 =	sadd.s32 $0x6200, s10;
	s25 =	sadd.s32 $0x7A80, s10;
	[dreg:$0x9] =	wrdreg s22  }
0x14: {  	s5 =	sadd.s32 $0x9300, s10;
	s17 =	sadd.s32 $0xAB80, s10;
	[dreg:$0xa] =	wrdreg s23  }
0x15: {  	s18 =	sadd.s32 $0xC400, s10;
	s19 =	sadd.s32 $0xDC80, s10;
	[dreg:$0xb] =	wrdreg s24  }
0x16: {  	s28 =	sadd.s32 $0x13E80, s10;
	s29 =	sadd.s32 $0x15700, s10;
	[dreg:$0xc] =	wrdreg s25  }
0x17: {  	s30 =	sadd.s32 $0x16F80, s10;
	[dreg:$0xd] =	wrdreg s5;
	s21 =	sadd.s32 s26, s7  }
0x18: {  	s22 =	sadd.s32 $0xF500, s10;
	s23 =	sadd.s32 s16, s0;
	s24 =	sadd.s32 $0x10D80, s10  }
0x19: {  	s25 =	sshrl.u32 s9, $0x3;
	s26 =	sadd.s32 $0x12600, s10;
	s0 =	simm.s32 $0x3  }
0x1a: {  	v0 =	vimm.f32 $0.0e+00;
	s5 =	simm.s32 $0x190;
	s7 =	simm.s32 $0x258;
	s9 =	simm.s32 $0x1  }
.LBB2_1:
0x1b: {  	s13 =	simm.s32 $0x80;
	s14 =	simm.s32 $0x0  }
.LBB2_2:
0x1c: {  	p0 =	sne.s32 s13, $0x6180;
	[tilespmem:s14+$0x3520] =	vst v0;
	s15 =	smov.u32 s13;
	s13 =	sadd.s32 $0x80, s13  }
.Ltmp0:
0x1d: {  	[tilespmem:s14+$0x3530] =	vst v0;
	(pc) =	sbr.rel @p0 .LBB2_2-.Ltmp0, $2  }
0x1e: {  	_ =	sdelay $0x2  }
0x1f: {  	s14 =	sshra.s32 s15, $0x2  }
0x20: {  	[tilespmem:s14+$0x3520] =	vst v0  }
0x21: {  	[tilespmem:s14+$0x3530] =	vst v0  }
0x22: {  	[spmem:s10] =	stream.linear.scatter [tilespmem:s31], [sflag:$0x3], $0x1880, $0x38;
	[tilespmem:$0x1D5A0] =	vst v63  }
0x23: {  	_ =	swait.ge [sflag:s0], $0x1880  }
0x24: {  	[sflag:s0] =	ssyncset.done $0x0  }
0x25: {  	s13 =	rddreg [dreg:$0x8];
	[sflag:s0] =	ssyncadd.s32 $0xFFFFE780  }
0x26: {  	[spmem:s13] =	stream.linear.scatter [tilespmem:s31], [sflag:$0x3], $0x1880, $0x38;
	[tilespmem:$0x1D5A0] =	vst v63  }
0x27: {  	_ =	swait.ge [sflag:s0], $0x1880  }
0x28: {  	[sflag:s0] =	ssyncset.done $0x0  }
0x29: {  	s15 =	rddreg [dreg:$0x9];
	[sflag:s0] =	ssyncadd.s32 $0xFFFFE780  }
0x2a: {  	[spmem:s15] =	stream.linear.scatter [tilespmem:s31], [sflag:$0x3], $0x1880, $0x38;
	[tilespmem:$0x1D5A0] =	vst v63  }
0x2b: {  	_ =	swait.ge [sflag:s0], $0x1880  }
0x2c: {  	[sflag:s0] =	ssyncset.done $0x0  }
0x2d: {  	s16 =	rddreg [dreg:$0xa];
	[sflag:s0] =	ssyncadd.s32 $0xFFFFE780  }
0x2e: {  	[spmem:s16] =	stream.linear.scatter [tilespmem:s31], [sflag:$0x3], $0x1880, $0x38;
	[tilespmem:$0x1D5A0] =	vst v63  }
0x2f: {  	_ =	swait.ge [sflag:s0], $0x1880  }
0x30: {  	[sflag:s0] =	ssyncset.done $0x0  }
0x31: {  	s14 =	rddreg [dreg:$0xb];
	[sflag:s0] =	ssyncadd.s32 $0xFFFFE780  }
0x32: {  	[spmem:s14] =	stream.linear.scatter [tilespmem:s31], [sflag:$0x3], $0x1880, $0x38;
	[tilespmem:$0x1D5A0] =	vst v63  }
0x33: {  	_ =	swait.ge [sflag:s0], $0x1880  }
0x34: {  	[sflag:s0] =	ssyncset.done $0x0  }
0x35: {  	s15 =	rddreg [dreg:$0xc];
	[sflag:s0] =	ssyncadd.s32 $0xFFFFE780  }
0x36: {  	[spmem:s15] =	stream.linear.scatter [tilespmem:s31], [sflag:$0x3], $0x1880, $0x38;
	[tilespmem:$0x1D5A0] =	vst v63  }
0x37: {  	_ =	swait.ge [sflag:s0], $0x1880  }
0x38: {  	[sflag:s0] =	ssyncset.done $0x0  }
0x39: {  	s16 =	rddreg [dreg:$0xd];
	[sflag:s0] =	ssyncadd.s32 $0xFFFFE780  }
0x3a: {  	[spmem:s16] =	stream.linear.scatter [tilespmem:s31], [sflag:$0x3], $0x1880, $0x38;
	[tilespmem:$0x1D5A0] =	vst v63  }
0x3b: {  	_ =	swait.ge [sflag:s0], $0x1880  }
0x3c: {  	[sflag:s0] =	ssyncset.done $0x0  }
0x3d: {  	[sflag:s0] =	ssyncadd.s32 $0xFFFFE780  }
0x3e: {  	[spmem:s17] =	stream.linear.scatter [tilespmem:s31], [sflag:$0x3], $0x1880, $0x38;
	[tilespmem:$0x1D5A0] =	vst v63  }
0x3f: {  	_ =	swait.ge [sflag:s0], $0x1880  }
0x40: {  	[sflag:s0] =	ssyncset.done $0x0  }
0x41: {  	[sflag:s0] =	ssyncadd.s32 $0xFFFFE780  }
0x42: {  	[spmem:s18] =	stream.linear.scatter [tilespmem:s31], [sflag:$0x3], $0x1880, $0x38;
	[tilespmem:$0x1D5A0] =	vst v63  }
0x43: {  	_ =	swait.ge [sflag:s0], $0x1880  }
0x44: {  	[sflag:s0] =	ssyncset.done $0x0  }
0x45: {  	[sflag:s0] =	ssyncadd.s32 $0xFFFFE780  }
0x46: {  	[spmem:s19] =	stream.linear.scatter [tilespmem:s31], [sflag:$0x3], $0x1880, $0x38;
	[tilespmem:$0x1D5A0] =	vst v63  }
0x47: {  	_ =	swait.ge [sflag:s0], $0x1880  }
0x48: {  	[sflag:s0] =	ssyncset.done $0x0  }
0x49: {  	[sflag:s0] =	ssyncadd.s32 $0xFFFFE780  }
0x4a: {  	[spmem:s22] =	stream.linear.scatter [tilespmem:s31], [sflag:$0x3], $0x1880, $0x38;
	[tilespmem:$0x1D5A0] =	vst v63  }
0x4b: {  	_ =	swait.ge [sflag:s0], $0x1880  }
0x4c: {  	[sflag:s0] =	ssyncset.done $0x0  }
0x4d: {  	[sflag:s0] =	ssyncadd.s32 $0xFFFFE780  }
0x4e: {  	[spmem:s24] =	stream.linear.scatter [tilespmem:s31], [sflag:$0x3], $0x1880, $0x38;
	[tilespmem:$0x1D5A0] =	vst v63  }
0x4f: {  	_ =	swait.ge [sflag:s0], $0x1880  }
0x50: {  	[sflag:s0] =	ssyncset.done $0x0  }
0x51: {  	[sflag:s0] =	ssyncadd.s32 $0xFFFFE780  }
0x52: {  	[spmem:s26] =	stream.linear.scatter [tilespmem:s31], [sflag:$0x3], $0x1880, $0x38;
	[tilespmem:$0x1D5A0] =	vst v63  }
0x53: {  	_ =	swait.ge [sflag:s0], $0x1880  }
0x54: {  	[sflag:s0] =	ssyncset.done $0x0  }
0x55: {  	[sflag:s0] =	ssyncadd.s32 $0xFFFFE780  }
0x56: {  	[spmem:s28] =	stream.linear.scatter [tilespmem:s31], [sflag:$0x3], $0x1880, $0x38;
	[tilespmem:$0x1D5A0] =	vst v63  }
0x57: {  	_ =	swait.ge [sflag:s0], $0x1880  }
0x58: {  	[sflag:s0] =	ssyncset.done $0x0  }
0x59: {  	[sflag:s0] =	ssyncadd.s32 $0xFFFFE780  }
0x5a: {  	[spmem:s29] =	stream.linear.scatter [tilespmem:s31], [sflag:$0x3], $0x1880, $0x38;
	[tilespmem:$0x1D5A0] =	vst v63  }
0x5b: {  	_ =	swait.ge [sflag:s0], $0x1880  }
0x5c: {  	[sflag:s0] =	ssyncset.done $0x0  }
0x5d: {  	[sflag:s0] =	ssyncadd.s32 $0xFFFFE780  }
0x5e: {  	[spmem:s30] =	stream.linear.scatter [tilespmem:s31], [sflag:$0x3], $0x1880, $0x38;
	[tilespmem:$0x1D5A0] =	vst v63  }
0x5f: {  	_ =	swait.ge [sflag:s0], $0x1880  }
0x60: {  	[sflag:s0] =	ssyncset.done $0x0  }
0x61: {  	[sflag:s0] =	ssyncadd.s32 $0xFFFFE780  }
0x62: {  	[bflag:$0x0] =	sbarrier.arrive $0xFFFF  }
0x63: {  	s14 =	rddreg [dreg:$0x3]  }
0x64: {  	[tilespmem:s2], [sflag:$0x3] =	stream.linear.gather [hbm4b:s14+s2], $0xC8, $0x38;
	[tilespmem:$0x1D5A0] =	vst v63  }
0x65: {  	_ =	swait.ge [sflag:s0], $0xC8  }
0x66: {  	[sflag:s0] =	ssyncset.done $0x0  }
0x67: {  	s15 =	rddreg [dreg:$0x4];
	[sflag:s0] =	ssyncadd.s32 $0xFFFFFF38  }
0x68: {  	[tilespmem:s3], [sflag:$0x3] =	stream.linear.gather [hbm4b:s15+s2], $0xC8, $0x38;
	[tilespmem:$0x1D5A0] =	vst v63  }
0x69: {  	_ =	swait.ge [sflag:s0], $0xC8  }
0x6a: {  	[sflag:s0] =	ssyncset.done $0x0  }
0x6b: {  	[sflag:s0] =	ssyncadd.s32 $0xFFFFFF38  }
0x6c: {  	[tilespmem:s4], [sflag:$0x1] =	stream.indirect.gather [hbm4b:s6+s3], $0x20, s2, s3, $0xb8;
	[tilespmem:$0x1D5A0] =	vst v63  }
0x6d: {  	s16 =	rddreg [dreg:$0x5]  }
0x6e: {  	[tilespmem:s5], [sflag:$0x3] =	stream.linear.gather [hbm4b:s16+s2], $0xC8, $0x38;
	[tilespmem:$0x1D5A0] =	vst v63  }
0x6f: {  	_ =	swait.ge [sflag:s0], $0xC8  }
0x70: {  	[sflag:s0] =	ssyncset.done $0x0  }
0x71: {  	s14 =	rddreg [dreg:$0x6];
	[sflag:s0] =	ssyncadd.s32 $0xFFFFFF38  }
0x72: {  	[tilespmem:s7], [sflag:$0x3] =	stream.linear.gather [hbm4b:s14+s2], $0xC8, $0x38;
	[tilespmem:$0x1D5A0] =	vst v63  }
0x73: {  	_ =	swait.ge [sflag:s0], $0xC8  }
0x74: {  	[sflag:s0] =	ssyncset.done $0x0  }
0x75: {  	[sflag:s0] =	ssyncadd.s32 $0xFFFFFF38  }
0x76: {  	[tilespmem:s8], [sflag:$0x2] =	stream.indirect.gather [hbm4b:s6+s3], $0x20, s5, s3, $0xb8;
	[tilespmem:$0x1D5A0] =	vst v63  }
0x77: {  	_ =	swait.ge [sflag:s9], $0x1900  }
0x78: {  	[sflag:s9] =	ssyncset.done $0x0  }
0x79: {  	[sflag:s9] =	ssyncadd.s32 $0xFFFFE700  }
0x7a: {  	[spmem:s1] =	stream.indirect.scatter.add.f32 [tilespmem:s4], [sflag:$0x3], $0x20, s3, s3, $0xb8;
	[tilespmem:$0x1D5A0] =	vst v63  }
0x7b: {  	_ =	swait.ge [sflag:s0], $0x1900  }
0x7c: {  	s13 =	sadd.s32 $0xFFFFE7C8, s21;
	[sflag:s0] =	ssyncset.done $0x0  }
0x7d: {  	s15 =	sadd.s32 $0x186A, s13;
	[sflag:s0] =	ssyncadd.s32 $0xFFFFE700  }
0x7e: {  	[tilespmem:s2], [sflag:$0x3] =	stream.linear.gather [hbm4b:s15+s2], $0xC8, $0x38;
	[tilespmem:$0x1D5A0] =	vst v63  }
0x7f: {  	_ =	swait.ge [sflag:s0], $0xC8  }
0x80: {  	s16 =	sadd.s32 $0xFFFFE7C8, s20;
	[sflag:s0] =	ssyncset.done $0x0  }
0x81: {  	s15 =	sadd.s32 $0x186A, s16;
	[sflag:s0] =	ssyncadd.s32 $0xFFFFFF38  }
0x82: {  	[tilespmem:s3], [sflag:$0x3] =	stream.linear.gather [hbm4b:s15+s2], $0xC8, $0x38;
	[tilespmem:$0x1D5A0] =	vst v63  }
0x83: {  	_ =	swait.ge [sflag:s0], $0xC8  }
0x84: {  	[sflag:s0] =	ssyncset.done $0x0  }
0x85: {  	[sflag:s0] =	ssyncadd.s32 $0xFFFFFF38  }
0x86: {  	[tilespmem:s4], [sflag:$0x1] =	stream.indirect.gather [hbm4b:s6+s3], $0x20, s2, s3, $0xb8;
	[tilespmem:$0x1D5A0] =	vst v63  }
0x87: {  	_ =	swait.ge [sflag:s11], $0x1900  }
0x88: {  	[sflag:s11] =	ssyncset.done $0x0  }
0x89: {  	[sflag:s11] =	ssyncadd.s32 $0xFFFFE700  }
0x8a: {  	[spmem:s1] =	stream.indirect.scatter.add.f32 [tilespmem:s8], [sflag:$0x3], $0x20, s7, s3, $0xb8;
	[tilespmem:$0x1D5A0] =	vst v63  }
0x8b: {  	_ =	swait.ge [sflag:s0], $0x1900  }
0x8c: {  	[sflag:s0] =	ssyncset.done $0x0  }
0x8d: {  	s13 =	sadd.s32 $0x1883, s13;
	[sflag:s0] =	ssyncadd.s32 $0xFFFFE700  }
0x8e: {  	[tilespmem:s5], [sflag:$0x3] =	stream.linear.gather [hbm4b:s13+s2], $0xC8, $0x38;
	[tilespmem:$0x1D5A0] =	vst v63  }
0x8f: {  	_ =	swait.ge [sflag:s0], $0xC8  }
0x90: {  	[sflag:s0] =	ssyncset.done $0x0  }
0x91: {  	s16 =	sadd.s32 $0x1883, s16;
	[sflag:s0] =	ssyncadd.s32 $0xFFFFFF38  }
0x92: {  	[tilespmem:s7], [sflag:$0x3] =	stream.linear.gather [hbm4b:s16+s2], $0xC8, $0x38;
	[tilespmem:$0x1D5A0] =	vst v63  }
0x93: {  	_ =	swait.ge [sflag:s0], $0xC8  }
0x94: {  	[sflag:s0] =	ssyncset.done $0x0  }
0x95: {  	s13 =	simm.s32 $0xFFFFE7FA;
	[sflag:s0] =	ssyncadd.s32 $0xFFFFFF38  }
.LBB2_4:
0x96: {  	[tilespmem:s8], [sflag:$0x2] =	stream.indirect.gather [hbm4b:s6+s3], $0x20, s5, s3, $0xb8;
	[tilespmem:$0x1D5A0] =	vst v63  }
0x97: {  	s14 =	smov.u32 s13  }
0x98: {  	p0 =	sne.s32 s13, $0xFFFFFFCE;
	s13 =	sadd.s32 $0x32, s13;
	_ =	swait.ge [sflag:s9], $0x1900  }
0x99: {  	[sflag:s9] =	ssyncset.done $0x0  }
0x9a: {  	[sflag:s9] =	ssyncadd.s32 $0xFFFFE700  }
0x9b: {  	[spmem:s1] =	stream.indirect.scatter.add.f32 [tilespmem:s4], [sflag:$0x3], $0x20, s3, s3, $0xb8;
	[tilespmem:$0x1D5A0] =	vst v63  }
0x9c: {  	_ =	swait.ge [sflag:s0], $0x1900  }
0x9d: {  	s15 =	sadd.s32 s14, s21;
	[sflag:s0] =	ssyncset.done $0x0  }
0x9e: {  	s16 =	sadd.s32 $0x186A, s15;
	[sflag:s0] =	ssyncadd.s32 $0xFFFFE700  }
0x9f: {  	[tilespmem:s2], [sflag:$0x3] =	stream.linear.gather [hbm4b:s16+s2], $0xC8, $0x38;
	[tilespmem:$0x1D5A0] =	vst v63  }
0xa0: {  	_ =	swait.ge [sflag:s0], $0xC8  }
0xa1: {  	s14 =	sadd.s32 s14, s20;
	[sflag:s0] =	ssyncset.done $0x0  }
0xa2: {  	s16 =	sadd.s32 $0x186A, s14;
	[sflag:s0] =	ssyncadd.s32 $0xFFFFFF38  }
0xa3: {  	[tilespmem:s3], [sflag:$0x3] =	stream.linear.gather [hbm4b:s16+s2], $0xC8, $0x38;
	[tilespmem:$0x1D5A0] =	vst v63  }
0xa4: {  	_ =	swait.ge [sflag:s0], $0xC8  }
0xa5: {  	[sflag:s0] =	ssyncset.done $0x0  }
0xa6: {  	[sflag:s0] =	ssyncadd.s32 $0xFFFFFF38  }
0xa7: {  	[tilespmem:s4], [sflag:$0x1] =	stream.indirect.gather [hbm4b:s6+s3], $0x20, s2, s3, $0xb8;
	[tilespmem:$0x1D5A0] =	vst v63  }
0xa8: {  	_ =	swait.ge [sflag:s11], $0x1900  }
0xa9: {  	[sflag:s11] =	ssyncset.done $0x0  }
0xaa: {  	[sflag:s11] =	ssyncadd.s32 $0xFFFFE700  }
0xab: {  	[spmem:s1] =	stream.indirect.scatter.add.f32 [tilespmem:s8], [sflag:$0x3], $0x20, s7, s3, $0xb8;
	[tilespmem:$0x1D5A0] =	vst v63  }
0xac: {  	_ =	swait.ge [sflag:s0], $0x1900  }
0xad: {  	[sflag:s0] =	ssyncset.done $0x0  }
0xae: {  	s15 =	sadd.s32 $0x1883, s15;
	[sflag:s0] =	ssyncadd.s32 $0xFFFFE700  }
0xaf: {  	[tilespmem:s5], [sflag:$0x3] =	stream.linear.gather [hbm4b:s15+s2], $0xC8, $0x38;
	[tilespmem:$0x1D5A0] =	vst v63  }
0xb0: {  	_ =	swait.ge [sflag:s0], $0xC8  }
0xb1: {  	[sflag:s0] =	ssyncset.done $0x0  }
.Ltmp1:
0xb2: {  	s14 =	sadd.s32 $0x1883, s14;
	[sflag:s0] =	ssyncadd.s32 $0xFFFFFF38;
	(pc) =	sbr.rel @p0 .LBB2_4-.Ltmp1, $4  }
0xb3: {  	[tilespmem:s7], [sflag:$0x3] =	stream.linear.gather [hbm4b:s14+s2], $0xC8, $0x38;
	[tilespmem:$0x1D5A0] =	vst v63  }
0xb4: {  	_ =	swait.ge [sflag:s0], $0xC8  }
0xb5: {  	[sflag:s0] =	ssyncset.done $0x0  }
0xb6: {  	[sflag:s0] =	ssyncadd.s32 $0xFFFFFF38  }
0xb7: {  	[tilespmem:s8], [sflag:$0x2] =	stream.indirect.gather [hbm4b:s6+s3], $0x20, s5, s3, $0xb8;
	[tilespmem:$0x1D5A0] =	vst v63  }
0xb8: {  	_ =	swait.ge [sflag:s9], $0x1900  }
0xb9: {  	[sflag:s9] =	ssyncset.done $0x0  }
0xba: {  	[sflag:s9] =	ssyncadd.s32 $0xFFFFE700  }
0xbb: {  	[spmem:s1] =	stream.indirect.scatter.add.f32 [tilespmem:s4], [sflag:$0x3], $0x20, s3, s3, $0xb8;
	[tilespmem:$0x1D5A0] =	vst v63  }
0xbc: {  	_ =	swait.ge [sflag:s0], $0x1900  }
0xbd: {  	[sflag:s0] =	ssyncset.done $0x0  }
0xbe: {  	[sflag:s0] =	ssyncadd.s32 $0xFFFFE700  }
0xbf: {  	_ =	swait.ge [sflag:s11], $0x1900  }
0xc0: {  	[sflag:s11] =	ssyncset.done $0x0  }
0xc1: {  	[sflag:s11] =	ssyncadd.s32 $0xFFFFE700  }
0xc2: {  	[spmem:s1] =	stream.indirect.scatter.add.f32 [tilespmem:s8], [sflag:$0x3], $0x20, s7, s3, $0xb8;
	[tilespmem:$0x1D5A0] =	vst v63  }
0xc3: {  	_ =	swait.ge [sflag:s0], $0x1900  }
0xc4: {  	s13 =	stileid.u32;
	[sflag:s0] =	ssyncset.done $0x0  }
0xc5: {  	s13 =	sshll.u32 s13, $0x6;
	[sflag:s0] =	ssyncadd.s32 $0xFFFFE700  }
0xc6: {  	s13 =	sor.u32 $0x1C03, s13;
	[bflag:$0x0] =	sbarrier.arrive $0xFFFF  }
0xc7: {  	[hbm:s23], [sflag:s13] =	dma.local [spmem:s25], $0x3100  }
0xc8: {  	_ =	swait.ge [sflag:s0], $0x3100  }
0xc9: {  	s12 =	sadd.s32 $0x1, s12;
	s16 =	rddreg [dreg:$0x7]  }
0xca: {  	p0 =	sne.s32 s12, s16  }
.Ltmp2:
0xcb: {  	_ = 	snop;
	(pc) =	sbr.rel @p0 .LBB2_1-.Ltmp2, $3  }
0xcc: {  	_ =	sdelay $0x1  }
0xcd: {  	[sflag:s0] =	ssyncset.done $0x0  }
0xce: {  	[sflag:s0] =	ssyncadd.s32 $0xFFFFCF00  }
0xcf: {  	_ =	sfence.sel $0x180000  }
0xd0: {  	[bflag:$0x0] =	sbarrier.arrive $0xFFFF  }
0xd1: {  	_ =	strace $0x90000047  }
0xd2: {  	s0 =	stileid.u32;
	[bflag:$0x2] =	sbarrier.arrive $0xFFFF  }
0xd3: {  	p0 =	sne.s32 s0, $0x0;
	s0 =	rddreg [dreg:$0x2]  }
0xd4: {  	s0 =	sadd.s32 @!p0 $0x100000, s0  }
0xd5: {  	[sflag:s0] =	ssyncadd.tile.s32 @!p0 $0x1;
	_ =	shalt  }
.Lfunc_end2:
_tile_overlayer_lowered:
.L_overlay_start_2:
0xd6: {  	(tag) =	ssettag $0x2  }
0xd7: {  	s0 =	rddreg [dreg:$0x0];
	s2 =	stileid.u32  }
0xd8: {  	s1 =	rddreg [dreg:$0x1];
	p0 =	sne.s32 s2, $0x0  }
0xd9: {  	s3 =	rddreg [dreg:$0x2];
	[bflag:$0x3] =	sbarrier.arrive $0xFFFF;
	s2 =	simm.s32 @!p0 $0x1C03  }
0xda: {  	[timem:s3], [sflag:s2] =	dma.local @!p0 [hbm:s0], s1  }
0xdb: {  	s0 =	simm.s32 @!p0 $0x3  }
0xdc: {  	_ =	swait.ge @!p0 [sflag:s0], s1  }
0xdd: {  	s1 =	ssub.s32 @!p0 $0x0, s1;
	[sflag:s0] =	ssyncset.done @!p0 $0x0  }
0xde: {  	[sflag:s0] =	ssyncadd.s32 @!p0 s1  }
0xdf: {  	[bflag:$0x3] =	sbarrier.arrive $0xFFFF  }
0xe0: {  	_ =	shalt  }

</sc_bundles>
